<compile_context>
chip_gen: v7x
topology: tpu7x:2x2x1
jax: 0.10.2.dev20260603
libtpu: 0.0.44.dev20260713+nightly
codegen_flags: <defaults>
</compile_context>

<pallas_src>
import functools

import jax
import jax.numpy as jnp
from jax import lax
from jax.experimental import pallas as pl
from jax.experimental.pallas import tpu as pltpu
from jax.experimental.pallas import tpu_sc as plsc

_D = 64
_B0 = 4096
_T = 200
_BW = 128
_info = plsc.get_sparse_core_info()
_NC = _info.num_cores
_NS = _info.num_subcores
_NW = _NC * _NS
_NBUF = 4
_NGRP = _T // _NBUF
assert _B0 // _BW == _NW and _T % _NBUF == 0

_mesh = plsc.VectorSubcoreMesh(core_axis_name="c", subcore_axis_name="s")


@functools.partial(
    pl.kernel,
    mesh=_mesh,
    out_type=jax.ShapeDtypeStruct((_T, _D // 8, _B0 // _BW, 8 * _BW),
                                  jnp.float32),
    scratch_types=(
        [pltpu.VMEM((_T, _BW), jnp.int32)]
        + [pltpu.VMEM((_BW, _D), jnp.float32) for _ in range(_NBUF)]
        + [pltpu.VMEM((_D // 8, 8 * _BW), jnp.float32) for _ in range(_NBUF)]
        + [pltpu.SemaphoreType.DMA for _ in range(2 * _NBUF)]
    ),
    compiler_params=pltpu.CompilerParams(use_tc_tiling_on_sc=False,
                                         needs_layout_passes=False),
)
def _gather(table_hbm, idxT_hbm, out_hbm, idx_v, *scratch):
    G = scratch[:_NBUF]
    V = scratch[_NBUF:2 * _NBUF]
    gsems = scratch[2 * _NBUF:3 * _NBUF]
    ssems = scratch[3 * _NBUF:]
    w = lax.axis_index("s") * _NC + lax.axis_index("c")
    pltpu.sync_copy(idxT_hbm.at[:, pl.ds(w * _BW, _BW)], idx_v)
    iota = lax.iota(jnp.int32, 16)

    def fire_gather(t, b):
        pltpu.async_copy(table_hbm.at[idx_v.at[t]], G[b], gsems[b])

    def drain_gather(b):
        pltpu.make_async_copy(table_hbm.at[pl.ds(0, _BW)], G[b],
                              gsems[b]).wait()

    def fire_store(t, b):
        pltpu.async_copy(V[b], out_hbm.at[t, :, w], ssems[b])

    def drain_store(b):
        pltpu.make_async_copy(V[b], out_hbm.at[0, :, w], ssems[b]).wait()

    def transpose(b):
        @plsc.parallel_loop(0, (_BW // 16) * (_D // 16), unroll=2)
        def tbody(tau):
            bl0 = (tau >> 2) * 16
            d0 = (tau & 3) * 16
            blv = bl0 + iota
            for j in range(16):
                rot = (iota + j) & 15
                d = rot + d0
                vec = plsc.load_gather(G[b], [blv, d])
                plsc.store_scatter(V[b], [d >> 3, ((d & 7) << 7) + blv], vec)

    for b in range(_NBUF):
        fire_gather(b, b)

    def body(i, carry):
        for b in range(_NBUF):
            t = i * _NBUF + b
            drain_gather(b)

            @pl.when(i > 0)
            def _ds():
                drain_store(b)

            transpose(b)

            @pl.when(i < _NGRP - 1)
            def _fg():
                fire_gather(t + _NBUF, b)

            fire_store(t, b)
        return carry

    lax.fori_loop(0, _NGRP, body, 0)
    for b in range(_NBUF):
        drain_store(b)


def kernel(edge_type, table):
    idxT = edge_type.astype(jnp.int32).T
    out4 = _gather(table, idxT)
    out5 = out4.reshape(_T, _D // 8, _B0 // _BW, 8, _BW)
    return out5.transpose(2, 4, 0, 1, 3).reshape(_B0, _T, _D)

# --- scband reference (transcript-rebuilt; emitter-appended) ---
"""Pipeline reference for scband-positional-encoding-learnable-25769804019 (READ-ONLY COPY).

The authoritative reference and input builder live on the scoring server;
editing this copy changes nothing except your own understanding.
"""

import jax, jax.numpy as jnp
import numpy as np

MAX_LEN = 100000
D_MODEL = 64

def setup_inputs(seed: int = 0) -> dict:
    key = jax.random.key(seed)
    k_idx, k_tab = jax.random.split(key)
    edge_type = jax.random.randint(k_idx, (4096, 200), 0, MAX_LEN, dtype=jnp.int64 if jax.config.jax_enable_x64 else jnp.int32)
    table = jax.random.normal(k_tab, (MAX_LEN, D_MODEL), dtype=jnp.float32)
    return {"edge_type": edge_type, "table": table}

def reference(edge_type, table):
    # nn.Embedding forward: row gather from the learnable table
    return jnp.take(table, edge_type, axis=0)

if __name__ == "__main__":
    import jax
    _d = setup_inputs()
    print(jax.jit(kernel)(*tuple(_d.values())))

</pallas_src>

<mosaic_0001>
#map = affine_map<(d0, d1) -> (0, 0)>
#map1 = affine_map<(d0, d1) -> (0, 0, 0, 0)>
module attributes {stable_mosaic.version = 14 : i64} {
  func.func @_gather(%arg0: i32, %arg1: i32, %arg2: memref<100000x64xf32, #tpu.memory_space<hbm>>, %arg3: memref<200x4096xi32, #tpu.memory_space<hbm>>, %arg4: memref<200x8x32x1024xf32, #tpu.memory_space<hbm>>, %arg5: memref<200x128xi32, #tpu.memory_space<vmem>>, %arg6: memref<128x64xf32, #tpu.memory_space<vmem>>, %arg7: memref<128x64xf32, #tpu.memory_space<vmem>>, %arg8: memref<128x64xf32, #tpu.memory_space<vmem>>, %arg9: memref<128x64xf32, #tpu.memory_space<vmem>>, %arg10: memref<8x1024xf32, #tpu.memory_space<vmem>>, %arg11: memref<8x1024xf32, #tpu.memory_space<vmem>>, %arg12: memref<8x1024xf32, #tpu.memory_space<vmem>>, %arg13: memref<8x1024xf32, #tpu.memory_space<vmem>>, %arg14: memref<!tpu.dma_semaphore, #tpu.memory_space<semaphore_mem>>, %arg15: memref<!tpu.dma_semaphore, #tpu.memory_space<semaphore_mem>>, %arg16: memref<!tpu.dma_semaphore, #tpu.memory_space<semaphore_mem>>, %arg17: memref<!tpu.dma_semaphore, #tpu.memory_space<semaphore_mem>>, %arg18: memref<!tpu.dma_semaphore, #tpu.memory_space<semaphore_mem>>, %arg19: memref<!tpu.dma_semaphore, #tpu.memory_space<semaphore_mem>>, %arg20: memref<!tpu.dma_semaphore, #tpu.memory_space<semaphore_mem>>, %arg21: memref<!tpu.dma_semaphore, #tpu.memory_space<semaphore_mem>>) attributes {dimension_semantics = [#tpu.dimension_semantics<core_parallel>, #tpu.dimension_semantics<subcore_parallel>], iteration_bounds = array<i64: 2, 16>, scalar_prefetch = 0 : i64, scratch_operands = 17 : i64, tpu.core_type = #tpu.core_type<sc_vector_subcore>, window_params = [{transform_indices = #map}, {transform_indices = #map}, {transform_indices = #map1}]} {
    %mul3A = arith.constant 2 : i32
    %mul3A_0 = arith.muli %arg1, %mul3A : i32
    %add3A = arith.addi %mul3A_0, %arg0 : i32
    %mul3A_1 = arith.constant 128 : i32
    %mul3A_2 = arith.muli %add3A, %mul3A_1 : i32
    "tpu.region"() ({
      %run_scoped3A = tpu.sem_alloc : memref<!tpu.dma_semaphore, #tpu.memory_space<semaphore_mem>>
      %dma_start3A_70 = arith.constant 0 : i32
      %dma_start3A_71 = tpu.memref_slice %arg3[%dma_start3A_70, %mul3A_2] : memref<200x4096xi32, #tpu.memory_space<hbm>> -> memref<200x128xi32, #tpu.memory_space<hbm>>
      %dma_start3A_72 = arith.constant 0 : i32
      %dma_start3A_73 = tpu.memref_slice %arg3[%dma_start3A_72, %mul3A_2] : memref<200x4096xi32, #tpu.memory_space<hbm>> -> memref<200x128xi32, #tpu.memory_space<hbm>>
      tpu.enqueue_dma source(%dma_start3A_73 : memref<200x128xi32, #tpu.memory_space<hbm>>) target(%arg5 : memref<200x128xi32, #tpu.memory_space<vmem>>) target_semaphore(%run_scoped3A : memref<!tpu.dma_semaphore, #tpu.memory_space<semaphore_mem>>)
      %dma_wait3A_74 = arith.constant 0 : i32
      %dma_wait3A_75 = tpu.memref_slice %arg3[%dma_wait3A_74, %mul3A_2] : memref<200x4096xi32, #tpu.memory_space<hbm>> -> memref<200x128xi32, #tpu.memory_space<hbm>>
      %dma_wait3A_76 = arith.constant 0 : i32
      %dma_wait3A_77 = tpu.memref_slice %arg3[%dma_wait3A_76, %mul3A_2] : memref<200x4096xi32, #tpu.memory_space<hbm>> -> memref<200x128xi32, #tpu.memory_space<hbm>>
      tpu.wait_dma2 semaphore(%run_scoped3A : memref<!tpu.dma_semaphore, #tpu.memory_space<semaphore_mem>>) src(%dma_wait3A_77 : memref<200x128xi32, #tpu.memory_space<hbm>>) dst(%arg5 : memref<200x128xi32, #tpu.memory_space<vmem>>)
      tpu.yield
    }) : () -> ()
    %iota3A = tpu.iota {dimensions = array<i32: 0>} : vector<16xi32>
    %dma_start3A = arith.constant 0 : i32
    %dma_start3A_3 = arith.constant 0 : i32
    %dma_start3A_4 = tpu.memref_slice %arg5[%dma_start3A, %dma_start3A_3] : memref<200x128xi32, #tpu.memory_space<vmem>> -> memref<1x128xi32, #tpu.memory_space<vmem>>
    %dma_start3A_5 = tpu.memref_squeeze %dma_start3A_4 : memref<1x128xi32, #tpu.memory_space<vmem>> -> memref<128xi32, #tpu.memory_space<vmem>>
    %dma_start3A_6 = arith.constant 0 : i32
    %dma_start3A_7 = arith.constant 0 : i32
    %dma_start3A_8 = tpu.memref_slice %arg2[%dma_start3A_6, %dma_start3A_7] : memref<100000x64xf32, #tpu.memory_space<hbm>> -> memref<100000x64xf32, #tpu.memory_space<hbm>>
    tpu.enqueue_indirect_dma source(%dma_start3A_8 : memref<100000x64xf32, #tpu.memory_space<hbm>>) target(%arg6 : memref<128x64xf32, #tpu.memory_space<vmem>>) offsets(%dma_start3A_5 : memref<128xi32, #tpu.memory_space<vmem>>) semaphore(%arg14 : memref<!tpu.dma_semaphore, #tpu.memory_space<semaphore_mem>>)
    %dma_start3A_9 = arith.constant 1 : i32
    %dma_start3A_10 = arith.constant 0 : i32
    %dma_start3A_11 = tpu.memref_slice %arg5[%dma_start3A_9, %dma_start3A_10] : memref<200x128xi32, #tpu.memory_space<vmem>> -> memref<1x128xi32, #tpu.memory_space<vmem>>
    %dma_start3A_12 = tpu.memref_squeeze %dma_start3A_11 : memref<1x128xi32, #tpu.memory_space<vmem>> -> memref<128xi32, #tpu.memory_space<vmem>>
    %dma_start3A_13 = arith.constant 0 : i32
    %dma_start3A_14 = arith.constant 0 : i32
    %dma_start3A_15 = tpu.memref_slice %arg2[%dma_start3A_13, %dma_start3A_14] : memref<100000x64xf32, #tpu.memory_space<hbm>> -> memref<100000x64xf32, #tpu.memory_space<hbm>>
    tpu.enqueue_indirect_dma source(%dma_start3A_15 : memref<100000x64xf32, #tpu.memory_space<hbm>>) target(%arg7 : memref<128x64xf32, #tpu.memory_space<vmem>>) offsets(%dma_start3A_12 : memref<128xi32, #tpu.memory_space<vmem>>) semaphore(%arg15 : memref<!tpu.dma_semaphore, #tpu.memory_space<semaphore_mem>>)
    %dma_start3A_16 = arith.constant 2 : i32
    %dma_start3A_17 = arith.constant 0 : i32
    %dma_start3A_18 = tpu.memref_slice %arg5[%dma_start3A_16, %dma_start3A_17] : memref<200x128xi32, #tpu.memory_space<vmem>> -> memref<1x128xi32, #tpu.memory_space<vmem>>
    %dma_start3A_19 = tpu.memref_squeeze %dma_start3A_18 : memref<1x128xi32, #tpu.memory_space<vmem>> -> memref<128xi32, #tpu.memory_space<vmem>>
    %dma_start3A_20 = arith.constant 0 : i32
    %dma_start3A_21 = arith.constant 0 : i32
    %dma_start3A_22 = tpu.memref_slice %arg2[%dma_start3A_20, %dma_start3A_21] : memref<100000x64xf32, #tpu.memory_space<hbm>> -> memref<100000x64xf32, #tpu.memory_space<hbm>>
    tpu.enqueue_indirect_dma source(%dma_start3A_22 : memref<100000x64xf32, #tpu.memory_space<hbm>>) target(%arg8 : memref<128x64xf32, #tpu.memory_space<vmem>>) offsets(%dma_start3A_19 : memref<128xi32, #tpu.memory_space<vmem>>) semaphore(%arg16 : memref<!tpu.dma_semaphore, #tpu.memory_space<semaphore_mem>>)
    %dma_start3A_23 = arith.constant 3 : i32
    %dma_start3A_24 = arith.constant 0 : i32
    %dma_start3A_25 = tpu.memref_slice %arg5[%dma_start3A_23, %dma_start3A_24] : memref<200x128xi32, #tpu.memory_space<vmem>> -> memref<1x128xi32, #tpu.memory_space<vmem>>
    %dma_start3A_26 = tpu.memref_squeeze %dma_start3A_25 : memref<1x128xi32, #tpu.memory_space<vmem>> -> memref<128xi32, #tpu.memory_space<vmem>>
    %dma_start3A_27 = arith.constant 0 : i32
    %dma_start3A_28 = arith.constant 0 : i32
    %dma_start3A_29 = tpu.memref_slice %arg2[%dma_start3A_27, %dma_start3A_28] : memref<100000x64xf32, #tpu.memory_space<hbm>> -> memref<100000x64xf32, #tpu.memory_space<hbm>>
    tpu.enqueue_indirect_dma source(%dma_start3A_29 : memref<100000x64xf32, #tpu.memory_space<hbm>>) target(%arg9 : memref<128x64xf32, #tpu.memory_space<vmem>>) offsets(%dma_start3A_26 : memref<128xi32, #tpu.memory_space<vmem>>) semaphore(%arg17 : memref<!tpu.dma_semaphore, #tpu.memory_space<semaphore_mem>>)
    %scan3A = arith.constant 0 : i32
    %scan3A_30 = arith.constant 0 : i32
    %scan3A_31 = arith.constant 50 : i32
    %scan3A_32 = arith.addi %scan3A_30, %scan3A_31 : i32
    %scan3A_33 = arith.constant 1 : i32
    scf.for %scan3A_70 = %scan3A_30 to %scan3A_32 step %scan3A_33  : i32 {
      %mul3A_71 = arith.constant 4 : i32
      %mul3A_72 = arith.muli %scan3A_70, %mul3A_71 : i32
      %add3A_73 = arith.constant 0 : i32
      %add3A_74 = arith.addi %mul3A_72, %add3A_73 : i32
      %dma_wait3A_75 = arith.constant 0 : i32
      %dma_wait3A_76 = arith.constant 0 : i32
      %dma_wait3A_77 = tpu.memref_slice %arg2[%dma_wait3A_75, %dma_wait3A_76] : memref<100000x64xf32, #tpu.memory_space<hbm>> -> memref<128x64xf32, #tpu.memory_space<hbm>>
      %dma_wait3A_78 = arith.constant 0 : i32
      %dma_wait3A_79 = arith.constant 0 : i32
      %dma_wait3A_80 = tpu.memref_slice %arg2[%dma_wait3A_78, %dma_wait3A_79] : memref<100000x64xf32, #tpu.memory_space<hbm>> -> memref<128x64xf32, #tpu.memory_space<hbm>>
      tpu.wait_dma2 semaphore(%arg14 : memref<!tpu.dma_semaphore, #tpu.memory_space<semaphore_mem>>) src(%dma_wait3A_80 : memref<128x64xf32, #tpu.memory_space<hbm>>) dst(%arg6 : memref<128x64xf32, #tpu.memory_space<vmem>>)
      %gt3A = arith.constant 0 : i32
      %gt3A_81 = arith.cmpi sgt, %scan3A_70, %gt3A : i32
      %convert_element_type3A = arith.extui %gt3A_81 : i1 to i32
      %cond3A = arith.constant 0 : i32
      %cond3A_82 = arith.cmpi ne, %convert_element_type3A, %cond3A : i32
      scf.if %cond3A_82 {
        %dma_wait3A_190 = arith.constant 0 : i32
        %dma_wait3A_191 = arith.constant 0 : i32
        %dma_wait3A_192 = arith.constant 0 : i32
        %dma_wait3A_193 = tpu.memref_slice %arg4[%dma_wait3A_190, %dma_wait3A_191, %add3A, %dma_wait3A_192] : memref<200x8x32x1024xf32, #tpu.memory_space<hbm>> -> memref<1x8x1x1024xf32, #tpu.memory_space<hbm>>
        %dma_wait3A_194 = tpu.memref_squeeze %dma_wait3A_193 : memref<1x8x1x1024xf32, #tpu.memory_space<hbm>> -> memref<8x1024xf32, #tpu.memory_space<hbm>>
        %dma_wait3A_195 = arith.constant 0 : i32
        %dma_wait3A_196 = arith.constant 0 : i32
        %dma_wait3A_197 = tpu.memref_slice %arg4[%dma_wait3A_190, %dma_wait3A_195, %add3A, %dma_wait3A_196] : memref<200x8x32x1024xf32, #tpu.memory_space<hbm>> -> memref<1x8x1x1024xf32, #tpu.memory_space<hbm>>
        %dma_wait3A_198 = tpu.memref_squeeze %dma_wait3A_197 : memref<1x8x1x1024xf32, #tpu.memory_space<hbm>> -> memref<8x1024xf32, #tpu.memory_space<hbm>>
        tpu.wait_dma2 semaphore(%arg18 : memref<!tpu.dma_semaphore, #tpu.memory_space<semaphore_mem>>) src(%arg10 : memref<8x1024xf32, #tpu.memory_space<vmem>>) dst(%dma_wait3A_198 : memref<8x1024xf32, #tpu.memory_space<hbm>>)
      } else {
      }
      %parallel_loop3A = arith.constant 0 : i32
      %parallel_loop3A_83 = arith.constant 32 : i32
      %parallel_loop3A_84 = arith.constant 1 : i32
      scf.for %parallel_loop3A_190 = %parallel_loop3A to %parallel_loop3A_83 step %parallel_loop3A_84  : i32 {
        %parallel_loop3A_191 = arith.constant 2 : i32
        %parallel_loop3A_192 = arith.shrsi %parallel_loop3A_190, %parallel_loop3A_191 : i32
        %parallel_loop3A_193 = arith.constant 16 : i32
        %parallel_loop3A_194 = arith.muli %parallel_loop3A_192, %parallel_loop3A_193 : i32
        %parallel_loop3A_195 = arith.constant 3 : i32
        %parallel_loop3A_196 = arith.andi %parallel_loop3A_190, %parallel_loop3A_195 : i32
        %parallel_loop3A_197 = arith.constant 16 : i32
        %parallel_loop3A_198 = arith.muli %parallel_loop3A_196, %parallel_loop3A_197 : i32
        %parallel_loop3A_199 = vector.broadcast %parallel_loop3A_194 : i32 to vector<16xi32>
        %parallel_loop3A_200 = arith.addi %parallel_loop3A_199, %iota3A : vector<16xi32>
        %parallel_loop3A_201 = arith.constant 0 : i32
        %parallel_loop3A_202 = vector.broadcast %parallel_loop3A_201 : i32 to vector<16xi32>
        %parallel_loop3A_203 = arith.addi %iota3A, %parallel_loop3A_202 : vector<16xi32>
        %parallel_loop3A_204 = arith.constant 15 : i32
        %parallel_loop3A_205 = vector.broadcast %parallel_loop3A_204 : i32 to vector<16xi32>
        %parallel_loop3A_206 = arith.andi %parallel_loop3A_203, %parallel_loop3A_205 : vector<16xi32>
        %parallel_loop3A_207 = vector.broadcast %parallel_loop3A_198 : i32 to vector<16xi32>
        %parallel_loop3A_208 = arith.addi %parallel_loop3A_206, %parallel_loop3A_207 : vector<16xi32>
        %parallel_loop3A_209 = tpu.vector_load_idx %arg6[%parallel_loop3A_200, %parallel_loop3A_208] : memref<128x64xf32, #tpu.memory_space<vmem>>[vector<16xi32>, vector<16xi32>], vector<16xf32>,
        %parallel_loop3A_210 = arith.constant 3 : i32
        %parallel_loop3A_211 = vector.broadcast %parallel_loop3A_210 : i32 to vector<16xi32>
        %parallel_loop3A_212 = arith.shrsi %parallel_loop3A_208, %parallel_loop3A_211 : vector<16xi32>
        %parallel_loop3A_213 = arith.constant 7 : i32
        %parallel_loop3A_214 = vector.broadcast %parallel_loop3A_213 : i32 to vector<16xi32>
        %parallel_loop3A_215 = arith.andi %parallel_loop3A_208, %parallel_loop3A_214 : vector<16xi32>
        %parallel_loop3A_216 = arith.constant 7 : i32
        %parallel_loop3A_217 = vector.broadcast %parallel_loop3A_216 : i32 to vector<16xi32>
        %parallel_loop3A_218 = arith.shli %parallel_loop3A_215, %parallel_loop3A_217 : vector<16xi32>
        %parallel_loop3A_219 = arith.addi %parallel_loop3A_218, %parallel_loop3A_200 : vector<16xi32>
        tpu.vector_store_idx %arg10[%parallel_loop3A_212, %parallel_loop3A_219], %parallel_loop3A_209 : memref<8x1024xf32, #tpu.memory_space<vmem>>[vector<16xi32>, vector<16xi32>], vector<16xf32>,
        %parallel_loop3A_220 = arith.constant 1 : i32
        %parallel_loop3A_221 = vector.broadcast %parallel_loop3A_220 : i32 to vector<16xi32>
        %parallel_loop3A_222 = arith.addi %iota3A, %parallel_loop3A_221 : vector<16xi32>
        %parallel_loop3A_223 = arith.constant 15 : i32
        %parallel_loop3A_224 = vector.broadcast %parallel_loop3A_223 : i32 to vector<16xi32>
        %parallel_loop3A_225 = arith.andi %parallel_loop3A_222, %parallel_loop3A_224 : vector<16xi32>
        %parallel_loop3A_226 = vector.broadcast %parallel_loop3A_198 : i32 to vector<16xi32>
        %parallel_loop3A_227 = arith.addi %parallel_loop3A_225, %parallel_loop3A_226 : vector<16xi32>
        %parallel_loop3A_228 = tpu.vector_load_idx %arg6[%parallel_loop3A_200, %parallel_loop3A_227] : memref<128x64xf32, #tpu.memory_space<vmem>>[vector<16xi32>, vector<16xi32>], vector<16xf32>,
        %parallel_loop3A_229 = arith.constant 3 : i32
        %parallel_loop3A_230 = vector.broadcast %parallel_loop3A_229 : i32 to vector<16xi32>
        %parallel_loop3A_231 = arith.shrsi %parallel_loop3A_227, %parallel_loop3A_230 : vector<16xi32>
        %parallel_loop3A_232 = arith.constant 7 : i32
        %parallel_loop3A_233 = vector.broadcast %parallel_loop3A_232 : i32 to vector<16xi32>
        %parallel_loop3A_234 = arith.andi %parallel_loop3A_227, %parallel_loop3A_233 : vector<16xi32>
        %parallel_loop3A_235 = arith.constant 7 : i32
        %parallel_loop3A_236 = vector.broadcast %parallel_loop3A_235 : i32 to vector<16xi32>
        %parallel_loop3A_237 = arith.shli %parallel_loop3A_234, %parallel_loop3A_236 : vector<16xi32>
        %parallel_loop3A_238 = arith.addi %parallel_loop3A_237, %parallel_loop3A_200 : vector<16xi32>
        tpu.vector_store_idx %arg10[%parallel_loop3A_231, %parallel_loop3A_238], %parallel_loop3A_228 : memref<8x1024xf32, #tpu.memory_space<vmem>>[vector<16xi32>, vector<16xi32>], vector<16xf32>,
        %parallel_loop3A_239 = arith.constant 2 : i32
        %parallel_loop3A_240 = vector.broadcast %parallel_loop3A_239 : i32 to vector<16xi32>
        %parallel_loop3A_241 = arith.addi %iota3A, %parallel_loop3A_240 : vector<16xi32>
        %parallel_loop3A_242 = arith.constant 15 : i32
        %parallel_loop3A_243 = vector.broadcast %parallel_loop3A_242 : i32 to vector<16xi32>
        %parallel_loop3A_244 = arith.andi %parallel_loop3A_241, %parallel_loop3A_243 : vector<16xi32>
        %parallel_loop3A_245 = vector.broadcast %parallel_loop3A_198 : i32 to vector<16xi32>
        %parallel_loop3A_246 = arith.addi %parallel_loop3A_244, %parallel_loop3A_245 : vector<16xi32>
        %parallel_loop3A_247 = tpu.vector_load_idx %arg6[%parallel_loop3A_200, %parallel_loop3A_246] : memref<128x64xf32, #tpu.memory_space<vmem>>[vector<16xi32>, vector<16xi32>], vector<16xf32>,
        %parallel_loop3A_248 = arith.constant 3 : i32
        %parallel_loop3A_249 = vector.broadcast %parallel_loop3A_248 : i32 to vector<16xi32>
        %parallel_loop3A_250 = arith.shrsi %parallel_loop3A_246, %parallel_loop3A_249 : vector<16xi32>
        %parallel_loop3A_251 = arith.constant 7 : i32
        %parallel_loop3A_252 = vector.broadcast %parallel_loop3A_251 : i32 to vector<16xi32>
        %parallel_loop3A_253 = arith.andi %parallel_loop3A_246, %parallel_loop3A_252 : vector<16xi32>
        %parallel_loop3A_254 = arith.constant 7 : i32
        %parallel_loop3A_255 = vector.broadcast %parallel_loop3A_254 : i32 to vector<16xi32>
        %parallel_loop3A_256 = arith.shli %parallel_loop3A_253, %parallel_loop3A_255 : vector<16xi32>
        %parallel_loop3A_257 = arith.addi %parallel_loop3A_256, %parallel_loop3A_200 : vector<16xi32>
        tpu.vector_store_idx %arg10[%parallel_loop3A_250, %parallel_loop3A_257], %parallel_loop3A_247 : memref<8x1024xf32, #tpu.memory_space<vmem>>[vector<16xi32>, vector<16xi32>], vector<16xf32>,
        %parallel_loop3A_258 = arith.constant 3 : i32
        %parallel_loop3A_259 = vector.broadcast %parallel_loop3A_258 : i32 to vector<16xi32>
        %parallel_loop3A_260 = arith.addi %iota3A, %parallel_loop3A_259 : vector<16xi32>
        %parallel_loop3A_261 = arith.constant 15 : i32
        %parallel_loop3A_262 = vector.broadcast %parallel_loop3A_261 : i32 to vector<16xi32>
        %parallel_loop3A_263 = arith.andi %parallel_loop3A_260, %parallel_loop3A_262 : vector<16xi32>
        %parallel_loop3A_264 = vector.broadcast %parallel_loop3A_198 : i32 to vector<16xi32>
        %parallel_loop3A_265 = arith.addi %parallel_loop3A_263, %parallel_loop3A_264 : vector<16xi32>
        %parallel_loop3A_266 = tpu.vector_load_idx %arg6[%parallel_loop3A_200, %parallel_loop3A_265] : memref<128x64xf32, #tpu.memory_space<vmem>>[vector<16xi32>, vector<16xi32>], vector<16xf32>,
        %parallel_loop3A_267 = arith.constant 3 : i32
        %parallel_loop3A_268 = vector.broadcast %parallel_loop3A_267 : i32 to vector<16xi32>
        %parallel_loop3A_269 = arith.shrsi %parallel_loop3A_265, %parallel_loop3A_268 : vector<16xi32>
        %parallel_loop3A_270 = arith.constant 7 : i32
        %parallel_loop3A_271 = vector.broadcast %parallel_loop3A_270 : i32 to vector<16xi32>
        %parallel_loop3A_272 = arith.andi %parallel_loop3A_265, %parallel_loop3A_271 : vector<16xi32>
        %parallel_loop3A_273 = arith.constant 7 : i32
        %parallel_loop3A_274 = vector.broadcast %parallel_loop3A_273 : i32 to vector<16xi32>
        %parallel_loop3A_275 = arith.shli %parallel_loop3A_272, %parallel_loop3A_274 : vector<16xi32>
        %parallel_loop3A_276 = arith.addi %parallel_loop3A_275, %parallel_loop3A_200 : vector<16xi32>
        tpu.vector_store_idx %arg10[%parallel_loop3A_269, %parallel_loop3A_276], %parallel_loop3A_266 : memref<8x1024xf32, #tpu.memory_space<vmem>>[vector<16xi32>, vector<16xi32>], vector<16xf32>,
        %parallel_loop3A_277 = arith.constant 4 : i32
        %parallel_loop3A_278 = vector.broadcast %parallel_loop3A_277 : i32 to vector<16xi32>
        %parallel_loop3A_279 = arith.addi %iota3A, %parallel_loop3A_278 : vector<16xi32>
        %parallel_loop3A_280 = arith.constant 15 : i32
        %parallel_loop3A_281 = vector.broadcast %parallel_loop3A_280 : i32 to vector<16xi32>
        %parallel_loop3A_282 = arith.andi %parallel_loop3A_279, %parallel_loop3A_281 : vector<16xi32>
        %parallel_loop3A_283 = vector.broadcast %parallel_loop3A_198 : i32 to vector<16xi32>
        %parallel_loop3A_284 = arith.addi %parallel_loop3A_282, %parallel_loop3A_283 : vector<16xi32>
        %parallel_loop3A_285 = tpu.vector_load_idx %arg6[%parallel_loop3A_200, %parallel_loop3A_284] : memref<128x64xf32, #tpu.memory_space<vmem>>[vector<16xi32>, vector<16xi32>], vector<16xf32>,
        %parallel_loop3A_286 = arith.constant 3 : i32
        %parallel_loop3A_287 = vector.broadcast %parallel_loop3A_286 : i32 to vector<16xi32>
        %parallel_loop3A_288 = arith.shrsi %parallel_loop3A_284, %parallel_loop3A_287 : vector<16xi32>
        %parallel_loop3A_289 = arith.constant 7 : i32
        %parallel_loop3A_290 = vector.broadcast %parallel_loop3A_289 : i32 to vector<16xi32>
        %parallel_loop3A_291 = arith.andi %parallel_loop3A_284, %parallel_loop3A_290 : vector<16xi32>
        %parallel_loop3A_292 = arith.constant 7 : i32
        %parallel_loop3A_293 = vector.broadcast %parallel_loop3A_292 : i32 to vector<16xi32>
        %parallel_loop3A_294 = arith.shli %parallel_loop3A_291, %parallel_loop3A_293 : vector<16xi32>
        %parallel_loop3A_295 = arith.addi %parallel_loop3A_294, %parallel_loop3A_200 : vector<16xi32>
        tpu.vector_store_idx %arg10[%parallel_loop3A_288, %parallel_loop3A_295], %parallel_loop3A_285 : memref<8x1024xf32, #tpu.memory_space<vmem>>[vector<16xi32>, vector<16xi32>], vector<16xf32>,
        %parallel_loop3A_296 = arith.constant 5 : i32
        %parallel_loop3A_297 = vector.broadcast %parallel_loop3A_296 : i32 to vector<16xi32>
        %parallel_loop3A_298 = arith.addi %iota3A, %parallel_loop3A_297 : vector<16xi32>
        %parallel_loop3A_299 = arith.constant 15 : i32
        %parallel_loop3A_300 = vector.broadcast %parallel_loop3A_299 : i32 to vector<16xi32>
        %parallel_loop3A_301 = arith.andi %parallel_loop3A_298, %parallel_loop3A_300 : vector<16xi32>
        %parallel_loop3A_302 = vector.broadcast %parallel_loop3A_198 : i32 to vector<16xi32>
        %parallel_loop3A_303 = arith.addi %parallel_loop3A_301, %parallel_loop3A_302 : vector<16xi32>
        %parallel_loop3A_304 = tpu.vector_load_idx %arg6[%parallel_loop3A_200, %parallel_loop3A_303] : memref<128x64xf32, #tpu.memory_space<vmem>>[vector<16xi32>, vector<16xi32>], vector<16xf32>,
        %parallel_loop3A_305 = arith.constant 3 : i32
        %parallel_loop3A_306 = vector.broadcast %parallel_loop3A_305 : i32 to vector<16xi32>
        %parallel_loop3A_307 = arith.shrsi %parallel_loop3A_303, %parallel_loop3A_306 : vector<16xi32>
        %parallel_loop3A_308 = arith.constant 7 : i32
        %parallel_loop3A_309 = vector.broadcast %parallel_loop3A_308 : i32 to vector<16xi32>
        %parallel_loop3A_310 = arith.andi %parallel_loop3A_303, %parallel_loop3A_309 : vector<16xi32>
        %parallel_loop3A_311 = arith.constant 7 : i32
        %parallel_loop3A_312 = vector.broadcast %parallel_loop3A_311 : i32 to vector<16xi32>
        %parallel_loop3A_313 = arith.shli %parallel_loop3A_310, %parallel_loop3A_312 : vector<16xi32>
        %parallel_loop3A_314 = arith.addi %parallel_loop3A_313, %parallel_loop3A_200 : vector<16xi32>
        tpu.vector_store_idx %arg10[%parallel_loop3A_307, %parallel_loop3A_314], %parallel_loop3A_304 : memref<8x1024xf32, #tpu.memory_space<vmem>>[vector<16xi32>, vector<16xi32>], vector<16xf32>,
        %parallel_loop3A_315 = arith.constant 6 : i32
        %parallel_loop3A_316 = vector.broadcast %parallel_loop3A_315 : i32 to vector<16xi32>
        %parallel_loop3A_317 = arith.addi %iota3A, %parallel_loop3A_316 : vector<16xi32>
        %parallel_loop3A_318 = arith.constant 15 : i32
        %parallel_loop3A_319 = vector.broadcast %parallel_loop3A_318 : i32 to vector<16xi32>
        %parallel_loop3A_320 = arith.andi %parallel_loop3A_317, %parallel_loop3A_319 : vector<16xi32>
        %parallel_loop3A_321 = vector.broadcast %parallel_loop3A_198 : i32 to vector<16xi32>
        %parallel_loop3A_322 = arith.addi %parallel_loop3A_320, %parallel_loop3A_321 : vector<16xi32>
        %parallel_loop3A_323 = tpu.vector_load_idx %arg6[%parallel_loop3A_200, %parallel_loop3A_322] : memref<128x64xf32, #tpu.memory_space<vmem>>[vector<16xi32>, vector<16xi32>], vector<16xf32>,
        %parallel_loop3A_324 = arith.constant 3 : i32
        %parallel_loop3A_325 = vector.broadcast %parallel_loop3A_324 : i32 to vector<16xi32>
        %parallel_loop3A_326 = arith.shrsi %parallel_loop3A_322, %parallel_loop3A_325 : vector<16xi32>
        %parallel_loop3A_327 = arith.constant 7 : i32
        %parallel_loop3A_328 = vector.broadcast %parallel_loop3A_327 : i32 to vector<16xi32>
        %parallel_loop3A_329 = arith.andi %parallel_loop3A_322, %parallel_loop3A_328 : vector<16xi32>
        %parallel_loop3A_330 = arith.constant 7 : i32
        %parallel_loop3A_331 = vector.broadcast %parallel_loop3A_330 : i32 to vector<16xi32>
        %parallel_loop3A_332 = arith.shli %parallel_loop3A_329, %parallel_loop3A_331 : vector<16xi32>
        %parallel_loop3A_333 = arith.addi %parallel_loop3A_332, %parallel_loop3A_200 : vector<16xi32>
        tpu.vector_store_idx %arg10[%parallel_loop3A_326, %parallel_loop3A_333], %parallel_loop3A_323 : memref<8x1024xf32, #tpu.memory_space<vmem>>[vector<16xi32>, vector<16xi32>], vector<16xf32>,
        %parallel_loop3A_334 = arith.constant 7 : i32
        %parallel_loop3A_335 = vector.broadcast %parallel_loop3A_334 : i32 to vector<16xi32>
        %parallel_loop3A_336 = arith.addi %iota3A, %parallel_loop3A_335 : vector<16xi32>
        %parallel_loop3A_337 = arith.constant 15 : i32
        %parallel_loop3A_338 = vector.broadcast %parallel_loop3A_337 : i32 to vector<16xi32>
        %parallel_loop3A_339 = arith.andi %parallel_loop3A_336, %parallel_loop3A_338 : vector<16xi32>
        %parallel_loop3A_340 = vector.broadcast %parallel_loop3A_198 : i32 to vector<16xi32>
        %parallel_loop3A_341 = arith.addi %parallel_loop3A_339, %parallel_loop3A_340 : vector<16xi32>
        %parallel_loop3A_342 = tpu.vector_load_idx %arg6[%parallel_loop3A_200, %parallel_loop3A_341] : memref<128x64xf32, #tpu.memory_space<vmem>>[vector<16xi32>, vector<16xi32>], vector<16xf32>,
        %parallel_loop3A_343 = arith.constant 3 : i32
        %parallel_loop3A_344 = vector.broadcast %parallel_loop3A_343 : i32 to vector<16xi32>
        %parallel_loop3A_345 = arith.shrsi %parallel_loop3A_341, %parallel_loop3A_344 : vector<16xi32>
        %parallel_loop3A_346 = arith.constant 7 : i32
        %parallel_loop3A_347 = vector.broadcast %parallel_loop3A_346 : i32 to vector<16xi32>
        %parallel_loop3A_348 = arith.andi %parallel_loop3A_341, %parallel_loop3A_347 : vector<16xi32>
        %parallel_loop3A_349 = arith.constant 7 : i32
        %parallel_loop3A_350 = vector.broadcast %parallel_loop3A_349 : i32 to vector<16xi32>
        %parallel_loop3A_351 = arith.shli %parallel_loop3A_348, %parallel_loop3A_350 : vector<16xi32>
        %parallel_loop3A_352 = arith.addi %parallel_loop3A_351, %parallel_loop3A_200 : vector<16xi32>
        tpu.vector_store_idx %arg10[%parallel_loop3A_345, %parallel_loop3A_352], %parallel_loop3A_342 : memref<8x1024xf32, #tpu.memory_space<vmem>>[vector<16xi32>, vector<16xi32>], vector<16xf32>,
        %parallel_loop3A_353 = arith.constant 8 : i32
        %parallel_loop3A_354 = vector.broadcast %parallel_loop3A_353 : i32 to vector<16xi32>
        %parallel_loop3A_355 = arith.addi %iota3A, %parallel_loop3A_354 : vector<16xi32>
        %parallel_loop3A_356 = arith.constant 15 : i32
        %parallel_loop3A_357 = vector.broadcast %parallel_loop3A_356 : i32 to vector<16xi32>
        %parallel_loop3A_358 = arith.andi %parallel_loop3A_355, %parallel_loop3A_357 : vector<16xi32>
        %parallel_loop3A_359 = vector.broadcast %parallel_loop3A_198 : i32 to vector<16xi32>
        %parallel_loop3A_360 = arith.addi %parallel_loop3A_358, %parallel_loop3A_359 : vector<16xi32>
        %parallel_loop3A_361 = tpu.vector_load_idx %arg6[%parallel_loop3A_200, %parallel_loop3A_360] : memref<128x64xf32, #tpu.memory_space<vmem>>[vector<16xi32>, vector<16xi32>], vector<16xf32>,
        %parallel_loop3A_362 = arith.constant 3 : i32
        %parallel_loop3A_363 = vector.broadcast %parallel_loop3A_362 : i32 to vector<16xi32>
        %parallel_loop3A_364 = arith.shrsi %parallel_loop3A_360, %parallel_loop3A_363 : vector<16xi32>
        %parallel_loop3A_365 = arith.constant 7 : i32
        %parallel_loop3A_366 = vector.broadcast %parallel_loop3A_365 : i32 to vector<16xi32>
        %parallel_loop3A_367 = arith.andi %parallel_loop3A_360, %parallel_loop3A_366 : vector<16xi32>
        %parallel_loop3A_368 = arith.constant 7 : i32
        %parallel_loop3A_369 = vector.broadcast %parallel_loop3A_368 : i32 to vector<16xi32>
        %parallel_loop3A_370 = arith.shli %parallel_loop3A_367, %parallel_loop3A_369 : vector<16xi32>
        %parallel_loop3A_371 = arith.addi %parallel_loop3A_370, %parallel_loop3A_200 : vector<16xi32>
        tpu.vector_store_idx %arg10[%parallel_loop3A_364, %parallel_loop3A_371], %parallel_loop3A_361 : memref<8x1024xf32, #tpu.memory_space<vmem>>[vector<16xi32>, vector<16xi32>], vector<16xf32>,
        %parallel_loop3A_372 = arith.constant 9 : i32
        %parallel_loop3A_373 = vector.broadcast %parallel_loop3A_372 : i32 to vector<16xi32>
        %parallel_loop3A_374 = arith.addi %iota3A, %parallel_loop3A_373 : vector<16xi32>
        %parallel_loop3A_375 = arith.constant 15 : i32
        %parallel_loop3A_376 = vector.broadcast %parallel_loop3A_375 : i32 to vector<16xi32>
        %parallel_loop3A_377 = arith.andi %parallel_loop3A_374, %parallel_loop3A_376 : vector<16xi32>
        %parallel_loop3A_378 = vector.broadcast %parallel_loop3A_198 : i32 to vector<16xi32>
        %parallel_loop3A_379 = arith.addi %parallel_loop3A_377, %parallel_loop3A_378 : vector<16xi32>
        %parallel_loop3A_380 = tpu.vector_load_idx %arg6[%parallel_loop3A_200, %parallel_loop3A_379] : memref<128x64xf32, #tpu.memory_space<vmem>>[vector<16xi32>, vector<16xi32>], vector<16xf32>,
        %parallel_loop3A_381 = arith.constant 3 : i32
        %parallel_loop3A_382 = vector.broadcast %parallel_loop3A_381 : i32 to vector<16xi32>
        %parallel_loop3A_383 = arith.shrsi %parallel_loop3A_379, %parallel_loop3A_382 : vector<16xi32>
        %parallel_loop3A_384 = arith.constant 7 : i32
        %parallel_loop3A_385 = vector.broadcast %parallel_loop3A_384 : i32 to vector<16xi32>
        %parallel_loop3A_386 = arith.andi %parallel_loop3A_379, %parallel_loop3A_385 : vector<16xi32>
        %parallel_loop3A_387 = arith.constant 7 : i32
        %parallel_loop3A_388 = vector.broadcast %parallel_loop3A_387 : i32 to vector<16xi32>
        %parallel_loop3A_389 = arith.shli %parallel_loop3A_386, %parallel_loop3A_388 : vector<16xi32>
        %parallel_loop3A_390 = arith.addi %parallel_loop3A_389, %parallel_loop3A_200 : vector<16xi32>
        tpu.vector_store_idx %arg10[%parallel_loop3A_383, %parallel_loop3A_390], %parallel_loop3A_380 : memref<8x1024xf32, #tpu.memory_space<vmem>>[vector<16xi32>, vector<16xi32>], vector<16xf32>,
        %parallel_loop3A_391 = arith.constant 10 : i32
        %parallel_loop3A_392 = vector.broadcast %parallel_loop3A_391 : i32 to vector<16xi32>
        %parallel_loop3A_393 = arith.addi %iota3A, %parallel_loop3A_392 : vector<16xi32>
        %parallel_loop3A_394 = arith.constant 15 : i32
        %parallel_loop3A_395 = vector.broadcast %parallel_loop3A_394 : i32 to vector<16xi32>
        %parallel_loop3A_396 = arith.andi %parallel_loop3A_393, %parallel_loop3A_395 : vector<16xi32>
        %parallel_loop3A_397 = vector.broadcast %parallel_loop3A_198 : i32 to vector<16xi32>
        %parallel_loop3A_398 = arith.addi %parallel_loop3A_396, %parallel_loop3A_397 : vector<16xi32>
        %parallel_loop3A_399 = tpu.vector_load_idx %arg6[%parallel_loop3A_200, %parallel_loop3A_398] : memref<128x64xf32, #tpu.memory_space<vmem>>[vector<16xi32>, vector<16xi32>], vector<16xf32>,
        %parallel_loop3A_400 = arith.constant 3 : i32
        %parallel_loop3A_401 = vector.broadcast %parallel_loop3A_400 : i32 to vector<16xi32>
        %parallel_loop3A_402 = arith.shrsi %parallel_loop3A_398, %parallel_loop3A_401 : vector<16xi32>
        %parallel_loop3A_403 = arith.constant 7 : i32
        %parallel_loop3A_404 = vector.broadcast %parallel_loop3A_403 : i32 to vector<16xi32>
        %parallel_loop3A_405 = arith.andi %parallel_loop3A_398, %parallel_loop3A_404 : vector<16xi32>
        %parallel_loop3A_406 = arith.constant 7 : i32
        %parallel_loop3A_407 = vector.broadcast %parallel_loop3A_406 : i32 to vector<16xi32>
        %parallel_loop3A_408 = arith.shli %parallel_loop3A_405, %parallel_loop3A_407 : vector<16xi32>
        %parallel_loop3A_409 = arith.addi %parallel_loop3A_408, %parallel_loop3A_200 : vector<16xi32>
        tpu.vector_store_idx %arg10[%parallel_loop3A_402, %parallel_loop3A_409], %parallel_loop3A_399 : memref<8x1024xf32, #tpu.memory_space<vmem>>[vector<16xi32>, vector<16xi32>], vector<16xf32>,
        %parallel_loop3A_410 = arith.constant 11 : i32
        %parallel_loop3A_411 = vector.broadcast %parallel_loop3A_410 : i32 to vector<16xi32>
        %parallel_loop3A_412 = arith.addi %iota3A, %parallel_loop3A_411 : vector<16xi32>
        %parallel_loop3A_413 = arith.constant 15 : i32
        %parallel_loop3A_414 = vector.broadcast %parallel_loop3A_413 : i32 to vector<16xi32>
        %parallel_loop3A_415 = arith.andi %parallel_loop3A_412, %parallel_loop3A_414 : vector<16xi32>
        %parallel_loop3A_416 = vector.broadcast %parallel_loop3A_198 : i32 to vector<16xi32>
        %parallel_loop3A_417 = arith.addi %parallel_loop3A_415, %parallel_loop3A_416 : vector<16xi32>
        %parallel_loop3A_418 = tpu.vector_load_idx %arg6[%parallel_loop3A_200, %parallel_loop3A_417] : memref<128x64xf32, #tpu.memory_space<vmem>>[vector<16xi32>, vector<16xi32>], vector<16xf32>,
        %parallel_loop3A_419 = arith.constant 3 : i32
        %parallel_loop3A_420 = vector.broadcast %parallel_loop3A_419 : i32 to vector<16xi32>
        %parallel_loop3A_421 = arith.shrsi %parallel_loop3A_417, %parallel_loop3A_420 : vector<16xi32>
        %parallel_loop3A_422 = arith.constant 7 : i32
        %parallel_loop3A_423 = vector.broadcast %parallel_loop3A_422 : i32 to vector<16xi32>
        %parallel_loop3A_424 = arith.andi %parallel_loop3A_417, %parallel_loop3A_423 : vector<16xi32>
        %parallel_loop3A_425 = arith.constant 7 : i32
        %parallel_loop3A_426 = vector.broadcast %parallel_loop3A_425 : i32 to vector<16xi32>
        %parallel_loop3A_427 = arith.shli %parallel_loop3A_424, %parallel_loop3A_426 : vector<16xi32>
        %parallel_loop3A_428 = arith.addi %parallel_loop3A_427, %parallel_loop3A_200 : vector<16xi32>
        tpu.vector_store_idx %arg10[%parallel_loop3A_421, %parallel_loop3A_428], %parallel_loop3A_418 : memref<8x1024xf32, #tpu.memory_space<vmem>>[vector<16xi32>, vector<16xi32>], vector<16xf32>,
        %parallel_loop3A_429 = arith.constant 12 : i32
        %parallel_loop3A_430 = vector.broadcast %parallel_loop3A_429 : i32 to vector<16xi32>
        %parallel_loop3A_431 = arith.addi %iota3A, %parallel_loop3A_430 : vector<16xi32>
        %parallel_loop3A_432 = arith.constant 15 : i32
        %parallel_loop3A_433 = vector.broadcast %parallel_loop3A_432 : i32 to vector<16xi32>
        %parallel_loop3A_434 = arith.andi %parallel_loop3A_431, %parallel_loop3A_433 : vector<16xi32>
        %parallel_loop3A_435 = vector.broadcast %parallel_loop3A_198 : i32 to vector<16xi32>
        %parallel_loop3A_436 = arith.addi %parallel_loop3A_434, %parallel_loop3A_435 : vector<16xi32>
        %parallel_loop3A_437 = tpu.vector_load_idx %arg6[%parallel_loop3A_200, %parallel_loop3A_436] : memref<128x64xf32, #tpu.memory_space<vmem>>[vector<16xi32>, vector<16xi32>], vector<16xf32>,
        %parallel_loop3A_438 = arith.constant 3 : i32
        %parallel_loop3A_439 = vector.broadcast %parallel_loop3A_438 : i32 to vector<16xi32>
        %parallel_loop3A_440 = arith.shrsi %parallel_loop3A_436, %parallel_loop3A_439 : vector<16xi32>
        %parallel_loop3A_441 = arith.constant 7 : i32
        %parallel_loop3A_442 = vector.broadcast %parallel_loop3A_441 : i32 to vector<16xi32>
        %parallel_loop3A_443 = arith.andi %parallel_loop3A_436, %parallel_loop3A_442 : vector<16xi32>
        %parallel_loop3A_444 = arith.constant 7 : i32
        %parallel_loop3A_445 = vector.broadcast %parallel_loop3A_444 : i32 to vector<16xi32>
        %parallel_loop3A_446 = arith.shli %parallel_loop3A_443, %parallel_loop3A_445 : vector<16xi32>
        %parallel_loop3A_447 = arith.addi %parallel_loop3A_446, %parallel_loop3A_200 : vector<16xi32>
        tpu.vector_store_idx %arg10[%parallel_loop3A_440, %parallel_loop3A_447], %parallel_loop3A_437 : memref<8x1024xf32, #tpu.memory_space<vmem>>[vector<16xi32>, vector<16xi32>], vector<16xf32>,
        %parallel_loop3A_448 = arith.constant 13 : i32
        %parallel_loop3A_449 = vector.broadcast %parallel_loop3A_448 : i32 to vector<16xi32>
        %parallel_loop3A_450 = arith.addi %iota3A, %parallel_loop3A_449 : vector<16xi32>
        %parallel_loop3A_451 = arith.constant 15 : i32
        %parallel_loop3A_452 = vector.broadcast %parallel_loop3A_451 : i32 to vector<16xi32>
        %parallel_loop3A_453 = arith.andi %parallel_loop3A_450, %parallel_loop3A_452 : vector<16xi32>
        %parallel_loop3A_454 = vector.broadcast %parallel_loop3A_198 : i32 to vector<16xi32>
        %parallel_loop3A_455 = arith.addi %parallel_loop3A_453, %parallel_loop3A_454 : vector<16xi32>
        %parallel_loop3A_456 = tpu.vector_load_idx %arg6[%parallel_loop3A_200, %parallel_loop3A_455] : memref<128x64xf32, #tpu.memory_space<vmem>>[vector<16xi32>, vector<16xi32>], vector<16xf32>,
        %parallel_loop3A_457 = arith.constant 3 : i32
        %parallel_loop3A_458 = vector.broadcast %parallel_loop3A_457 : i32 to vector<16xi32>
        %parallel_loop3A_459 = arith.shrsi %parallel_loop3A_455, %parallel_loop3A_458 : vector<16xi32>
        %parallel_loop3A_460 = arith.constant 7 : i32
        %parallel_loop3A_461 = vector.broadcast %parallel_loop3A_460 : i32 to vector<16xi32>
        %parallel_loop3A_462 = arith.andi %parallel_loop3A_455, %parallel_loop3A_461 : vector<16xi32>
        %parallel_loop3A_463 = arith.constant 7 : i32
        %parallel_loop3A_464 = vector.broadcast %parallel_loop3A_463 : i32 to vector<16xi32>
        %parallel_loop3A_465 = arith.shli %parallel_loop3A_462, %parallel_loop3A_464 : vector<16xi32>
        %parallel_loop3A_466 = arith.addi %parallel_loop3A_465, %parallel_loop3A_200 : vector<16xi32>
        tpu.vector_store_idx %arg10[%parallel_loop3A_459, %parallel_loop3A_466], %parallel_loop3A_456 : memref<8x1024xf32, #tpu.memory_space<vmem>>[vector<16xi32>, vector<16xi32>], vector<16xf32>,
        %parallel_loop3A_467 = arith.constant 14 : i32
        %parallel_loop3A_468 = vector.broadcast %parallel_loop3A_467 : i32 to vector<16xi32>
        %parallel_loop3A_469 = arith.addi %iota3A, %parallel_loop3A_468 : vector<16xi32>
        %parallel_loop3A_470 = arith.constant 15 : i32
        %parallel_loop3A_471 = vector.broadcast %parallel_loop3A_470 : i32 to vector<16xi32>
        %parallel_loop3A_472 = arith.andi %parallel_loop3A_469, %parallel_loop3A_471 : vector<16xi32>
        %parallel_loop3A_473 = vector.broadcast %parallel_loop3A_198 : i32 to vector<16xi32>
        %parallel_loop3A_474 = arith.addi %parallel_loop3A_472, %parallel_loop3A_473 : vector<16xi32>
        %parallel_loop3A_475 = tpu.vector_load_idx %arg6[%parallel_loop3A_200, %parallel_loop3A_474] : memref<128x64xf32, #tpu.memory_space<vmem>>[vector<16xi32>, vector<16xi32>], vector<16xf32>,
        %parallel_loop3A_476 = arith.constant 3 : i32
        %parallel_loop3A_477 = vector.broadcast %parallel_loop3A_476 : i32 to vector<16xi32>
        %parallel_loop3A_478 = arith.shrsi %parallel_loop3A_474, %parallel_loop3A_477 : vector<16xi32>
        %parallel_loop3A_479 = arith.constant 7 : i32
        %parallel_loop3A_480 = vector.broadcast %parallel_loop3A_479 : i32 to vector<16xi32>
        %parallel_loop3A_481 = arith.andi %parallel_loop3A_474, %parallel_loop3A_480 : vector<16xi32>
        %parallel_loop3A_482 = arith.constant 7 : i32
        %parallel_loop3A_483 = vector.broadcast %parallel_loop3A_482 : i32 to vector<16xi32>
        %parallel_loop3A_484 = arith.shli %parallel_loop3A_481, %parallel_loop3A_483 : vector<16xi32>
        %parallel_loop3A_485 = arith.addi %parallel_loop3A_484, %parallel_loop3A_200 : vector<16xi32>
        tpu.vector_store_idx %arg10[%parallel_loop3A_478, %parallel_loop3A_485], %parallel_loop3A_475 : memref<8x1024xf32, #tpu.memory_space<vmem>>[vector<16xi32>, vector<16xi32>], vector<16xf32>,
        %parallel_loop3A_486 = arith.constant 15 : i32
        %parallel_loop3A_487 = vector.broadcast %parallel_loop3A_486 : i32 to vector<16xi32>
        %parallel_loop3A_488 = arith.addi %iota3A, %parallel_loop3A_487 : vector<16xi32>
        %parallel_loop3A_489 = arith.constant 15 : i32
        %parallel_loop3A_490 = vector.broadcast %parallel_loop3A_489 : i32 to vector<16xi32>
        %parallel_loop3A_491 = arith.andi %parallel_loop3A_488, %parallel_loop3A_490 : vector<16xi32>
        %parallel_loop3A_492 = vector.broadcast %parallel_loop3A_198 : i32 to vector<16xi32>
        %parallel_loop3A_493 = arith.addi %parallel_loop3A_491, %parallel_loop3A_492 : vector<16xi32>
        %parallel_loop3A_494 = tpu.vector_load_idx %arg6[%parallel_loop3A_200, %parallel_loop3A_493] : memref<128x64xf32, #tpu.memory_space<vmem>>[vector<16xi32>, vector<16xi32>], vector<16xf32>,
        %parallel_loop3A_495 = arith.constant 3 : i32
        %parallel_loop3A_496 = vector.broadcast %parallel_loop3A_495 : i32 to vector<16xi32>
        %parallel_loop3A_497 = arith.shrsi %parallel_loop3A_493, %parallel_loop3A_496 : vector<16xi32>
        %parallel_loop3A_498 = arith.constant 7 : i32
        %parallel_loop3A_499 = vector.broadcast %parallel_loop3A_498 : i32 to vector<16xi32>
        %parallel_loop3A_500 = arith.andi %parallel_loop3A_493, %parallel_loop3A_499 : vector<16xi32>
        %parallel_loop3A_501 = arith.constant 7 : i32
        %parallel_loop3A_502 = vector.broadcast %parallel_loop3A_501 : i32 to vector<16xi32>
        %parallel_loop3A_503 = arith.shli %parallel_loop3A_500, %parallel_loop3A_502 : vector<16xi32>
        %parallel_loop3A_504 = arith.addi %parallel_loop3A_503, %parallel_loop3A_200 : vector<16xi32>
        tpu.vector_store_idx %arg10[%parallel_loop3A_497, %parallel_loop3A_504], %parallel_loop3A_494 : memref<8x1024xf32, #tpu.memory_space<vmem>>[vector<16xi32>, vector<16xi32>], vector<16xf32>,
      } {sc.loop_unroll_factor = 2 : i64, sc.parallel_access}
      %lt3A = arith.constant 49 : i32
      %lt3A_85 = arith.cmpi slt, %scan3A_70, %lt3A : i32
      %convert_element_type3A_86 = arith.extui %lt3A_85 : i1 to i32
      %cond3A_87 = arith.constant 0 : i32
      %cond3A_88 = arith.cmpi ne, %convert_element_type3A_86, %cond3A_87 : i32
      scf.if %cond3A_88 {
        %add3A_190 = arith.constant 4 : i32
        %add3A_191 = arith.addi %add3A_74, %add3A_190 : i32
        %dma_start3A_192 = arith.constant 0 : i32
        %dma_start3A_193 = tpu.memref_slice %arg5[%add3A_191, %dma_start3A_192] : memref<200x128xi32, #tpu.memory_space<vmem>> -> memref<1x128xi32, #tpu.memory_space<vmem>>
        %dma_start3A_194 = tpu.memref_squeeze %dma_start3A_193 : memref<1x128xi32, #tpu.memory_space<vmem>> -> memref<128xi32, #tpu.memory_space<vmem>>
        %dma_start3A_195 = arith.constant 0 : i32
        %dma_start3A_196 = arith.constant 0 : i32
        %dma_start3A_197 = tpu.memref_slice %arg2[%dma_start3A_195, %dma_start3A_196] : memref<100000x64xf32, #tpu.memory_space<hbm>> -> memref<100000x64xf32, #tpu.memory_space<hbm>>
        tpu.enqueue_indirect_dma source(%dma_start3A_197 : memref<100000x64xf32, #tpu.memory_space<hbm>>) target(%arg6 : memref<128x64xf32, #tpu.memory_space<vmem>>) offsets(%dma_start3A_194 : memref<128xi32, #tpu.memory_space<vmem>>) semaphore(%arg14 : memref<!tpu.dma_semaphore, #tpu.memory_space<semaphore_mem>>)
      } else {
      }
      %dma_start3A_89 = arith.constant 0 : i32
      %dma_start3A_90 = arith.constant 0 : i32
      %dma_start3A_91 = tpu.memref_slice %arg4[%add3A_74, %dma_start3A_89, %add3A, %dma_start3A_90] : memref<200x8x32x1024xf32, #tpu.memory_space<hbm>> -> memref<1x8x1x1024xf32, #tpu.memory_space<hbm>>
      %dma_start3A_92 = tpu.memref_squeeze %dma_start3A_91 : memref<1x8x1x1024xf32, #tpu.memory_space<hbm>> -> memref<8x1024xf32, #tpu.memory_space<hbm>>
      %dma_start3A_93 = arith.constant 0 : i32
      %dma_start3A_94 = arith.constant 0 : i32
      %dma_start3A_95 = tpu.memref_slice %arg4[%add3A_74, %dma_start3A_93, %add3A, %dma_start3A_94] : memref<200x8x32x1024xf32, #tpu.memory_space<hbm>> -> memref<1x8x1x1024xf32, #tpu.memory_space<hbm>>
      %dma_start3A_96 = tpu.memref_squeeze %dma_start3A_95 : memref<1x8x1x1024xf32, #tpu.memory_space<hbm>> -> memref<8x1024xf32, #tpu.memory_space<hbm>>
      tpu.enqueue_dma source(%arg10 : memref<8x1024xf32, #tpu.memory_space<vmem>>) target(%dma_start3A_96 : memref<8x1024xf32, #tpu.memory_space<hbm>>) target_semaphore(%arg18 : memref<!tpu.dma_semaphore, #tpu.memory_space<semaphore_mem>>)
      %mul3A_97 = arith.constant 4 : i32
      %mul3A_98 = arith.muli %scan3A_70, %mul3A_97 : i32
      %add3A_99 = arith.constant 1 : i32
      %add3A_100 = arith.addi %mul3A_98, %add3A_99 : i32
      %dma_wait3A_101 = arith.constant 0 : i32
      %dma_wait3A_102 = arith.constant 0 : i32
      %dma_wait3A_103 = tpu.memref_slice %arg2[%dma_wait3A_101, %dma_wait3A_102] : memref<100000x64xf32, #tpu.memory_space<hbm>> -> memref<128x64xf32, #tpu.memory_space<hbm>>
      %dma_wait3A_104 = arith.constant 0 : i32
      %dma_wait3A_105 = arith.constant 0 : i32
      %dma_wait3A_106 = tpu.memref_slice %arg2[%dma_wait3A_104, %dma_wait3A_105] : memref<100000x64xf32, #tpu.memory_space<hbm>> -> memref<128x64xf32, #tpu.memory_space<hbm>>
      tpu.wait_dma2 semaphore(%arg15 : memref<!tpu.dma_semaphore, #tpu.memory_space<semaphore_mem>>) src(%dma_wait3A_106 : memref<128x64xf32, #tpu.memory_space<hbm>>) dst(%arg7 : memref<128x64xf32, #tpu.memory_space<vmem>>)
      %gt3A_107 = arith.constant 0 : i32
      %gt3A_108 = arith.cmpi sgt, %scan3A_70, %gt3A_107 : i32
      %convert_element_type3A_109 = arith.extui %gt3A_108 : i1 to i32
      %cond3A_110 = arith.constant 0 : i32
      %cond3A_111 = arith.cmpi ne, %convert_element_type3A_109, %cond3A_110 : i32
      scf.if %cond3A_111 {
        %dma_wait3A_190 = arith.constant 0 : i32
        %dma_wait3A_191 = arith.constant 0 : i32
        %dma_wait3A_192 = arith.constant 0 : i32
        %dma_wait3A_193 = tpu.memref_slice %arg4[%dma_wait3A_190, %dma_wait3A_191, %add3A, %dma_wait3A_192] : memref<200x8x32x1024xf32, #tpu.memory_space<hbm>> -> memref<1x8x1x1024xf32, #tpu.memory_space<hbm>>
        %dma_wait3A_194 = tpu.memref_squeeze %dma_wait3A_193 : memref<1x8x1x1024xf32, #tpu.memory_space<hbm>> -> memref<8x1024xf32, #tpu.memory_space<hbm>>
        %dma_wait3A_195 = arith.constant 0 : i32
        %dma_wait3A_196 = arith.constant 0 : i32
        %dma_wait3A_197 = tpu.memref_slice %arg4[%dma_wait3A_190, %dma_wait3A_195, %add3A, %dma_wait3A_196] : memref<200x8x32x1024xf32, #tpu.memory_space<hbm>> -> memref<1x8x1x1024xf32, #tpu.memory_space<hbm>>
        %dma_wait3A_198 = tpu.memref_squeeze %dma_wait3A_197 : memref<1x8x1x1024xf32, #tpu.memory_space<hbm>> -> memref<8x1024xf32, #tpu.memory_space<hbm>>
        tpu.wait_dma2 semaphore(%arg19 : memref<!tpu.dma_semaphore, #tpu.memory_space<semaphore_mem>>) src(%arg11 : memref<8x1024xf32, #tpu.memory_space<vmem>>) dst(%dma_wait3A_198 : memref<8x1024xf32, #tpu.memory_space<hbm>>)
      } else {
      }
      %parallel_loop3A_112 = arith.constant 0 : i32
      %parallel_loop3A_113 = arith.constant 32 : i32
      %parallel_loop3A_114 = arith.constant 1 : i32
      scf.for %parallel_loop3A_190 = %parallel_loop3A_112 to %parallel_loop3A_113 step %parallel_loop3A_114  : i32 {
        %parallel_loop3A_191 = arith.constant 2 : i32
        %parallel_loop3A_192 = arith.shrsi %parallel_loop3A_190, %parallel_loop3A_191 : i32
        %parallel_loop3A_193 = arith.constant 16 : i32
        %parallel_loop3A_194 = arith.muli %parallel_loop3A_192, %parallel_loop3A_193 : i32
        %parallel_loop3A_195 = arith.constant 3 : i32
        %parallel_loop3A_196 = arith.andi %parallel_loop3A_190, %parallel_loop3A_195 : i32
        %parallel_loop3A_197 = arith.constant 16 : i32
        %parallel_loop3A_198 = arith.muli %parallel_loop3A_196, %parallel_loop3A_197 : i32
        %parallel_loop3A_199 = vector.broadcast %parallel_loop3A_194 : i32 to vector<16xi32>
        %parallel_loop3A_200 = arith.addi %parallel_loop3A_199, %iota3A : vector<16xi32>
        %parallel_loop3A_201 = arith.constant 0 : i32
        %parallel_loop3A_202 = vector.broadcast %parallel_loop3A_201 : i32 to vector<16xi32>
        %parallel_loop3A_203 = arith.addi %iota3A, %parallel_loop3A_202 : vector<16xi32>
        %parallel_loop3A_204 = arith.constant 15 : i32
        %parallel_loop3A_205 = vector.broadcast %parallel_loop3A_204 : i32 to vector<16xi32>
        %parallel_loop3A_206 = arith.andi %parallel_loop3A_203, %parallel_loop3A_205 : vector<16xi32>
        %parallel_loop3A_207 = vector.broadcast %parallel_loop3A_198 : i32 to vector<16xi32>
        %parallel_loop3A_208 = arith.addi %parallel_loop3A_206, %parallel_loop3A_207 : vector<16xi32>
        %parallel_loop3A_209 = tpu.vector_load_idx %arg7[%parallel_loop3A_200, %parallel_loop3A_208] : memref<128x64xf32, #tpu.memory_space<vmem>>[vector<16xi32>, vector<16xi32>], vector<16xf32>,
        %parallel_loop3A_210 = arith.constant 3 : i32
        %parallel_loop3A_211 = vector.broadcast %parallel_loop3A_210 : i32 to vector<16xi32>
        %parallel_loop3A_212 = arith.shrsi %parallel_loop3A_208, %parallel_loop3A_211 : vector<16xi32>
        %parallel_loop3A_213 = arith.constant 7 : i32
        %parallel_loop3A_214 = vector.broadcast %parallel_loop3A_213 : i32 to vector<16xi32>
        %parallel_loop3A_215 = arith.andi %parallel_loop3A_208, %parallel_loop3A_214 : vector<16xi32>
        %parallel_loop3A_216 = arith.constant 7 : i32
        %parallel_loop3A_217 = vector.broadcast %parallel_loop3A_216 : i32 to vector<16xi32>
        %parallel_loop3A_218 = arith.shli %parallel_loop3A_215, %parallel_loop3A_217 : vector<16xi32>
        %parallel_loop3A_219 = arith.addi %parallel_loop3A_218, %parallel_loop3A_200 : vector<16xi32>
        tpu.vector_store_idx %arg11[%parallel_loop3A_212, %parallel_loop3A_219], %parallel_loop3A_209 : memref<8x1024xf32, #tpu.memory_space<vmem>>[vector<16xi32>, vector<16xi32>], vector<16xf32>,
        %parallel_loop3A_220 = arith.constant 1 : i32
        %parallel_loop3A_221 = vector.broadcast %parallel_loop3A_220 : i32 to vector<16xi32>
        %parallel_loop3A_222 = arith.addi %iota3A, %parallel_loop3A_221 : vector<16xi32>
        %parallel_loop3A_223 = arith.constant 15 : i32
        %parallel_loop3A_224 = vector.broadcast %parallel_loop3A_223 : i32 to vector<16xi32>
        %parallel_loop3A_225 = arith.andi %parallel_loop3A_222, %parallel_loop3A_224 : vector<16xi32>
        %parallel_loop3A_226 = vector.broadcast %parallel_loop3A_198 : i32 to vector<16xi32>
        %parallel_loop3A_227 = arith.addi %parallel_loop3A_225, %parallel_loop3A_226 : vector<16xi32>
        %parallel_loop3A_228 = tpu.vector_load_idx %arg7[%parallel_loop3A_200, %parallel_loop3A_227] : memref<128x64xf32, #tpu.memory_space<vmem>>[vector<16xi32>, vector<16xi32>], vector<16xf32>,
        %parallel_loop3A_229 = arith.constant 3 : i32
        %parallel_loop3A_230 = vector.broadcast %parallel_loop3A_229 : i32 to vector<16xi32>
        %parallel_loop3A_231 = arith.shrsi %parallel_loop3A_227, %parallel_loop3A_230 : vector<16xi32>
        %parallel_loop3A_232 = arith.constant 7 : i32
        %parallel_loop3A_233 = vector.broadcast %parallel_loop3A_232 : i32 to vector<16xi32>
        %parallel_loop3A_234 = arith.andi %parallel_loop3A_227, %parallel_loop3A_233 : vector<16xi32>
        %parallel_loop3A_235 = arith.constant 7 : i32
        %parallel_loop3A_236 = vector.broadcast %parallel_loop3A_235 : i32 to vector<16xi32>
        %parallel_loop3A_237 = arith.shli %parallel_loop3A_234, %parallel_loop3A_236 : vector<16xi32>
        %parallel_loop3A_238 = arith.addi %parallel_loop3A_237, %parallel_loop3A_200 : vector<16xi32>
        tpu.vector_store_idx %arg11[%parallel_loop3A_231, %parallel_loop3A_238], %parallel_loop3A_228 : memref<8x1024xf32, #tpu.memory_space<vmem>>[vector<16xi32>, vector<16xi32>], vector<16xf32>,
        %parallel_loop3A_239 = arith.constant 2 : i32
        %parallel_loop3A_240 = vector.broadcast %parallel_loop3A_239 : i32 to vector<16xi32>
        %parallel_loop3A_241 = arith.addi %iota3A, %parallel_loop3A_240 : vector<16xi32>
        %parallel_loop3A_242 = arith.constant 15 : i32
        %parallel_loop3A_243 = vector.broadcast %parallel_loop3A_242 : i32 to vector<16xi32>
        %parallel_loop3A_244 = arith.andi %parallel_loop3A_241, %parallel_loop3A_243 : vector<16xi32>
        %parallel_loop3A_245 = vector.broadcast %parallel_loop3A_198 : i32 to vector<16xi32>
        %parallel_loop3A_246 = arith.addi %parallel_loop3A_244, %parallel_loop3A_245 : vector<16xi32>
        %parallel_loop3A_247 = tpu.vector_load_idx %arg7[%parallel_loop3A_200, %parallel_loop3A_246] : memref<128x64xf32, #tpu.memory_space<vmem>>[vector<16xi32>, vector<16xi32>], vector<16xf32>,
        %parallel_loop3A_248 = arith.constant 3 : i32
        %parallel_loop3A_249 = vector.broadcast %parallel_loop3A_248 : i32 to vector<16xi32>
        %parallel_loop3A_250 = arith.shrsi %parallel_loop3A_246, %parallel_loop3A_249 : vector<16xi32>
        %parallel_loop3A_251 = arith.constant 7 : i32
        %parallel_loop3A_252 = vector.broadcast %parallel_loop3A_251 : i32 to vector<16xi32>
        %parallel_loop3A_253 = arith.andi %parallel_loop3A_246, %parallel_loop3A_252 : vector<16xi32>
        %parallel_loop3A_254 = arith.constant 7 : i32
        %parallel_loop3A_255 = vector.broadcast %parallel_loop3A_254 : i32 to vector<16xi32>
        %parallel_loop3A_256 = arith.shli %parallel_loop3A_253, %parallel_loop3A_255 : vector<16xi32>
        %parallel_loop3A_257 = arith.addi %parallel_loop3A_256, %parallel_loop3A_200 : vector<16xi32>
        tpu.vector_store_idx %arg11[%parallel_loop3A_250, %parallel_loop3A_257], %parallel_loop3A_247 : memref<8x1024xf32, #tpu.memory_space<vmem>>[vector<16xi32>, vector<16xi32>], vector<16xf32>,
        %parallel_loop3A_258 = arith.constant 3 : i32
        %parallel_loop3A_259 = vector.broadcast %parallel_loop3A_258 : i32 to vector<16xi32>
        %parallel_loop3A_260 = arith.addi %iota3A, %parallel_loop3A_259 : vector<16xi32>
        %parallel_loop3A_261 = arith.constant 15 : i32
        %parallel_loop3A_262 = vector.broadcast %parallel_loop3A_261 : i32 to vector<16xi32>
        %parallel_loop3A_263 = arith.andi %parallel_loop3A_260, %parallel_loop3A_262 : vector<16xi32>
        %parallel_loop3A_264 = vector.broadcast %parallel_loop3A_198 : i32 to vector<16xi32>
        %parallel_loop3A_265 = arith.addi %parallel_loop3A_263, %parallel_loop3A_264 : vector<16xi32>
        %parallel_loop3A_266 = tpu.vector_load_idx %arg7[%parallel_loop3A_200, %parallel_loop3A_265] : memref<128x64xf32, #tpu.memory_space<vmem>>[vector<16xi32>, vector<16xi32>], vector<16xf32>,
        %parallel_loop3A_267 = arith.constant 3 : i32
        %parallel_loop3A_268 = vector.broadcast %parallel_loop3A_267 : i32 to vector<16xi32>
        %parallel_loop3A_269 = arith.shrsi %parallel_loop3A_265, %parallel_loop3A_268 : vector<16xi32>
        %parallel_loop3A_270 = arith.constant 7 : i32
        %parallel_loop3A_271 = vector.broadcast %parallel_loop3A_270 : i32 to vector<16xi32>
        %parallel_loop3A_272 = arith.andi %parallel_loop3A_265, %parallel_loop3A_271 : vector<16xi32>
        %parallel_loop3A_273 = arith.constant 7 : i32
        %parallel_loop3A_274 = vector.broadcast %parallel_loop3A_273 : i32 to vector<16xi32>
        %parallel_loop3A_275 = arith.shli %parallel_loop3A_272, %parallel_loop3A_274 : vector<16xi32>
        %parallel_loop3A_276 = arith.addi %parallel_loop3A_275, %parallel_loop3A_200 : vector<16xi32>
        tpu.vector_store_idx %arg11[%parallel_loop3A_269, %parallel_loop3A_276], %parallel_loop3A_266 : memref<8x1024xf32, #tpu.memory_space<vmem>>[vector<16xi32>, vector<16xi32>], vector<16xf32>,
        %parallel_loop3A_277 = arith.constant 4 : i32
        %parallel_loop3A_278 = vector.broadcast %parallel_loop3A_277 : i32 to vector<16xi32>
        %parallel_loop3A_279 = arith.addi %iota3A, %parallel_loop3A_278 : vector<16xi32>
        %parallel_loop3A_280 = arith.constant 15 : i32
        %parallel_loop3A_281 = vector.broadcast %parallel_loop3A_280 : i32 to vector<16xi32>
        %parallel_loop3A_282 = arith.andi %parallel_loop3A_279, %parallel_loop3A_281 : vector<16xi32>
        %parallel_loop3A_283 = vector.broadcast %parallel_loop3A_198 : i32 to vector<16xi32>
        %parallel_loop3A_284 = arith.addi %parallel_loop3A_282, %parallel_loop3A_283 : vector<16xi32>
        %parallel_loop3A_285 = tpu.vector_load_idx %arg7[%parallel_loop3A_200, %parallel_loop3A_284] : memref<128x64xf32, #tpu.memory_space<vmem>>[vector<16xi32>, vector<16xi32>], vector<16xf32>,
        %parallel_loop3A_286 = arith.constant 3 : i32
        %parallel_loop3A_287 = vector.broadcast %parallel_loop3A_286 : i32 to vector<16xi32>
        %parallel_loop3A_288 = arith.shrsi %parallel_loop3A_284, %parallel_loop3A_287 : vector<16xi32>
        %parallel_loop3A_289 = arith.constant 7 : i32
        %parallel_loop3A_290 = vector.broadcast %parallel_loop3A_289 : i32 to vector<16xi32>
        %parallel_loop3A_291 = arith.andi %parallel_loop3A_284, %parallel_loop3A_290 : vector<16xi32>
        %parallel_loop3A_292 = arith.constant 7 : i32
        %parallel_loop3A_293 = vector.broadcast %parallel_loop3A_292 : i32 to vector<16xi32>
        %parallel_loop3A_294 = arith.shli %parallel_loop3A_291, %parallel_loop3A_293 : vector<16xi32>
        %parallel_loop3A_295 = arith.addi %parallel_loop3A_294, %parallel_loop3A_200 : vector<16xi32>
        tpu.vector_store_idx %arg11[%parallel_loop3A_288, %parallel_loop3A_295], %parallel_loop3A_285 : memref<8x1024xf32, #tpu.memory_space<vmem>>[vector<16xi32>, vector<16xi32>], vector<16xf32>,
        %parallel_loop3A_296 = arith.constant 5 : i32
        %parallel_loop3A_297 = vector.broadcast %parallel_loop3A_296 : i32 to vector<16xi32>
        %parallel_loop3A_298 = arith.addi %iota3A, %parallel_loop3A_297 : vector<16xi32>
        %parallel_loop3A_299 = arith.constant 15 : i32
        %parallel_loop3A_300 = vector.broadcast %parallel_loop3A_299 : i32 to vector<16xi32>
        %parallel_loop3A_301 = arith.andi %parallel_loop3A_298, %parallel_loop3A_300 : vector<16xi32>
        %parallel_loop3A_302 = vector.broadcast %parallel_loop3A_198 : i32 to vector<16xi32>
        %parallel_loop3A_303 = arith.addi %parallel_loop3A_301, %parallel_loop3A_302 : vector<16xi32>
        %parallel_loop3A_304 = tpu.vector_load_idx %arg7[%parallel_loop3A_200, %parallel_loop3A_303] : memref<128x64xf32, #tpu.memory_space<vmem>>[vector<16xi32>, vector<16xi32>], vector<16xf32>,
        %parallel_loop3A_305 = arith.constant 3 : i32
        %parallel_loop3A_306 = vector.broadcast %parallel_loop3A_305 : i32 to vector<16xi32>
        %parallel_loop3A_307 = arith.shrsi %parallel_loop3A_303, %parallel_loop3A_306 : vector<16xi32>
        %parallel_loop3A_308 = arith.constant 7 : i32
        %parallel_loop3A_309 = vector.broadcast %parallel_loop3A_308 : i32 to vector<16xi32>
        %parallel_loop3A_310 = arith.andi %parallel_loop3A_303, %parallel_loop3A_309 : vector<16xi32>
        %parallel_loop3A_311 = arith.constant 7 : i32
        %parallel_loop3A_312 = vector.broadcast %parallel_loop3A_311 : i32 to vector<16xi32>
        %parallel_loop3A_313 = arith.shli %parallel_loop3A_310, %parallel_loop3A_312 : vector<16xi32>
        %parallel_loop3A_314 = arith.addi %parallel_loop3A_313, %parallel_loop3A_200 : vector<16xi32>
        tpu.vector_store_idx %arg11[%parallel_loop3A_307, %parallel_loop3A_314], %parallel_loop3A_304 : memref<8x1024xf32, #tpu.memory_space<vmem>>[vector<16xi32>, vector<16xi32>], vector<16xf32>,
        %parallel_loop3A_315 = arith.constant 6 : i32
        %parallel_loop3A_316 = vector.broadcast %parallel_loop3A_315 : i32 to vector<16xi32>
        %parallel_loop3A_317 = arith.addi %iota3A, %parallel_loop3A_316 : vector<16xi32>
        %parallel_loop3A_318 = arith.constant 15 : i32
        %parallel_loop3A_319 = vector.broadcast %parallel_loop3A_318 : i32 to vector<16xi32>
        %parallel_loop3A_320 = arith.andi %parallel_loop3A_317, %parallel_loop3A_319 : vector<16xi32>
        %parallel_loop3A_321 = vector.broadcast %parallel_loop3A_198 : i32 to vector<16xi32>
        %parallel_loop3A_322 = arith.addi %parallel_loop3A_320, %parallel_loop3A_321 : vector<16xi32>
        %parallel_loop3A_323 = tpu.vector_load_idx %arg7[%parallel_loop3A_200, %parallel_loop3A_322] : memref<128x64xf32, #tpu.memory_space<vmem>>[vector<16xi32>, vector<16xi32>], vector<16xf32>,
        %parallel_loop3A_324 = arith.constant 3 : i32
        %parallel_loop3A_325 = vector.broadcast %parallel_loop3A_324 : i32 to vector<16xi32>
        %parallel_loop3A_326 = arith.shrsi %parallel_loop3A_322, %parallel_loop3A_325 : vector<16xi32>
        %parallel_loop3A_327 = arith.constant 7 : i32
        %parallel_loop3A_328 = vector.broadcast %parallel_loop3A_327 : i32 to vector<16xi32>
        %parallel_loop3A_329 = arith.andi %parallel_loop3A_322, %parallel_loop3A_328 : vector<16xi32>
        %parallel_loop3A_330 = arith.constant 7 : i32
        %parallel_loop3A_331 = vector.broadcast %parallel_loop3A_330 : i32 to vector<16xi32>
        %parallel_loop3A_332 = arith.shli %parallel_loop3A_329, %parallel_loop3A_331 : vector<16xi32>
        %parallel_loop3A_333 = arith.addi %parallel_loop3A_332, %parallel_loop3A_200 : vector<16xi32>
        tpu.vector_store_idx %arg11[%parallel_loop3A_326, %parallel_loop3A_333], %parallel_loop3A_323 : memref<8x1024xf32, #tpu.memory_space<vmem>>[vector<16xi32>, vector<16xi32>], vector<16xf32>,
        %parallel_loop3A_334 = arith.constant 7 : i32
        %parallel_loop3A_335 = vector.broadcast %parallel_loop3A_334 : i32 to vector<16xi32>
        %parallel_loop3A_336 = arith.addi %iota3A, %parallel_loop3A_335 : vector<16xi32>
        %parallel_loop3A_337 = arith.constant 15 : i32
        %parallel_loop3A_338 = vector.broadcast %parallel_loop3A_337 : i32 to vector<16xi32>
        %parallel_loop3A_339 = arith.andi %parallel_loop3A_336, %parallel_loop3A_338 : vector<16xi32>
        %parallel_loop3A_340 = vector.broadcast %parallel_loop3A_198 : i32 to vector<16xi32>
        %parallel_loop3A_341 = arith.addi %parallel_loop3A_339, %parallel_loop3A_340 : vector<16xi32>
        %parallel_loop3A_342 = tpu.vector_load_idx %arg7[%parallel_loop3A_200, %parallel_loop3A_341] : memref<128x64xf32, #tpu.memory_space<vmem>>[vector<16xi32>, vector<16xi32>], vector<16xf32>,
        %parallel_loop3A_343 = arith.constant 3 : i32
        %parallel_loop3A_344 = vector.broadcast %parallel_loop3A_343 : i32 to vector<16xi32>
        %parallel_loop3A_345 = arith.shrsi %parallel_loop3A_341, %parallel_loop3A_344 : vector<16xi32>
        %parallel_loop3A_346 = arith.constant 7 : i32
        %parallel_loop3A_347 = vector.broadcast %parallel_loop3A_346 : i32 to vector<16xi32>
        %parallel_loop3A_348 = arith.andi %parallel_loop3A_341, %parallel_loop3A_347 : vector<16xi32>
        %parallel_loop3A_349 = arith.constant 7 : i32
        %parallel_loop3A_350 = vector.broadcast %parallel_loop3A_349 : i32 to vector<16xi32>
        %parallel_loop3A_351 = arith.shli %parallel_loop3A_348, %parallel_loop3A_350 : vector<16xi32>
        %parallel_loop3A_352 = arith.addi %parallel_loop3A_351, %parallel_loop3A_200 : vector<16xi32>
        tpu.vector_store_idx %arg11[%parallel_loop3A_345, %parallel_loop3A_352], %parallel_loop3A_342 : memref<8x1024xf32, #tpu.memory_space<vmem>>[vector<16xi32>, vector<16xi32>], vector<16xf32>,
        %parallel_loop3A_353 = arith.constant 8 : i32
        %parallel_loop3A_354 = vector.broadcast %parallel_loop3A_353 : i32 to vector<16xi32>
        %parallel_loop3A_355 = arith.addi %iota3A, %parallel_loop3A_354 : vector<16xi32>
        %parallel_loop3A_356 = arith.constant 15 : i32
        %parallel_loop3A_357 = vector.broadcast %parallel_loop3A_356 : i32 to vector<16xi32>
        %parallel_loop3A_358 = arith.andi %parallel_loop3A_355, %parallel_loop3A_357 : vector<16xi32>
        %parallel_loop3A_359 = vector.broadcast %parallel_loop3A_198 : i32 to vector<16xi32>
        %parallel_loop3A_360 = arith.addi %parallel_loop3A_358, %parallel_loop3A_359 : vector<16xi32>
        %parallel_loop3A_361 = tpu.vector_load_idx %arg7[%parallel_loop3A_200, %parallel_loop3A_360] : memref<128x64xf32, #tpu.memory_space<vmem>>[vector<16xi32>, vector<16xi32>], vector<16xf32>,
        %parallel_loop3A_362 = arith.constant 3 : i32
        %parallel_loop3A_363 = vector.broadcast %parallel_loop3A_362 : i32 to vector<16xi32>
        %parallel_loop3A_364 = arith.shrsi %parallel_loop3A_360, %parallel_loop3A_363 : vector<16xi32>
        %parallel_loop3A_365 = arith.constant 7 : i32
        %parallel_loop3A_366 = vector.broadcast %parallel_loop3A_365 : i32 to vector<16xi32>
        %parallel_loop3A_367 = arith.andi %parallel_loop3A_360, %parallel_loop3A_366 : vector<16xi32>
        %parallel_loop3A_368 = arith.constant 7 : i32
        %parallel_loop3A_369 = vector.broadcast %parallel_loop3A_368 : i32 to vector<16xi32>
        %parallel_loop3A_370 = arith.shli %parallel_loop3A_367, %parallel_loop3A_369 : vector<16xi32>
        %parallel_loop3A_371 = arith.addi %parallel_loop3A_370, %parallel_loop3A_200 : vector<16xi32>
        tpu.vector_store_idx %arg11[%parallel_loop3A_364, %parallel_loop3A_371], %parallel_loop3A_361 : memref<8x1024xf32, #tpu.memory_space<vmem>>[vector<16xi32>, vector<16xi32>], vector<16xf32>,
        %parallel_loop3A_372 = arith.constant 9 : i32
        %parallel_loop3A_373 = vector.broadcast %parallel_loop3A_372 : i32 to vector<16xi32>
        %parallel_loop3A_374 = arith.addi %iota3A, %parallel_loop3A_373 : vector<16xi32>
        %parallel_loop3A_375 = arith.constant 15 : i32
        %parallel_loop3A_376 = vector.broadcast %parallel_loop3A_375 : i32 to vector<16xi32>
        %parallel_loop3A_377 = arith.andi %parallel_loop3A_374, %parallel_loop3A_376 : vector<16xi32>
        %parallel_loop3A_378 = vector.broadcast %parallel_loop3A_198 : i32 to vector<16xi32>
        %parallel_loop3A_379 = arith.addi %parallel_loop3A_377, %parallel_loop3A_378 : vector<16xi32>
        %parallel_loop3A_380 = tpu.vector_load_idx %arg7[%parallel_loop3A_200, %parallel_loop3A_379] : memref<128x64xf32, #tpu.memory_space<vmem>>[vector<16xi32>, vector<16xi32>], vector<16xf32>,
        %parallel_loop3A_381 = arith.constant 3 : i32
        %parallel_loop3A_382 = vector.broadcast %parallel_loop3A_381 : i32 to vector<16xi32>
        %parallel_loop3A_383 = arith.shrsi %parallel_loop3A_379, %parallel_loop3A_382 : vector<16xi32>
        %parallel_loop3A_384 = arith.constant 7 : i32
        %parallel_loop3A_385 = vector.broadcast %parallel_loop3A_384 : i32 to vector<16xi32>
        %parallel_loop3A_386 = arith.andi %parallel_loop3A_379, %parallel_loop3A_385 : vector<16xi32>
        %parallel_loop3A_387 = arith.constant 7 : i32
        %parallel_loop3A_388 = vector.broadcast %parallel_loop3A_387 : i32 to vector<16xi32>
        %parallel_loop3A_389 = arith.shli %parallel_loop3A_386, %parallel_loop3A_388 : vector<16xi32>
        %parallel_loop3A_390 = arith.addi %parallel_loop3A_389, %parallel_loop3A_200 : vector<16xi32>
        tpu.vector_store_idx %arg11[%parallel_loop3A_383, %parallel_loop3A_390], %parallel_loop3A_380 : memref<8x1024xf32, #tpu.memory_space<vmem>>[vector<16xi32>, vector<16xi32>], vector<16xf32>,
        %parallel_loop3A_391 = arith.constant 10 : i32
        %parallel_loop3A_392 = vector.broadcast %parallel_loop3A_391 : i32 to vector<16xi32>
        %parallel_loop3A_393 = arith.addi %iota3A, %parallel_loop3A_392 : vector<16xi32>
        %parallel_loop3A_394 = arith.constant 15 : i32
        %parallel_loop3A_395 = vector.broadcast %parallel_loop3A_394 : i32 to vector<16xi32>
        %parallel_loop3A_396 = arith.andi %parallel_loop3A_393, %parallel_loop3A_395 : vector<16xi32>
        %parallel_loop3A_397 = vector.broadcast %parallel_loop3A_198 : i32 to vector<16xi32>
        %parallel_loop3A_398 = arith.addi %parallel_loop3A_396, %parallel_loop3A_397 : vector<16xi32>
        %parallel_loop3A_399 = tpu.vector_load_idx %arg7[%parallel_loop3A_200, %parallel_loop3A_398] : memref<128x64xf32, #tpu.memory_space<vmem>>[vector<16xi32>, vector<16xi32>], vector<16xf32>,
        %parallel_loop3A_400 = arith.constant 3 : i32
        %parallel_loop3A_401 = vector.broadcast %parallel_loop3A_400 : i32 to vector<16xi32>
        %parallel_loop3A_402 = arith.shrsi %parallel_loop3A_398, %parallel_loop3A_401 : vector<16xi32>
        %parallel_loop3A_403 = arith.constant 7 : i32
        %parallel_loop3A_404 = vector.broadcast %parallel_loop3A_403 : i32 to vector<16xi32>
        %parallel_loop3A_405 = arith.andi %parallel_loop3A_398, %parallel_loop3A_404 : vector<16xi32>
        %parallel_loop3A_406 = arith.constant 7 : i32
        %parallel_loop3A_407 = vector.broadcast %parallel_loop3A_406 : i32 to vector<16xi32>
        %parallel_loop3A_408 = arith.shli %parallel_loop3A_405, %parallel_loop3A_407 : vector<16xi32>
        %parallel_loop3A_409 = arith.addi %parallel_loop3A_408, %parallel_loop3A_200 : vector<16xi32>
        tpu.vector_store_idx %arg11[%parallel_loop3A_402, %parallel_loop3A_409], %parallel_loop3A_399 : memref<8x1024xf32, #tpu.memory_space<vmem>>[vector<16xi32>, vector<16xi32>], vector<16xf32>,
        %parallel_loop3A_410 = arith.constant 11 : i32
        %parallel_loop3A_411 = vector.broadcast %parallel_loop3A_410 : i32 to vector<16xi32>
        %parallel_loop3A_412 = arith.addi %iota3A, %parallel_loop3A_411 : vector<16xi32>
        %parallel_loop3A_413 = arith.constant 15 : i32
        %parallel_loop3A_414 = vector.broadcast %parallel_loop3A_413 : i32 to vector<16xi32>
        %parallel_loop3A_415 = arith.andi %parallel_loop3A_412, %parallel_loop3A_414 : vector<16xi32>
        %parallel_loop3A_416 = vector.broadcast %parallel_loop3A_198 : i32 to vector<16xi32>
        %parallel_loop3A_417 = arith.addi %parallel_loop3A_415, %parallel_loop3A_416 : vector<16xi32>
        %parallel_loop3A_418 = tpu.vector_load_idx %arg7[%parallel_loop3A_200, %parallel_loop3A_417] : memref<128x64xf32, #tpu.memory_space<vmem>>[vector<16xi32>, vector<16xi32>], vector<16xf32>,
        %parallel_loop3A_419 = arith.constant 3 : i32
        %parallel_loop3A_420 = vector.broadcast %parallel_loop3A_419 : i32 to vector<16xi32>
        %parallel_loop3A_421 = arith.shrsi %parallel_loop3A_417, %parallel_loop3A_420 : vector<16xi32>
        %parallel_loop3A_422 = arith.constant 7 : i32
        %parallel_loop3A_423 = vector.broadcast %parallel_loop3A_422 : i32 to vector<16xi32>
        %parallel_loop3A_424 = arith.andi %parallel_loop3A_417, %parallel_loop3A_423 : vector<16xi32>
        %parallel_loop3A_425 = arith.constant 7 : i32
        %parallel_loop3A_426 = vector.broadcast %parallel_loop3A_425 : i32 to vector<16xi32>
        %parallel_loop3A_427 = arith.shli %parallel_loop3A_424, %parallel_loop3A_426 : vector<16xi32>
        %parallel_loop3A_428 = arith.addi %parallel_loop3A_427, %parallel_loop3A_200 : vector<16xi32>
        tpu.vector_store_idx %arg11[%parallel_loop3A_421, %parallel_loop3A_428], %parallel_loop3A_418 : memref<8x1024xf32, #tpu.memory_space<vmem>>[vector<16xi32>, vector<16xi32>], vector<16xf32>,
        %parallel_loop3A_429 = arith.constant 12 : i32
        %parallel_loop3A_430 = vector.broadcast %parallel_loop3A_429 : i32 to vector<16xi32>
        %parallel_loop3A_431 = arith.addi %iota3A, %parallel_loop3A_430 : vector<16xi32>
        %parallel_loop3A_432 = arith.constant 15 : i32
        %parallel_loop3A_433 = vector.broadcast %parallel_loop3A_432 : i32 to vector<16xi32>
        %parallel_loop3A_434 = arith.andi %parallel_loop3A_431, %parallel_loop3A_433 : vector<16xi32>
        %parallel_loop3A_435 = vector.broadcast %parallel_loop3A_198 : i32 to vector<16xi32>
        %parallel_loop3A_436 = arith.addi %parallel_loop3A_434, %parallel_loop3A_435 : vector<16xi32>
        %parallel_loop3A_437 = tpu.vector_load_idx %arg7[%parallel_loop3A_200, %parallel_loop3A_436] : memref<128x64xf32, #tpu.memory_space<vmem>>[vector<16xi32>, vector<16xi32>], vector<16xf32>,
        %parallel_loop3A_438 = arith.constant 3 : i32
        %parallel_loop3A_439 = vector.broadcast %parallel_loop3A_438 : i32 to vector<16xi32>
        %parallel_loop3A_440 = arith.shrsi %parallel_loop3A_436, %parallel_loop3A_439 : vector<16xi32>
        %parallel_loop3A_441 = arith.constant 7 : i32
        %parallel_loop3A_442 = vector.broadcast %parallel_loop3A_441 : i32 to vector<16xi32>
        %parallel_loop3A_443 = arith.andi %parallel_loop3A_436, %parallel_loop3A_442 : vector<16xi32>
        %parallel_loop3A_444 = arith.constant 7 : i32
        %parallel_loop3A_445 = vector.broadcast %parallel_loop3A_444 : i32 to vector<16xi32>
        %parallel_loop3A_446 = arith.shli %parallel_loop3A_443, %parallel_loop3A_445 : vector<16xi32>
        %parallel_loop3A_447 = arith.addi %parallel_loop3A_446, %parallel_loop3A_200 : vector<16xi32>
        tpu.vector_store_idx %arg11[%parallel_loop3A_440, %parallel_loop3A_447], %parallel_loop3A_437 : memref<8x1024xf32, #tpu.memory_space<vmem>>[vector<16xi32>, vector<16xi32>], vector<16xf32>,
        %parallel_loop3A_448 = arith.constant 13 : i32
        %parallel_loop3A_449 = vector.broadcast %parallel_loop3A_448 : i32 to vector<16xi32>
        %parallel_loop3A_450 = arith.addi %iota3A, %parallel_loop3A_449 : vector<16xi32>
        %parallel_loop3A_451 = arith.constant 15 : i32
        %parallel_loop3A_452 = vector.broadcast %parallel_loop3A_451 : i32 to vector<16xi32>
        %parallel_loop3A_453 = arith.andi %parallel_loop3A_450, %parallel_loop3A_452 : vector<16xi32>
        %parallel_loop3A_454 = vector.broadcast %parallel_loop3A_198 : i32 to vector<16xi32>
        %parallel_loop3A_455 = arith.addi %parallel_loop3A_453, %parallel_loop3A_454 : vector<16xi32>
        %parallel_loop3A_456 = tpu.vector_load_idx %arg7[%parallel_loop3A_200, %parallel_loop3A_455] : memref<128x64xf32, #tpu.memory_space<vmem>>[vector<16xi32>, vector<16xi32>], vector<16xf32>,
        %parallel_loop3A_457 = arith.constant 3 : i32
        %parallel_loop3A_458 = vector.broadcast %parallel_loop3A_457 : i32 to vector<16xi32>
        %parallel_loop3A_459 = arith.shrsi %parallel_loop3A_455, %parallel_loop3A_458 : vector<16xi32>
        %parallel_loop3A_460 = arith.constant 7 : i32
        %parallel_loop3A_461 = vector.broadcast %parallel_loop3A_460 : i32 to vector<16xi32>
        %parallel_loop3A_462 = arith.andi %parallel_loop3A_455, %parallel_loop3A_461 : vector<16xi32>
        %parallel_loop3A_463 = arith.constant 7 : i32
        %parallel_loop3A_464 = vector.broadcast %parallel_loop3A_463 : i32 to vector<16xi32>
        %parallel_loop3A_465 = arith.shli %parallel_loop3A_462, %parallel_loop3A_464 : vector<16xi32>
        %parallel_loop3A_466 = arith.addi %parallel_loop3A_465, %parallel_loop3A_200 : vector<16xi32>
        tpu.vector_store_idx %arg11[%parallel_loop3A_459, %parallel_loop3A_466], %parallel_loop3A_456 : memref<8x1024xf32, #tpu.memory_space<vmem>>[vector<16xi32>, vector<16xi32>], vector<16xf32>,
        %parallel_loop3A_467 = arith.constant 14 : i32
        %parallel_loop3A_468 = vector.broadcast %parallel_loop3A_467 : i32 to vector<16xi32>
        %parallel_loop3A_469 = arith.addi %iota3A, %parallel_loop3A_468 : vector<16xi32>
        %parallel_loop3A_470 = arith.constant 15 : i32
        %parallel_loop3A_471 = vector.broadcast %parallel_loop3A_470 : i32 to vector<16xi32>
        %parallel_loop3A_472 = arith.andi %parallel_loop3A_469, %parallel_loop3A_471 : vector<16xi32>
        %parallel_loop3A_473 = vector.broadcast %parallel_loop3A_198 : i32 to vector<16xi32>
        %parallel_loop3A_474 = arith.addi %parallel_loop3A_472, %parallel_loop3A_473 : vector<16xi32>
        %parallel_loop3A_475 = tpu.vector_load_idx %arg7[%parallel_loop3A_200, %parallel_loop3A_474] : memref<128x64xf32, #tpu.memory_space<vmem>>[vector<16xi32>, vector<16xi32>], vector<16xf32>,
        %parallel_loop3A_476 = arith.constant 3 : i32
        %parallel_loop3A_477 = vector.broadcast %parallel_loop3A_476 : i32 to vector<16xi32>
        %parallel_loop3A_478 = arith.shrsi %parallel_loop3A_474, %parallel_loop3A_477 : vector<16xi32>
        %parallel_loop3A_479 = arith.constant 7 : i32
        %parallel_loop3A_480 = vector.broadcast %parallel_loop3A_479 : i32 to vector<16xi32>
        %parallel_loop3A_481 = arith.andi %parallel_loop3A_474, %parallel_loop3A_480 : vector<16xi32>
        %parallel_loop3A_482 = arith.constant 7 : i32
        %parallel_loop3A_483 = vector.broadcast %parallel_loop3A_482 : i32 to vector<16xi32>
        %parallel_loop3A_484 = arith.shli %parallel_loop3A_481, %parallel_loop3A_483 : vector<16xi32>
        %parallel_loop3A_485 = arith.addi %parallel_loop3A_484, %parallel_loop3A_200 : vector<16xi32>
        tpu.vector_store_idx %arg11[%parallel_loop3A_478, %parallel_loop3A_485], %parallel_loop3A_475 : memref<8x1024xf32, #tpu.memory_space<vmem>>[vector<16xi32>, vector<16xi32>], vector<16xf32>,
        %parallel_loop3A_486 = arith.constant 15 : i32
        %parallel_loop3A_487 = vector.broadcast %parallel_loop3A_486 : i32 to vector<16xi32>
        %parallel_loop3A_488 = arith.addi %iota3A, %parallel_loop3A_487 : vector<16xi32>
        %parallel_loop3A_489 = arith.constant 15 : i32
        %parallel_loop3A_490 = vector.broadcast %parallel_loop3A_489 : i32 to vector<16xi32>
        %parallel_loop3A_491 = arith.andi %parallel_loop3A_488, %parallel_loop3A_490 : vector<16xi32>
        %parallel_loop3A_492 = vector.broadcast %parallel_loop3A_198 : i32 to vector<16xi32>
        %parallel_loop3A_493 = arith.addi %parallel_loop3A_491, %parallel_loop3A_492 : vector<16xi32>
        %parallel_loop3A_494 = tpu.vector_load_idx %arg7[%parallel_loop3A_200, %parallel_loop3A_493] : memref<128x64xf32, #tpu.memory_space<vmem>>[vector<16xi32>, vector<16xi32>], vector<16xf32>,
        %parallel_loop3A_495 = arith.constant 3 : i32
        %parallel_loop3A_496 = vector.broadcast %parallel_loop3A_495 : i32 to vector<16xi32>
        %parallel_loop3A_497 = arith.shrsi %parallel_loop3A_493, %parallel_loop3A_496 : vector<16xi32>
        %parallel_loop3A_498 = arith.constant 7 : i32
        %parallel_loop3A_499 = vector.broadcast %parallel_loop3A_498 : i32 to vector<16xi32>
        %parallel_loop3A_500 = arith.andi %parallel_loop3A_493, %parallel_loop3A_499 : vector<16xi32>
        %parallel_loop3A_501 = arith.constant 7 : i32
        %parallel_loop3A_502 = vector.broadcast %parallel_loop3A_501 : i32 to vector<16xi32>
        %parallel_loop3A_503 = arith.shli %parallel_loop3A_500, %parallel_loop3A_502 : vector<16xi32>
        %parallel_loop3A_504 = arith.addi %parallel_loop3A_503, %parallel_loop3A_200 : vector<16xi32>
        tpu.vector_store_idx %arg11[%parallel_loop3A_497, %parallel_loop3A_504], %parallel_loop3A_494 : memref<8x1024xf32, #tpu.memory_space<vmem>>[vector<16xi32>, vector<16xi32>], vector<16xf32>,
      } {sc.loop_unroll_factor = 2 : i64, sc.parallel_access}
      %lt3A_115 = arith.constant 49 : i32
      %lt3A_116 = arith.cmpi slt, %scan3A_70, %lt3A_115 : i32
      %convert_element_type3A_117 = arith.extui %lt3A_116 : i1 to i32
      %cond3A_118 = arith.constant 0 : i32
      %cond3A_119 = arith.cmpi ne, %convert_element_type3A_117, %cond3A_118 : i32
      scf.if %cond3A_119 {
        %add3A_190 = arith.constant 4 : i32
        %add3A_191 = arith.addi %add3A_100, %add3A_190 : i32
        %dma_start3A_192 = arith.constant 0 : i32
        %dma_start3A_193 = tpu.memref_slice %arg5[%add3A_191, %dma_start3A_192] : memref<200x128xi32, #tpu.memory_space<vmem>> -> memref<1x128xi32, #tpu.memory_space<vmem>>
        %dma_start3A_194 = tpu.memref_squeeze %dma_start3A_193 : memref<1x128xi32, #tpu.memory_space<vmem>> -> memref<128xi32, #tpu.memory_space<vmem>>
        %dma_start3A_195 = arith.constant 0 : i32
        %dma_start3A_196 = arith.constant 0 : i32
        %dma_start3A_197 = tpu.memref_slice %arg2[%dma_start3A_195, %dma_start3A_196] : memref<100000x64xf32, #tpu.memory_space<hbm>> -> memref<100000x64xf32, #tpu.memory_space<hbm>>
        tpu.enqueue_indirect_dma source(%dma_start3A_197 : memref<100000x64xf32, #tpu.memory_space<hbm>>) target(%arg7 : memref<128x64xf32, #tpu.memory_space<vmem>>) offsets(%dma_start3A_194 : memref<128xi32, #tpu.memory_space<vmem>>) semaphore(%arg15 : memref<!tpu.dma_semaphore, #tpu.memory_space<semaphore_mem>>)
      } else {
      }
      %dma_start3A_120 = arith.constant 0 : i32
      %dma_start3A_121 = arith.constant 0 : i32
      %dma_start3A_122 = tpu.memref_slice %arg4[%add3A_100, %dma_start3A_120, %add3A, %dma_start3A_121] : memref<200x8x32x1024xf32, #tpu.memory_space<hbm>> -> memref<1x8x1x1024xf32, #tpu.memory_space<hbm>>
      %dma_start3A_123 = tpu.memref_squeeze %dma_start3A_122 : memref<1x8x1x1024xf32, #tpu.memory_space<hbm>> -> memref<8x1024xf32, #tpu.memory_space<hbm>>
      %dma_start3A_124 = arith.constant 0 : i32
      %dma_start3A_125 = arith.constant 0 : i32
      %dma_start3A_126 = tpu.memref_slice %arg4[%add3A_100, %dma_start3A_124, %add3A, %dma_start3A_125] : memref<200x8x32x1024xf32, #tpu.memory_space<hbm>> -> memref<1x8x1x1024xf32, #tpu.memory_space<hbm>>
      %dma_start3A_127 = tpu.memref_squeeze %dma_start3A_126 : memref<1x8x1x1024xf32, #tpu.memory_space<hbm>> -> memref<8x1024xf32, #tpu.memory_space<hbm>>
      tpu.enqueue_dma source(%arg11 : memref<8x1024xf32, #tpu.memory_space<vmem>>) target(%dma_start3A_127 : memref<8x1024xf32, #tpu.memory_space<hbm>>) target_semaphore(%arg19 : memref<!tpu.dma_semaphore, #tpu.memory_space<semaphore_mem>>)
      %mul3A_128 = arith.constant 4 : i32
      %mul3A_129 = arith.muli %scan3A_70, %mul3A_128 : i32
      %add3A_130 = arith.constant 2 : i32
      %add3A_131 = arith.addi %mul3A_129, %add3A_130 : i32
      %dma_wait3A_132 = arith.constant 0 : i32
      %dma_wait3A_133 = arith.constant 0 : i32
      %dma_wait3A_134 = tpu.memref_slice %arg2[%dma_wait3A_132, %dma_wait3A_133] : memref<100000x64xf32, #tpu.memory_space<hbm>> -> memref<128x64xf32, #tpu.memory_space<hbm>>
      %dma_wait3A_135 = arith.constant 0 : i32
      %dma_wait3A_136 = arith.constant 0 : i32
      %dma_wait3A_137 = tpu.memref_slice %arg2[%dma_wait3A_135, %dma_wait3A_136] : memref<100000x64xf32, #tpu.memory_space<hbm>> -> memref<128x64xf32, #tpu.memory_space<hbm>>
      tpu.wait_dma2 semaphore(%arg16 : memref<!tpu.dma_semaphore, #tpu.memory_space<semaphore_mem>>) src(%dma_wait3A_137 : memref<128x64xf32, #tpu.memory_space<hbm>>) dst(%arg8 : memref<128x64xf32, #tpu.memory_space<vmem>>)
      %gt3A_138 = arith.constant 0 : i32
      %gt3A_139 = arith.cmpi sgt, %scan3A_70, %gt3A_138 : i32
      %convert_element_type3A_140 = arith.extui %gt3A_139 : i1 to i32
      %cond3A_141 = arith.constant 0 : i32
      %cond3A_142 = arith.cmpi ne, %convert_element_type3A_140, %cond3A_141 : i32
      scf.if %cond3A_142 {
        %dma_wait3A_190 = arith.constant 0 : i32
        %dma_wait3A_191 = arith.constant 0 : i32
        %dma_wait3A_192 = arith.constant 0 : i32
        %dma_wait3A_193 = tpu.memref_slice %arg4[%dma_wait3A_190, %dma_wait3A_191, %add3A, %dma_wait3A_192] : memref<200x8x32x1024xf32, #tpu.memory_space<hbm>> -> memref<1x8x1x1024xf32, #tpu.memory_space<hbm>>
        %dma_wait3A_194 = tpu.memref_squeeze %dma_wait3A_193 : memref<1x8x1x1024xf32, #tpu.memory_space<hbm>> -> memref<8x1024xf32, #tpu.memory_space<hbm>>
        %dma_wait3A_195 = arith.constant 0 : i32
        %dma_wait3A_196 = arith.constant 0 : i32
        %dma_wait3A_197 = tpu.memref_slice %arg4[%dma_wait3A_190, %dma_wait3A_195, %add3A, %dma_wait3A_196] : memref<200x8x32x1024xf32, #tpu.memory_space<hbm>> -> memref<1x8x1x1024xf32, #tpu.memory_space<hbm>>
        %dma_wait3A_198 = tpu.memref_squeeze %dma_wait3A_197 : memref<1x8x1x1024xf32, #tpu.memory_space<hbm>> -> memref<8x1024xf32, #tpu.memory_space<hbm>>
        tpu.wait_dma2 semaphore(%arg20 : memref<!tpu.dma_semaphore, #tpu.memory_space<semaphore_mem>>) src(%arg12 : memref<8x1024xf32, #tpu.memory_space<vmem>>) dst(%dma_wait3A_198 : memref<8x1024xf32, #tpu.memory_space<hbm>>)
      } else {
      }
      %parallel_loop3A_143 = arith.constant 0 : i32
      %parallel_loop3A_144 = arith.constant 32 : i32
      %parallel_loop3A_145 = arith.constant 1 : i32
      scf.for %parallel_loop3A_190 = %parallel_loop3A_143 to %parallel_loop3A_144 step %parallel_loop3A_145  : i32 {
        %parallel_loop3A_191 = arith.constant 2 : i32
        %parallel_loop3A_192 = arith.shrsi %parallel_loop3A_190, %parallel_loop3A_191 : i32
        %parallel_loop3A_193 = arith.constant 16 : i32
        %parallel_loop3A_194 = arith.muli %parallel_loop3A_192, %parallel_loop3A_193 : i32
        %parallel_loop3A_195 = arith.constant 3 : i32
        %parallel_loop3A_196 = arith.andi %parallel_loop3A_190, %parallel_loop3A_195 : i32
        %parallel_loop3A_197 = arith.constant 16 : i32
        %parallel_loop3A_198 = arith.muli %parallel_loop3A_196, %parallel_loop3A_197 : i32
        %parallel_loop3A_199 = vector.broadcast %parallel_loop3A_194 : i32 to vector<16xi32>
        %parallel_loop3A_200 = arith.addi %parallel_loop3A_199, %iota3A : vector<16xi32>
        %parallel_loop3A_201 = arith.constant 0 : i32
        %parallel_loop3A_202 = vector.broadcast %parallel_loop3A_201 : i32 to vector<16xi32>
        %parallel_loop3A_203 = arith.addi %iota3A, %parallel_loop3A_202 : vector<16xi32>
        %parallel_loop3A_204 = arith.constant 15 : i32
        %parallel_loop3A_205 = vector.broadcast %parallel_loop3A_204 : i32 to vector<16xi32>
        %parallel_loop3A_206 = arith.andi %parallel_loop3A_203, %parallel_loop3A_205 : vector<16xi32>
        %parallel_loop3A_207 = vector.broadcast %parallel_loop3A_198 : i32 to vector<16xi32>
        %parallel_loop3A_208 = arith.addi %parallel_loop3A_206, %parallel_loop3A_207 : vector<16xi32>
        %parallel_loop3A_209 = tpu.vector_load_idx %arg8[%parallel_loop3A_200, %parallel_loop3A_208] : memref<128x64xf32, #tpu.memory_space<vmem>>[vector<16xi32>, vector<16xi32>], vector<16xf32>,
        %parallel_loop3A_210 = arith.constant 3 : i32
        %parallel_loop3A_211 = vector.broadcast %parallel_loop3A_210 : i32 to vector<16xi32>
        %parallel_loop3A_212 = arith.shrsi %parallel_loop3A_208, %parallel_loop3A_211 : vector<16xi32>
        %parallel_loop3A_213 = arith.constant 7 : i32
        %parallel_loop3A_214 = vector.broadcast %parallel_loop3A_213 : i32 to vector<16xi32>
        %parallel_loop3A_215 = arith.andi %parallel_loop3A_208, %parallel_loop3A_214 : vector<16xi32>
        %parallel_loop3A_216 = arith.constant 7 : i32
        %parallel_loop3A_217 = vector.broadcast %parallel_loop3A_216 : i32 to vector<16xi32>
        %parallel_loop3A_218 = arith.shli %parallel_loop3A_215, %parallel_loop3A_217 : vector<16xi32>
        %parallel_loop3A_219 = arith.addi %parallel_loop3A_218, %parallel_loop3A_200 : vector<16xi32>
        tpu.vector_store_idx %arg12[%parallel_loop3A_212, %parallel_loop3A_219], %parallel_loop3A_209 : memref<8x1024xf32, #tpu.memory_space<vmem>>[vector<16xi32>, vector<16xi32>], vector<16xf32>,
        %parallel_loop3A_220 = arith.constant 1 : i32
        %parallel_loop3A_221 = vector.broadcast %parallel_loop3A_220 : i32 to vector<16xi32>
        %parallel_loop3A_222 = arith.addi %iota3A, %parallel_loop3A_221 : vector<16xi32>
        %parallel_loop3A_223 = arith.constant 15 : i32
        %parallel_loop3A_224 = vector.broadcast %parallel_loop3A_223 : i32 to vector<16xi32>
        %parallel_loop3A_225 = arith.andi %parallel_loop3A_222, %parallel_loop3A_224 : vector<16xi32>
        %parallel_loop3A_226 = vector.broadcast %parallel_loop3A_198 : i32 to vector<16xi32>
        %parallel_loop3A_227 = arith.addi %parallel_loop3A_225, %parallel_loop3A_226 : vector<16xi32>
        %parallel_loop3A_228 = tpu.vector_load_idx %arg8[%parallel_loop3A_200, %parallel_loop3A_227] : memref<128x64xf32, #tpu.memory_space<vmem>>[vector<16xi32>, vector<16xi32>], vector<16xf32>,
        %parallel_loop3A_229 = arith.constant 3 : i32
        %parallel_loop3A_230 = vector.broadcast %parallel_loop3A_229 : i32 to vector<16xi32>
        %parallel_loop3A_231 = arith.shrsi %parallel_loop3A_227, %parallel_loop3A_230 : vector<16xi32>
        %parallel_loop3A_232 = arith.constant 7 : i32
        %parallel_loop3A_233 = vector.broadcast %parallel_loop3A_232 : i32 to vector<16xi32>
        %parallel_loop3A_234 = arith.andi %parallel_loop3A_227, %parallel_loop3A_233 : vector<16xi32>
        %parallel_loop3A_235 = arith.constant 7 : i32
        %parallel_loop3A_236 = vector.broadcast %parallel_loop3A_235 : i32 to vector<16xi32>
        %parallel_loop3A_237 = arith.shli %parallel_loop3A_234, %parallel_loop3A_236 : vector<16xi32>
        %parallel_loop3A_238 = arith.addi %parallel_loop3A_237, %parallel_loop3A_200 : vector<16xi32>
        tpu.vector_store_idx %arg12[%parallel_loop3A_231, %parallel_loop3A_238], %parallel_loop3A_228 : memref<8x1024xf32, #tpu.memory_space<vmem>>[vector<16xi32>, vector<16xi32>], vector<16xf32>,
        %parallel_loop3A_239 = arith.constant 2 : i32
        %parallel_loop3A_240 = vector.broadcast %parallel_loop3A_239 : i32 to vector<16xi32>
        %parallel_loop3A_241 = arith.addi %iota3A, %parallel_loop3A_240 : vector<16xi32>
        %parallel_loop3A_242 = arith.constant 15 : i32
        %parallel_loop3A_243 = vector.broadcast %parallel_loop3A_242 : i32 to vector<16xi32>
        %parallel_loop3A_244 = arith.andi %parallel_loop3A_241, %parallel_loop3A_243 : vector<16xi32>
        %parallel_loop3A_245 = vector.broadcast %parallel_loop3A_198 : i32 to vector<16xi32>
        %parallel_loop3A_246 = arith.addi %parallel_loop3A_244, %parallel_loop3A_245 : vector<16xi32>
        %parallel_loop3A_247 = tpu.vector_load_idx %arg8[%parallel_loop3A_200, %parallel_loop3A_246] : memref<128x64xf32, #tpu.memory_space<vmem>>[vector<16xi32>, vector<16xi32>], vector<16xf32>,
        %parallel_loop3A_248 = arith.constant 3 : i32
        %parallel_loop3A_249 = vector.broadcast %parallel_loop3A_248 : i32 to vector<16xi32>
        %parallel_loop3A_250 = arith.shrsi %parallel_loop3A_246, %parallel_loop3A_249 : vector<16xi32>
        %parallel_loop3A_251 = arith.constant 7 : i32
        %parallel_loop3A_252 = vector.broadcast %parallel_loop3A_251 : i32 to vector<16xi32>
        %parallel_loop3A_253 = arith.andi %parallel_loop3A_246, %parallel_loop3A_252 : vector<16xi32>
        %parallel_loop3A_254 = arith.constant 7 : i32
        %parallel_loop3A_255 = vector.broadcast %parallel_loop3A_254 : i32 to vector<16xi32>
        %parallel_loop3A_256 = arith.shli %parallel_loop3A_253, %parallel_loop3A_255 : vector<16xi32>
        %parallel_loop3A_257 = arith.addi %parallel_loop3A_256, %parallel_loop3A_200 : vector<16xi32>
        tpu.vector_store_idx %arg12[%parallel_loop3A_250, %parallel_loop3A_257], %parallel_loop3A_247 : memref<8x1024xf32, #tpu.memory_space<vmem>>[vector<16xi32>, vector<16xi32>], vector<16xf32>,
        %parallel_loop3A_258 = arith.constant 3 : i32
        %parallel_loop3A_259 = vector.broadcast %parallel_loop3A_258 : i32 to vector<16xi32>
        %parallel_loop3A_260 = arith.addi %iota3A, %parallel_loop3A_259 : vector<16xi32>
        %parallel_loop3A_261 = arith.constant 15 : i32
        %parallel_loop3A_262 = vector.broadcast %parallel_loop3A_261 : i32 to vector<16xi32>
        %parallel_loop3A_263 = arith.andi %parallel_loop3A_260, %parallel_loop3A_262 : vector<16xi32>
        %parallel_loop3A_264 = vector.broadcast %parallel_loop3A_198 : i32 to vector<16xi32>
        %parallel_loop3A_265 = arith.addi %parallel_loop3A_263, %parallel_loop3A_264 : vector<16xi32>
        %parallel_loop3A_266 = tpu.vector_load_idx %arg8[%parallel_loop3A_200, %parallel_loop3A_265] : memref<128x64xf32, #tpu.memory_space<vmem>>[vector<16xi32>, vector<16xi32>], vector<16xf32>,
        %parallel_loop3A_267 = arith.constant 3 : i32
        %parallel_loop3A_268 = vector.broadcast %parallel_loop3A_267 : i32 to vector<16xi32>
        %parallel_loop3A_269 = arith.shrsi %parallel_loop3A_265, %parallel_loop3A_268 : vector<16xi32>
        %parallel_loop3A_270 = arith.constant 7 : i32
        %parallel_loop3A_271 = vector.broadcast %parallel_loop3A_270 : i32 to vector<16xi32>
        %parallel_loop3A_272 = arith.andi %parallel_loop3A_265, %parallel_loop3A_271 : vector<16xi32>
        %parallel_loop3A_273 = arith.constant 7 : i32
        %parallel_loop3A_274 = vector.broadcast %parallel_loop3A_273 : i32 to vector<16xi32>
        %parallel_loop3A_275 = arith.shli %parallel_loop3A_272, %parallel_loop3A_274 : vector<16xi32>
        %parallel_loop3A_276 = arith.addi %parallel_loop3A_275, %parallel_loop3A_200 : vector<16xi32>
        tpu.vector_store_idx %arg12[%parallel_loop3A_269, %parallel_loop3A_276], %parallel_loop3A_266 : memref<8x1024xf32, #tpu.memory_space<vmem>>[vector<16xi32>, vector<16xi32>], vector<16xf32>,
        %parallel_loop3A_277 = arith.constant 4 : i32
        %parallel_loop3A_278 = vector.broadcast %parallel_loop3A_277 : i32 to vector<16xi32>
        %parallel_loop3A_279 = arith.addi %iota3A, %parallel_loop3A_278 : vector<16xi32>
        %parallel_loop3A_280 = arith.constant 15 : i32
        %parallel_loop3A_281 = vector.broadcast %parallel_loop3A_280 : i32 to vector<16xi32>
        %parallel_loop3A_282 = arith.andi %parallel_loop3A_279, %parallel_loop3A_281 : vector<16xi32>
        %parallel_loop3A_283 = vector.broadcast %parallel_loop3A_198 : i32 to vector<16xi32>
        %parallel_loop3A_284 = arith.addi %parallel_loop3A_282, %parallel_loop3A_283 : vector<16xi32>
        %parallel_loop3A_285 = tpu.vector_load_idx %arg8[%parallel_loop3A_200, %parallel_loop3A_284] : memref<128x64xf32, #tpu.memory_space<vmem>>[vector<16xi32>, vector<16xi32>], vector<16xf32>,
        %parallel_loop3A_286 = arith.constant 3 : i32
        %parallel_loop3A_287 = vector.broadcast %parallel_loop3A_286 : i32 to vector<16xi32>
        %parallel_loop3A_288 = arith.shrsi %parallel_loop3A_284, %parallel_loop3A_287 : vector<16xi32>
        %parallel_loop3A_289 = arith.constant 7 : i32
        %parallel_loop3A_290 = vector.broadcast %parallel_loop3A_289 : i32 to vector<16xi32>
        %parallel_loop3A_291 = arith.andi %parallel_loop3A_284, %parallel_loop3A_290 : vector<16xi32>
        %parallel_loop3A_292 = arith.constant 7 : i32
        %parallel_loop3A_293 = vector.broadcast %parallel_loop3A_292 : i32 to vector<16xi32>
        %parallel_loop3A_294 = arith.shli %parallel_loop3A_291, %parallel_loop3A_293 : vector<16xi32>
        %parallel_loop3A_295 = arith.addi %parallel_loop3A_294, %parallel_loop3A_200 : vector<16xi32>
        tpu.vector_store_idx %arg12[%parallel_loop3A_288, %parallel_loop3A_295], %parallel_loop3A_285 : memref<8x1024xf32, #tpu.memory_space<vmem>>[vector<16xi32>, vector<16xi32>], vector<16xf32>,
        %parallel_loop3A_296 = arith.constant 5 : i32
        %parallel_loop3A_297 = vector.broadcast %parallel_loop3A_296 : i32 to vector<16xi32>
        %parallel_loop3A_298 = arith.addi %iota3A, %parallel_loop3A_297 : vector<16xi32>
        %parallel_loop3A_299 = arith.constant 15 : i32
        %parallel_loop3A_300 = vector.broadcast %parallel_loop3A_299 : i32 to vector<16xi32>
        %parallel_loop3A_301 = arith.andi %parallel_loop3A_298, %parallel_loop3A_300 : vector<16xi32>
        %parallel_loop3A_302 = vector.broadcast %parallel_loop3A_198 : i32 to vector<16xi32>
        %parallel_loop3A_303 = arith.addi %parallel_loop3A_301, %parallel_loop3A_302 : vector<16xi32>
        %parallel_loop3A_304 = tpu.vector_load_idx %arg8[%parallel_loop3A_200, %parallel_loop3A_303] : memref<128x64xf32, #tpu.memory_space<vmem>>[vector<16xi32>, vector<16xi32>], vector<16xf32>,
        %parallel_loop3A_305 = arith.constant 3 : i32
        %parallel_loop3A_306 = vector.broadcast %parallel_loop3A_305 : i32 to vector<16xi32>
        %parallel_loop3A_307 = arith.shrsi %parallel_loop3A_303, %parallel_loop3A_306 : vector<16xi32>
        %parallel_loop3A_308 = arith.constant 7 : i32
        %parallel_loop3A_309 = vector.broadcast %parallel_loop3A_308 : i32 to vector<16xi32>
        %parallel_loop3A_310 = arith.andi %parallel_loop3A_303, %parallel_loop3A_309 : vector<16xi32>
        %parallel_loop3A_311 = arith.constant 7 : i32
        %parallel_loop3A_312 = vector.broadcast %parallel_loop3A_311 : i32 to vector<16xi32>
        %parallel_loop3A_313 = arith.shli %parallel_loop3A_310, %parallel_loop3A_312 : vector<16xi32>
        %parallel_loop3A_314 = arith.addi %parallel_loop3A_313, %parallel_loop3A_200 : vector<16xi32>
        tpu.vector_store_idx %arg12[%parallel_loop3A_307, %parallel_loop3A_314], %parallel_loop3A_304 : memref<8x1024xf32, #tpu.memory_space<vmem>>[vector<16xi32>, vector<16xi32>], vector<16xf32>,
        %parallel_loop3A_315 = arith.constant 6 : i32
        %parallel_loop3A_316 = vector.broadcast %parallel_loop3A_315 : i32 to vector<16xi32>
        %parallel_loop3A_317 = arith.addi %iota3A, %parallel_loop3A_316 : vector<16xi32>
        %parallel_loop3A_318 = arith.constant 15 : i32
        %parallel_loop3A_319 = vector.broadcast %parallel_loop3A_318 : i32 to vector<16xi32>
        %parallel_loop3A_320 = arith.andi %parallel_loop3A_317, %parallel_loop3A_319 : vector<16xi32>
        %parallel_loop3A_321 = vector.broadcast %parallel_loop3A_198 : i32 to vector<16xi32>
        %parallel_loop3A_322 = arith.addi %parallel_loop3A_320, %parallel_loop3A_321 : vector<16xi32>
        %parallel_loop3A_323 = tpu.vector_load_idx %arg8[%parallel_loop3A_200, %parallel_loop3A_322] : memref<128x64xf32, #tpu.memory_space<vmem>>[vector<16xi32>, vector<16xi32>], vector<16xf32>,
        %parallel_loop3A_324 = arith.constant 3 : i32
        %parallel_loop3A_325 = vector.broadcast %parallel_loop3A_324 : i32 to vector<16xi32>
        %parallel_loop3A_326 = arith.shrsi %parallel_loop3A_322, %parallel_loop3A_325 : vector<16xi32>
        %parallel_loop3A_327 = arith.constant 7 : i32
        %parallel_loop3A_328 = vector.broadcast %parallel_loop3A_327 : i32 to vector<16xi32>
        %parallel_loop3A_329 = arith.andi %parallel_loop3A_322, %parallel_loop3A_328 : vector<16xi32>
        %parallel_loop3A_330 = arith.constant 7 : i32
        %parallel_loop3A_331 = vector.broadcast %parallel_loop3A_330 : i32 to vector<16xi32>
        %parallel_loop3A_332 = arith.shli %parallel_loop3A_329, %parallel_loop3A_331 : vector<16xi32>
        %parallel_loop3A_333 = arith.addi %parallel_loop3A_332, %parallel_loop3A_200 : vector<16xi32>
        tpu.vector_store_idx %arg12[%parallel_loop3A_326, %parallel_loop3A_333], %parallel_loop3A_323 : memref<8x1024xf32, #tpu.memory_space<vmem>>[vector<16xi32>, vector<16xi32>], vector<16xf32>,
        %parallel_loop3A_334 = arith.constant 7 : i32
        %parallel_loop3A_335 = vector.broadcast %parallel_loop3A_334 : i32 to vector<16xi32>
        %parallel_loop3A_336 = arith.addi %iota3A, %parallel_loop3A_335 : vector<16xi32>
        %parallel_loop3A_337 = arith.constant 15 : i32
        %parallel_loop3A_338 = vector.broadcast %parallel_loop3A_337 : i32 to vector<16xi32>
        %parallel_loop3A_339 = arith.andi %parallel_loop3A_336, %parallel_loop3A_338 : vector<16xi32>
        %parallel_loop3A_340 = vector.broadcast %parallel_loop3A_198 : i32 to vector<16xi32>
        %parallel_loop3A_341 = arith.addi %parallel_loop3A_339, %parallel_loop3A_340 : vector<16xi32>
        %parallel_loop3A_342 = tpu.vector_load_idx %arg8[%parallel_loop3A_200, %parallel_loop3A_341] : memref<128x64xf32, #tpu.memory_space<vmem>>[vector<16xi32>, vector<16xi32>], vector<16xf32>,
        %parallel_loop3A_343 = arith.constant 3 : i32
        %parallel_loop3A_344 = vector.broadcast %parallel_loop3A_343 : i32 to vector<16xi32>
        %parallel_loop3A_345 = arith.shrsi %parallel_loop3A_341, %parallel_loop3A_344 : vector<16xi32>
        %parallel_loop3A_346 = arith.constant 7 : i32
        %parallel_loop3A_347 = vector.broadcast %parallel_loop3A_346 : i32 to vector<16xi32>
        %parallel_loop3A_348 = arith.andi %parallel_loop3A_341, %parallel_loop3A_347 : vector<16xi32>
        %parallel_loop3A_349 = arith.constant 7 : i32
        %parallel_loop3A_350 = vector.broadcast %parallel_loop3A_349 : i32 to vector<16xi32>
        %parallel_loop3A_351 = arith.shli %parallel_loop3A_348, %parallel_loop3A_350 : vector<16xi32>
        %parallel_loop3A_352 = arith.addi %parallel_loop3A_351, %parallel_loop3A_200 : vector<16xi32>
        tpu.vector_store_idx %arg12[%parallel_loop3A_345, %parallel_loop3A_352], %parallel_loop3A_342 : memref<8x1024xf32, #tpu.memory_space<vmem>>[vector<16xi32>, vector<16xi32>], vector<16xf32>,
        %parallel_loop3A_353 = arith.constant 8 : i32
        %parallel_loop3A_354 = vector.broadcast %parallel_loop3A_353 : i32 to vector<16xi32>
        %parallel_loop3A_355 = arith.addi %iota3A, %parallel_loop3A_354 : vector<16xi32>
        %parallel_loop3A_356 = arith.constant 15 : i32
        %parallel_loop3A_357 = vector.broadcast %parallel_loop3A_356 : i32 to vector<16xi32>
        %parallel_loop3A_358 = arith.andi %parallel_loop3A_355, %parallel_loop3A_357 : vector<16xi32>
        %parallel_loop3A_359 = vector.broadcast %parallel_loop3A_198 : i32 to vector<16xi32>
        %parallel_loop3A_360 = arith.addi %parallel_loop3A_358, %parallel_loop3A_359 : vector<16xi32>
        %parallel_loop3A_361 = tpu.vector_load_idx %arg8[%parallel_loop3A_200, %parallel_loop3A_360] : memref<128x64xf32, #tpu.memory_space<vmem>>[vector<16xi32>, vector<16xi32>], vector<16xf32>,
        %parallel_loop3A_362 = arith.constant 3 : i32
        %parallel_loop3A_363 = vector.broadcast %parallel_loop3A_362 : i32 to vector<16xi32>
        %parallel_loop3A_364 = arith.shrsi %parallel_loop3A_360, %parallel_loop3A_363 : vector<16xi32>
        %parallel_loop3A_365 = arith.constant 7 : i32
        %parallel_loop3A_366 = vector.broadcast %parallel_loop3A_365 : i32 to vector<16xi32>
        %parallel_loop3A_367 = arith.andi %parallel_loop3A_360, %parallel_loop3A_366 : vector<16xi32>
        %parallel_loop3A_368 = arith.constant 7 : i32
        %parallel_loop3A_369 = vector.broadcast %parallel_loop3A_368 : i32 to vector<16xi32>
        %parallel_loop3A_370 = arith.shli %parallel_loop3A_367, %parallel_loop3A_369 : vector<16xi32>
        %parallel_loop3A_371 = arith.addi %parallel_loop3A_370, %parallel_loop3A_200 : vector<16xi32>
        tpu.vector_store_idx %arg12[%parallel_loop3A_364, %parallel_loop3A_371], %parallel_loop3A_361 : memref<8x1024xf32, #tpu.memory_space<vmem>>[vector<16xi32>, vector<16xi32>], vector<16xf32>,
        %parallel_loop3A_372 = arith.constant 9 : i32
        %parallel_loop3A_373 = vector.broadcast %parallel_loop3A_372 : i32 to vector<16xi32>
        %parallel_loop3A_374 = arith.addi %iota3A, %parallel_loop3A_373 : vector<16xi32>
        %parallel_loop3A_375 = arith.constant 15 : i32
        %parallel_loop3A_376 = vector.broadcast %parallel_loop3A_375 : i32 to vector<16xi32>
        %parallel_loop3A_377 = arith.andi %parallel_loop3A_374, %parallel_loop3A_376 : vector<16xi32>
        %parallel_loop3A_378 = vector.broadcast %parallel_loop3A_198 : i32 to vector<16xi32>
        %parallel_loop3A_379 = arith.addi %parallel_loop3A_377, %parallel_loop3A_378 : vector<16xi32>
        %parallel_loop3A_380 = tpu.vector_load_idx %arg8[%parallel_loop3A_200, %parallel_loop3A_379] : memref<128x64xf32, #tpu.memory_space<vmem>>[vector<16xi32>, vector<16xi32>], vector<16xf32>,
        %parallel_loop3A_381 = arith.constant 3 : i32
        %parallel_loop3A_382 = vector.broadcast %parallel_loop3A_381 : i32 to vector<16xi32>
        %parallel_loop3A_383 = arith.shrsi %parallel_loop3A_379, %parallel_loop3A_382 : vector<16xi32>
        %parallel_loop3A_384 = arith.constant 7 : i32
        %parallel_loop3A_385 = vector.broadcast %parallel_loop3A_384 : i32 to vector<16xi32>
        %parallel_loop3A_386 = arith.andi %parallel_loop3A_379, %parallel_loop3A_385 : vector<16xi32>
        %parallel_loop3A_387 = arith.constant 7 : i32
        %parallel_loop3A_388 = vector.broadcast %parallel_loop3A_387 : i32 to vector<16xi32>
        %parallel_loop3A_389 = arith.shli %parallel_loop3A_386, %parallel_loop3A_388 : vector<16xi32>
        %parallel_loop3A_390 = arith.addi %parallel_loop3A_389, %parallel_loop3A_200 : vector<16xi32>
        tpu.vector_store_idx %arg12[%parallel_loop3A_383, %parallel_loop3A_390], %parallel_loop3A_380 : memref<8x1024xf32, #tpu.memory_space<vmem>>[vector<16xi32>, vector<16xi32>], vector<16xf32>,
        %parallel_loop3A_391 = arith.constant 10 : i32
        %parallel_loop3A_392 = vector.broadcast %parallel_loop3A_391 : i32 to vector<16xi32>
        %parallel_loop3A_393 = arith.addi %iota3A, %parallel_loop3A_392 : vector<16xi32>
        %parallel_loop3A_394 = arith.constant 15 : i32
        %parallel_loop3A_395 = vector.broadcast %parallel_loop3A_394 : i32 to vector<16xi32>
        %parallel_loop3A_396 = arith.andi %parallel_loop3A_393, %parallel_loop3A_395 : vector<16xi32>
        %parallel_loop3A_397 = vector.broadcast %parallel_loop3A_198 : i32 to vector<16xi32>
        %parallel_loop3A_398 = arith.addi %parallel_loop3A_396, %parallel_loop3A_397 : vector<16xi32>
        %parallel_loop3A_399 = tpu.vector_load_idx %arg8[%parallel_loop3A_200, %parallel_loop3A_398] : memref<128x64xf32, #tpu.memory_space<vmem>>[vector<16xi32>, vector<16xi32>], vector<16xf32>,
        %parallel_loop3A_400 = arith.constant 3 : i32
        %parallel_loop3A_401 = vector.broadcast %parallel_loop3A_400 : i32 to vector<16xi32>
        %parallel_loop3A_402 = arith.shrsi %parallel_loop3A_398, %parallel_loop3A_401 : vector<16xi32>
        %parallel_loop3A_403 = arith.constant 7 : i32
        %parallel_loop3A_404 = vector.broadcast %parallel_loop3A_403 : i32 to vector<16xi32>
        %parallel_loop3A_405 = arith.andi %parallel_loop3A_398, %parallel_loop3A_404 : vector<16xi32>
        %parallel_loop3A_406 = arith.constant 7 : i32
        %parallel_loop3A_407 = vector.broadcast %parallel_loop3A_406 : i32 to vector<16xi32>
        %parallel_loop3A_408 = arith.shli %parallel_loop3A_405, %parallel_loop3A_407 : vector<16xi32>
        %parallel_loop3A_409 = arith.addi %parallel_loop3A_408, %parallel_loop3A_200 : vector<16xi32>
        tpu.vector_store_idx %arg12[%parallel_loop3A_402, %parallel_loop3A_409], %parallel_loop3A_399 : memref<8x1024xf32, #tpu.memory_space<vmem>>[vector<16xi32>, vector<16xi32>], vector<16xf32>,
        %parallel_loop3A_410 = arith.constant 11 : i32
        %parallel_loop3A_411 = vector.broadcast %parallel_loop3A_410 : i32 to vector<16xi32>
        %parallel_loop3A_412 = arith.addi %iota3A, %parallel_loop3A_411 : vector<16xi32>
        %parallel_loop3A_413 = arith.constant 15 : i32
        %parallel_loop3A_414 = vector.broadcast %parallel_loop3A_413 : i32 to vector<16xi32>
        %parallel_loop3A_415 = arith.andi %parallel_loop3A_412, %parallel_loop3A_414 : vector<16xi32>
        %parallel_loop3A_416 = vector.broadcast %parallel_loop3A_198 : i32 to vector<16xi32>
        %parallel_loop3A_417 = arith.addi %parallel_loop3A_415, %parallel_loop3A_416 : vector<16xi32>
        %parallel_loop3A_418 = tpu.vector_load_idx %arg8[%parallel_loop3A_200, %parallel_loop3A_417] : memref<128x64xf32, #tpu.memory_space<vmem>>[vector<16xi32>, vector<16xi32>], vector<16xf32>,
        %parallel_loop3A_419 = arith.constant 3 : i32
        %parallel_loop3A_420 = vector.broadcast %parallel_loop3A_419 : i32 to vector<16xi32>
        %parallel_loop3A_421 = arith.shrsi %parallel_loop3A_417, %parallel_loop3A_420 : vector<16xi32>
        %parallel_loop3A_422 = arith.constant 7 : i32
        %parallel_loop3A_423 = vector.broadcast %parallel_loop3A_422 : i32 to vector<16xi32>
        %parallel_loop3A_424 = arith.andi %parallel_loop3A_417, %parallel_loop3A_423 : vector<16xi32>
        %parallel_loop3A_425 = arith.constant 7 : i32
        %parallel_loop3A_426 = vector.broadcast %parallel_loop3A_425 : i32 to vector<16xi32>
        %parallel_loop3A_427 = arith.shli %parallel_loop3A_424, %parallel_loop3A_426 : vector<16xi32>
        %parallel_loop3A_428 = arith.addi %parallel_loop3A_427, %parallel_loop3A_200 : vector<16xi32>
        tpu.vector_store_idx %arg12[%parallel_loop3A_421, %parallel_loop3A_428], %parallel_loop3A_418 : memref<8x1024xf32, #tpu.memory_space<vmem>>[vector<16xi32>, vector<16xi32>], vector<16xf32>,
        %parallel_loop3A_429 = arith.constant 12 : i32
        %parallel_loop3A_430 = vector.broadcast %parallel_loop3A_429 : i32 to vector<16xi32>
        %parallel_loop3A_431 = arith.addi %iota3A, %parallel_loop3A_430 : vector<16xi32>
        %parallel_loop3A_432 = arith.constant 15 : i32
        %parallel_loop3A_433 = vector.broadcast %parallel_loop3A_432 : i32 to vector<16xi32>
        %parallel_loop3A_434 = arith.andi %parallel_loop3A_431, %parallel_loop3A_433 : vector<16xi32>
        %parallel_loop3A_435 = vector.broadcast %parallel_loop3A_198 : i32 to vector<16xi32>
        %parallel_loop3A_436 = arith.addi %parallel_loop3A_434, %parallel_loop3A_435 : vector<16xi32>
        %parallel_loop3A_437 = tpu.vector_load_idx %arg8[%parallel_loop3A_200, %parallel_loop3A_436] : memref<128x64xf32, #tpu.memory_space<vmem>>[vector<16xi32>, vector<16xi32>], vector<16xf32>,
        %parallel_loop3A_438 = arith.constant 3 : i32
        %parallel_loop3A_439 = vector.broadcast %parallel_loop3A_438 : i32 to vector<16xi32>
        %parallel_loop3A_440 = arith.shrsi %parallel_loop3A_436, %parallel_loop3A_439 : vector<16xi32>
        %parallel_loop3A_441 = arith.constant 7 : i32
        %parallel_loop3A_442 = vector.broadcast %parallel_loop3A_441 : i32 to vector<16xi32>
        %parallel_loop3A_443 = arith.andi %parallel_loop3A_436, %parallel_loop3A_442 : vector<16xi32>
        %parallel_loop3A_444 = arith.constant 7 : i32
        %parallel_loop3A_445 = vector.broadcast %parallel_loop3A_444 : i32 to vector<16xi32>
        %parallel_loop3A_446 = arith.shli %parallel_loop3A_443, %parallel_loop3A_445 : vector<16xi32>
        %parallel_loop3A_447 = arith.addi %parallel_loop3A_446, %parallel_loop3A_200 : vector<16xi32>
        tpu.vector_store_idx %arg12[%parallel_loop3A_440, %parallel_loop3A_447], %parallel_loop3A_437 : memref<8x1024xf32, #tpu.memory_space<vmem>>[vector<16xi32>, vector<16xi32>], vector<16xf32>,
        %parallel_loop3A_448 = arith.constant 13 : i32
        %parallel_loop3A_449 = vector.broadcast %parallel_loop3A_448 : i32 to vector<16xi32>
        %parallel_loop3A_450 = arith.addi %iota3A, %parallel_loop3A_449 : vector<16xi32>
        %parallel_loop3A_451 = arith.constant 15 : i32
        %parallel_loop3A_452 = vector.broadcast %parallel_loop3A_451 : i32 to vector<16xi32>
        %parallel_loop3A_453 = arith.andi %parallel_loop3A_450, %parallel_loop3A_452 : vector<16xi32>
        %parallel_loop3A_454 = vector.broadcast %parallel_loop3A_198 : i32 to vector<16xi32>
        %parallel_loop3A_455 = arith.addi %parallel_loop3A_453, %parallel_loop3A_454 : vector<16xi32>
        %parallel_loop3A_456 = tpu.vector_load_idx %arg8[%parallel_loop3A_200, %parallel_loop3A_455] : memref<128x64xf32, #tpu.memory_space<vmem>>[vector<16xi32>, vector<16xi32>], vector<16xf32>,
        %parallel_loop3A_457 = arith.constant 3 : i32
        %parallel_loop3A_458 = vector.broadcast %parallel_loop3A_457 : i32 to vector<16xi32>
        %parallel_loop3A_459 = arith.shrsi %parallel_loop3A_455, %parallel_loop3A_458 : vector<16xi32>
        %parallel_loop3A_460 = arith.constant 7 : i32
        %parallel_loop3A_461 = vector.broadcast %parallel_loop3A_460 : i32 to vector<16xi32>
        %parallel_loop3A_462 = arith.andi %parallel_loop3A_455, %parallel_loop3A_461 : vector<16xi32>
        %parallel_loop3A_463 = arith.constant 7 : i32
        %parallel_loop3A_464 = vector.broadcast %parallel_loop3A_463 : i32 to vector<16xi32>
        %parallel_loop3A_465 = arith.shli %parallel_loop3A_462, %parallel_loop3A_464 : vector<16xi32>
        %parallel_loop3A_466 = arith.addi %parallel_loop3A_465, %parallel_loop3A_200 : vector<16xi32>
        tpu.vector_store_idx %arg12[%parallel_loop3A_459, %parallel_loop3A_466], %parallel_loop3A_456 : memref<8x1024xf32, #tpu.memory_space<vmem>>[vector<16xi32>, vector<16xi32>], vector<16xf32>,
        %parallel_loop3A_467 = arith.constant 14 : i32
        %parallel_loop3A_468 = vector.broadcast %parallel_loop3A_467 : i32 to vector<16xi32>
        %parallel_loop3A_469 = arith.addi %iota3A, %parallel_loop3A_468 : vector<16xi32>
        %parallel_loop3A_470 = arith.constant 15 : i32
        %parallel_loop3A_471 = vector.broadcast %parallel_loop3A_470 : i32 to vector<16xi32>
        %parallel_loop3A_472 = arith.andi %parallel_loop3A_469, %parallel_loop3A_471 : vector<16xi32>
        %parallel_loop3A_473 = vector.broadcast %parallel_loop3A_198 : i32 to vector<16xi32>
        %parallel_loop3A_474 = arith.addi %parallel_loop3A_472, %parallel_loop3A_473 : vector<16xi32>
        %parallel_loop3A_475 = tpu.vector_load_idx %arg8[%parallel_loop3A_200, %parallel_loop3A_474] : memref<128x64xf32, #tpu.memory_space<vmem>>[vector<16xi32>, vector<16xi32>], vector<16xf32>,
        %parallel_loop3A_476 = arith.constant 3 : i32
        %parallel_loop3A_477 = vector.broadcast %parallel_loop3A_476 : i32 to vector<16xi32>
        %parallel_loop3A_478 = arith.shrsi %parallel_loop3A_474, %parallel_loop3A_477 : vector<16xi32>
        %parallel_loop3A_479 = arith.constant 7 : i32
        %parallel_loop3A_480 = vector.broadcast %parallel_loop3A_479 : i32 to vector<16xi32>
        %parallel_loop3A_481 = arith.andi %parallel_loop3A_474, %parallel_loop3A_480 : vector<16xi32>
        %parallel_loop3A_482 = arith.constant 7 : i32
        %parallel_loop3A_483 = vector.broadcast %parallel_loop3A_482 : i32 to vector<16xi32>
        %parallel_loop3A_484 = arith.shli %parallel_loop3A_481, %parallel_loop3A_483 : vector<16xi32>
        %parallel_loop3A_485 = arith.addi %parallel_loop3A_484, %parallel_loop3A_200 : vector<16xi32>
        tpu.vector_store_idx %arg12[%parallel_loop3A_478, %parallel_loop3A_485], %parallel_loop3A_475 : memref<8x1024xf32, #tpu.memory_space<vmem>>[vector<16xi32>, vector<16xi32>], vector<16xf32>,
        %parallel_loop3A_486 = arith.constant 15 : i32
        %parallel_loop3A_487 = vector.broadcast %parallel_loop3A_486 : i32 to vector<16xi32>
        %parallel_loop3A_488 = arith.addi %iota3A, %parallel_loop3A_487 : vector<16xi32>
        %parallel_loop3A_489 = arith.constant 15 : i32
        %parallel_loop3A_490 = vector.broadcast %parallel_loop3A_489 : i32 to vector<16xi32>
        %parallel_loop3A_491 = arith.andi %parallel_loop3A_488, %parallel_loop3A_490 : vector<16xi32>
        %parallel_loop3A_492 = vector.broadcast %parallel_loop3A_198 : i32 to vector<16xi32>
        %parallel_loop3A_493 = arith.addi %parallel_loop3A_491, %parallel_loop3A_492 : vector<16xi32>
        %parallel_loop3A_494 = tpu.vector_load_idx %arg8[%parallel_loop3A_200, %parallel_loop3A_493] : memref<128x64xf32, #tpu.memory_space<vmem>>[vector<16xi32>, vector<16xi32>], vector<16xf32>,
        %parallel_loop3A_495 = arith.constant 3 : i32
        %parallel_loop3A_496 = vector.broadcast %parallel_loop3A_495 : i32 to vector<16xi32>
        %parallel_loop3A_497 = arith.shrsi %parallel_loop3A_493, %parallel_loop3A_496 : vector<16xi32>
        %parallel_loop3A_498 = arith.constant 7 : i32
        %parallel_loop3A_499 = vector.broadcast %parallel_loop3A_498 : i32 to vector<16xi32>
        %parallel_loop3A_500 = arith.andi %parallel_loop3A_493, %parallel_loop3A_499 : vector<16xi32>
        %parallel_loop3A_501 = arith.constant 7 : i32
        %parallel_loop3A_502 = vector.broadcast %parallel_loop3A_501 : i32 to vector<16xi32>
        %parallel_loop3A_503 = arith.shli %parallel_loop3A_500, %parallel_loop3A_502 : vector<16xi32>
        %parallel_loop3A_504 = arith.addi %parallel_loop3A_503, %parallel_loop3A_200 : vector<16xi32>
        tpu.vector_store_idx %arg12[%parallel_loop3A_497, %parallel_loop3A_504], %parallel_loop3A_494 : memref<8x1024xf32, #tpu.memory_space<vmem>>[vector<16xi32>, vector<16xi32>], vector<16xf32>,
      } {sc.loop_unroll_factor = 2 : i64, sc.parallel_access}
      %lt3A_146 = arith.constant 49 : i32
      %lt3A_147 = arith.cmpi slt, %scan3A_70, %lt3A_146 : i32
      %convert_element_type3A_148 = arith.extui %lt3A_147 : i1 to i32
      %cond3A_149 = arith.constant 0 : i32
      %cond3A_150 = arith.cmpi ne, %convert_element_type3A_148, %cond3A_149 : i32
      scf.if %cond3A_150 {
        %add3A_190 = arith.constant 4 : i32
        %add3A_191 = arith.addi %add3A_131, %add3A_190 : i32
        %dma_start3A_192 = arith.constant 0 : i32
        %dma_start3A_193 = tpu.memref_slice %arg5[%add3A_191, %dma_start3A_192] : memref<200x128xi32, #tpu.memory_space<vmem>> -> memref<1x128xi32, #tpu.memory_space<vmem>>
        %dma_start3A_194 = tpu.memref_squeeze %dma_start3A_193 : memref<1x128xi32, #tpu.memory_space<vmem>> -> memref<128xi32, #tpu.memory_space<vmem>>
        %dma_start3A_195 = arith.constant 0 : i32
        %dma_start3A_196 = arith.constant 0 : i32
        %dma_start3A_197 = tpu.memref_slice %arg2[%dma_start3A_195, %dma_start3A_196] : memref<100000x64xf32, #tpu.memory_space<hbm>> -> memref<100000x64xf32, #tpu.memory_space<hbm>>
        tpu.enqueue_indirect_dma source(%dma_start3A_197 : memref<100000x64xf32, #tpu.memory_space<hbm>>) target(%arg8 : memref<128x64xf32, #tpu.memory_space<vmem>>) offsets(%dma_start3A_194 : memref<128xi32, #tpu.memory_space<vmem>>) semaphore(%arg16 : memref<!tpu.dma_semaphore, #tpu.memory_space<semaphore_mem>>)
      } else {
      }
      %dma_start3A_151 = arith.constant 0 : i32
      %dma_start3A_152 = arith.constant 0 : i32
      %dma_start3A_153 = tpu.memref_slice %arg4[%add3A_131, %dma_start3A_151, %add3A, %dma_start3A_152] : memref<200x8x32x1024xf32, #tpu.memory_space<hbm>> -> memref<1x8x1x1024xf32, #tpu.memory_space<hbm>>
      %dma_start3A_154 = tpu.memref_squeeze %dma_start3A_153 : memref<1x8x1x1024xf32, #tpu.memory_space<hbm>> -> memref<8x1024xf32, #tpu.memory_space<hbm>>
      %dma_start3A_155 = arith.constant 0 : i32
      %dma_start3A_156 = arith.constant 0 : i32
      %dma_start3A_157 = tpu.memref_slice %arg4[%add3A_131, %dma_start3A_155, %add3A, %dma_start3A_156] : memref<200x8x32x1024xf32, #tpu.memory_space<hbm>> -> memref<1x8x1x1024xf32, #tpu.memory_space<hbm>>
      %dma_start3A_158 = tpu.memref_squeeze %dma_start3A_157 : memref<1x8x1x1024xf32, #tpu.memory_space<hbm>> -> memref<8x1024xf32, #tpu.memory_space<hbm>>
      tpu.enqueue_dma source(%arg12 : memref<8x1024xf32, #tpu.memory_space<vmem>>) target(%dma_start3A_158 : memref<8x1024xf32, #tpu.memory_space<hbm>>) target_semaphore(%arg20 : memref<!tpu.dma_semaphore, #tpu.memory_space<semaphore_mem>>)
      %mul3A_159 = arith.constant 4 : i32
      %mul3A_160 = arith.muli %scan3A_70, %mul3A_159 : i32
      %add3A_161 = arith.constant 3 : i32
      %add3A_162 = arith.addi %mul3A_160, %add3A_161 : i32
      %dma_wait3A_163 = arith.constant 0 : i32
      %dma_wait3A_164 = arith.constant 0 : i32
      %dma_wait3A_165 = tpu.memref_slice %arg2[%dma_wait3A_163, %dma_wait3A_164] : memref<100000x64xf32, #tpu.memory_space<hbm>> -> memref<128x64xf32, #tpu.memory_space<hbm>>
      %dma_wait3A_166 = arith.constant 0 : i32
      %dma_wait3A_167 = arith.constant 0 : i32
      %dma_wait3A_168 = tpu.memref_slice %arg2[%dma_wait3A_166, %dma_wait3A_167] : memref<100000x64xf32, #tpu.memory_space<hbm>> -> memref<128x64xf32, #tpu.memory_space<hbm>>
      tpu.wait_dma2 semaphore(%arg17 : memref<!tpu.dma_semaphore, #tpu.memory_space<semaphore_mem>>) src(%dma_wait3A_168 : memref<128x64xf32, #tpu.memory_space<hbm>>) dst(%arg9 : memref<128x64xf32, #tpu.memory_space<vmem>>)
      %gt3A_169 = arith.constant 0 : i32
      %gt3A_170 = arith.cmpi sgt, %scan3A_70, %gt3A_169 : i32
      %convert_element_type3A_171 = arith.extui %gt3A_170 : i1 to i32
      %cond3A_172 = arith.constant 0 : i32
      %cond3A_173 = arith.cmpi ne, %convert_element_type3A_171, %cond3A_172 : i32
      scf.if %cond3A_173 {
        %dma_wait3A_190 = arith.constant 0 : i32
        %dma_wait3A_191 = arith.constant 0 : i32
        %dma_wait3A_192 = arith.constant 0 : i32
        %dma_wait3A_193 = tpu.memref_slice %arg4[%dma_wait3A_190, %dma_wait3A_191, %add3A, %dma_wait3A_192] : memref<200x8x32x1024xf32, #tpu.memory_space<hbm>> -> memref<1x8x1x1024xf32, #tpu.memory_space<hbm>>
        %dma_wait3A_194 = tpu.memref_squeeze %dma_wait3A_193 : memref<1x8x1x1024xf32, #tpu.memory_space<hbm>> -> memref<8x1024xf32, #tpu.memory_space<hbm>>
        %dma_wait3A_195 = arith.constant 0 : i32
        %dma_wait3A_196 = arith.constant 0 : i32
        %dma_wait3A_197 = tpu.memref_slice %arg4[%dma_wait3A_190, %dma_wait3A_195, %add3A, %dma_wait3A_196] : memref<200x8x32x1024xf32, #tpu.memory_space<hbm>> -> memref<1x8x1x1024xf32, #tpu.memory_space<hbm>>
        %dma_wait3A_198 = tpu.memref_squeeze %dma_wait3A_197 : memref<1x8x1x1024xf32, #tpu.memory_space<hbm>> -> memref<8x1024xf32, #tpu.memory_space<hbm>>
        tpu.wait_dma2 semaphore(%arg21 : memref<!tpu.dma_semaphore, #tpu.memory_space<semaphore_mem>>) src(%arg13 : memref<8x1024xf32, #tpu.memory_space<vmem>>) dst(%dma_wait3A_198 : memref<8x1024xf32, #tpu.memory_space<hbm>>)
      } else {
      }
      %parallel_loop3A_174 = arith.constant 0 : i32
      %parallel_loop3A_175 = arith.constant 32 : i32
      %parallel_loop3A_176 = arith.constant 1 : i32
      scf.for %parallel_loop3A_190 = %parallel_loop3A_174 to %parallel_loop3A_175 step %parallel_loop3A_176  : i32 {
        %parallel_loop3A_191 = arith.constant 2 : i32
        %parallel_loop3A_192 = arith.shrsi %parallel_loop3A_190, %parallel_loop3A_191 : i32
        %parallel_loop3A_193 = arith.constant 16 : i32
        %parallel_loop3A_194 = arith.muli %parallel_loop3A_192, %parallel_loop3A_193 : i32
        %parallel_loop3A_195 = arith.constant 3 : i32
        %parallel_loop3A_196 = arith.andi %parallel_loop3A_190, %parallel_loop3A_195 : i32
        %parallel_loop3A_197 = arith.constant 16 : i32
        %parallel_loop3A_198 = arith.muli %parallel_loop3A_196, %parallel_loop3A_197 : i32
        %parallel_loop3A_199 = vector.broadcast %parallel_loop3A_194 : i32 to vector<16xi32>
        %parallel_loop3A_200 = arith.addi %parallel_loop3A_199, %iota3A : vector<16xi32>
        %parallel_loop3A_201 = arith.constant 0 : i32
        %parallel_loop3A_202 = vector.broadcast %parallel_loop3A_201 : i32 to vector<16xi32>
        %parallel_loop3A_203 = arith.addi %iota3A, %parallel_loop3A_202 : vector<16xi32>
        %parallel_loop3A_204 = arith.constant 15 : i32
        %parallel_loop3A_205 = vector.broadcast %parallel_loop3A_204 : i32 to vector<16xi32>
        %parallel_loop3A_206 = arith.andi %parallel_loop3A_203, %parallel_loop3A_205 : vector<16xi32>
        %parallel_loop3A_207 = vector.broadcast %parallel_loop3A_198 : i32 to vector<16xi32>
        %parallel_loop3A_208 = arith.addi %parallel_loop3A_206, %parallel_loop3A_207 : vector<16xi32>
        %parallel_loop3A_209 = tpu.vector_load_idx %arg9[%parallel_loop3A_200, %parallel_loop3A_208] : memref<128x64xf32, #tpu.memory_space<vmem>>[vector<16xi32>, vector<16xi32>], vector<16xf32>,
        %parallel_loop3A_210 = arith.constant 3 : i32
        %parallel_loop3A_211 = vector.broadcast %parallel_loop3A_210 : i32 to vector<16xi32>
        %parallel_loop3A_212 = arith.shrsi %parallel_loop3A_208, %parallel_loop3A_211 : vector<16xi32>
        %parallel_loop3A_213 = arith.constant 7 : i32
        %parallel_loop3A_214 = vector.broadcast %parallel_loop3A_213 : i32 to vector<16xi32>
        %parallel_loop3A_215 = arith.andi %parallel_loop3A_208, %parallel_loop3A_214 : vector<16xi32>
        %parallel_loop3A_216 = arith.constant 7 : i32
        %parallel_loop3A_217 = vector.broadcast %parallel_loop3A_216 : i32 to vector<16xi32>
        %parallel_loop3A_218 = arith.shli %parallel_loop3A_215, %parallel_loop3A_217 : vector<16xi32>
        %parallel_loop3A_219 = arith.addi %parallel_loop3A_218, %parallel_loop3A_200 : vector<16xi32>
        tpu.vector_store_idx %arg13[%parallel_loop3A_212, %parallel_loop3A_219], %parallel_loop3A_209 : memref<8x1024xf32, #tpu.memory_space<vmem>>[vector<16xi32>, vector<16xi32>], vector<16xf32>,
        %parallel_loop3A_220 = arith.constant 1 : i32
        %parallel_loop3A_221 = vector.broadcast %parallel_loop3A_220 : i32 to vector<16xi32>
        %parallel_loop3A_222 = arith.addi %iota3A, %parallel_loop3A_221 : vector<16xi32>
        %parallel_loop3A_223 = arith.constant 15 : i32
        %parallel_loop3A_224 = vector.broadcast %parallel_loop3A_223 : i32 to vector<16xi32>
        %parallel_loop3A_225 = arith.andi %parallel_loop3A_222, %parallel_loop3A_224 : vector<16xi32>
        %parallel_loop3A_226 = vector.broadcast %parallel_loop3A_198 : i32 to vector<16xi32>
        %parallel_loop3A_227 = arith.addi %parallel_loop3A_225, %parallel_loop3A_226 : vector<16xi32>
        %parallel_loop3A_228 = tpu.vector_load_idx %arg9[%parallel_loop3A_200, %parallel_loop3A_227] : memref<128x64xf32, #tpu.memory_space<vmem>>[vector<16xi32>, vector<16xi32>], vector<16xf32>,
        %parallel_loop3A_229 = arith.constant 3 : i32
        %parallel_loop3A_230 = vector.broadcast %parallel_loop3A_229 : i32 to vector<16xi32>
        %parallel_loop3A_231 = arith.shrsi %parallel_loop3A_227, %parallel_loop3A_230 : vector<16xi32>
        %parallel_loop3A_232 = arith.constant 7 : i32
        %parallel_loop3A_233 = vector.broadcast %parallel_loop3A_232 : i32 to vector<16xi32>
        %parallel_loop3A_234 = arith.andi %parallel_loop3A_227, %parallel_loop3A_233 : vector<16xi32>
        %parallel_loop3A_235 = arith.constant 7 : i32
        %parallel_loop3A_236 = vector.broadcast %parallel_loop3A_235 : i32 to vector<16xi32>
        %parallel_loop3A_237 = arith.shli %parallel_loop3A_234, %parallel_loop3A_236 : vector<16xi32>
        %parallel_loop3A_238 = arith.addi %parallel_loop3A_237, %parallel_loop3A_200 : vector<16xi32>
        tpu.vector_store_idx %arg13[%parallel_loop3A_231, %parallel_loop3A_238], %parallel_loop3A_228 : memref<8x1024xf32, #tpu.memory_space<vmem>>[vector<16xi32>, vector<16xi32>], vector<16xf32>,
        %parallel_loop3A_239 = arith.constant 2 : i32
        %parallel_loop3A_240 = vector.broadcast %parallel_loop3A_239 : i32 to vector<16xi32>
        %parallel_loop3A_241 = arith.addi %iota3A, %parallel_loop3A_240 : vector<16xi32>
        %parallel_loop3A_242 = arith.constant 15 : i32
        %parallel_loop3A_243 = vector.broadcast %parallel_loop3A_242 : i32 to vector<16xi32>
        %parallel_loop3A_244 = arith.andi %parallel_loop3A_241, %parallel_loop3A_243 : vector<16xi32>
        %parallel_loop3A_245 = vector.broadcast %parallel_loop3A_198 : i32 to vector<16xi32>
        %parallel_loop3A_246 = arith.addi %parallel_loop3A_244, %parallel_loop3A_245 : vector<16xi32>
        %parallel_loop3A_247 = tpu.vector_load_idx %arg9[%parallel_loop3A_200, %parallel_loop3A_246] : memref<128x64xf32, #tpu.memory_space<vmem>>[vector<16xi32>, vector<16xi32>], vector<16xf32>,
        %parallel_loop3A_248 = arith.constant 3 : i32
        %parallel_loop3A_249 = vector.broadcast %parallel_loop3A_248 : i32 to vector<16xi32>
        %parallel_loop3A_250 = arith.shrsi %parallel_loop3A_246, %parallel_loop3A_249 : vector<16xi32>
        %parallel_loop3A_251 = arith.constant 7 : i32
        %parallel_loop3A_252 = vector.broadcast %parallel_loop3A_251 : i32 to vector<16xi32>
        %parallel_loop3A_253 = arith.andi %parallel_loop3A_246, %parallel_loop3A_252 : vector<16xi32>
        %parallel_loop3A_254 = arith.constant 7 : i32
        %parallel_loop3A_255 = vector.broadcast %parallel_loop3A_254 : i32 to vector<16xi32>
        %parallel_loop3A_256 = arith.shli %parallel_loop3A_253, %parallel_loop3A_255 : vector<16xi32>
        %parallel_loop3A_257 = arith.addi %parallel_loop3A_256, %parallel_loop3A_200 : vector<16xi32>
        tpu.vector_store_idx %arg13[%parallel_loop3A_250, %parallel_loop3A_257], %parallel_loop3A_247 : memref<8x1024xf32, #tpu.memory_space<vmem>>[vector<16xi32>, vector<16xi32>], vector<16xf32>,
        %parallel_loop3A_258 = arith.constant 3 : i32
        %parallel_loop3A_259 = vector.broadcast %parallel_loop3A_258 : i32 to vector<16xi32>
        %parallel_loop3A_260 = arith.addi %iota3A, %parallel_loop3A_259 : vector<16xi32>
        %parallel_loop3A_261 = arith.constant 15 : i32
        %parallel_loop3A_262 = vector.broadcast %parallel_loop3A_261 : i32 to vector<16xi32>
        %parallel_loop3A_263 = arith.andi %parallel_loop3A_260, %parallel_loop3A_262 : vector<16xi32>
        %parallel_loop3A_264 = vector.broadcast %parallel_loop3A_198 : i32 to vector<16xi32>
        %parallel_loop3A_265 = arith.addi %parallel_loop3A_263, %parallel_loop3A_264 : vector<16xi32>
        %parallel_loop3A_266 = tpu.vector_load_idx %arg9[%parallel_loop3A_200, %parallel_loop3A_265] : memref<128x64xf32, #tpu.memory_space<vmem>>[vector<16xi32>, vector<16xi32>], vector<16xf32>,
        %parallel_loop3A_267 = arith.constant 3 : i32
        %parallel_loop3A_268 = vector.broadcast %parallel_loop3A_267 : i32 to vector<16xi32>
        %parallel_loop3A_269 = arith.shrsi %parallel_loop3A_265, %parallel_loop3A_268 : vector<16xi32>
        %parallel_loop3A_270 = arith.constant 7 : i32
        %parallel_loop3A_271 = vector.broadcast %parallel_loop3A_270 : i32 to vector<16xi32>
        %parallel_loop3A_272 = arith.andi %parallel_loop3A_265, %parallel_loop3A_271 : vector<16xi32>
        %parallel_loop3A_273 = arith.constant 7 : i32
        %parallel_loop3A_274 = vector.broadcast %parallel_loop3A_273 : i32 to vector<16xi32>
        %parallel_loop3A_275 = arith.shli %parallel_loop3A_272, %parallel_loop3A_274 : vector<16xi32>
        %parallel_loop3A_276 = arith.addi %parallel_loop3A_275, %parallel_loop3A_200 : vector<16xi32>
        tpu.vector_store_idx %arg13[%parallel_loop3A_269, %parallel_loop3A_276], %parallel_loop3A_266 : memref<8x1024xf32, #tpu.memory_space<vmem>>[vector<16xi32>, vector<16xi32>], vector<16xf32>,
        %parallel_loop3A_277 = arith.constant 4 : i32
        %parallel_loop3A_278 = vector.broadcast %parallel_loop3A_277 : i32 to vector<16xi32>
        %parallel_loop3A_279 = arith.addi %iota3A, %parallel_loop3A_278 : vector<16xi32>
        %parallel_loop3A_280 = arith.constant 15 : i32
        %parallel_loop3A_281 = vector.broadcast %parallel_loop3A_280 : i32 to vector<16xi32>
        %parallel_loop3A_282 = arith.andi %parallel_loop3A_279, %parallel_loop3A_281 : vector<16xi32>
        %parallel_loop3A_283 = vector.broadcast %parallel_loop3A_198 : i32 to vector<16xi32>
        %parallel_loop3A_284 = arith.addi %parallel_loop3A_282, %parallel_loop3A_283 : vector<16xi32>
        %parallel_loop3A_285 = tpu.vector_load_idx %arg9[%parallel_loop3A_200, %parallel_loop3A_284] : memref<128x64xf32, #tpu.memory_space<vmem>>[vector<16xi32>, vector<16xi32>], vector<16xf32>,
        %parallel_loop3A_286 = arith.constant 3 : i32
        %parallel_loop3A_287 = vector.broadcast %parallel_loop3A_286 : i32 to vector<16xi32>
        %parallel_loop3A_288 = arith.shrsi %parallel_loop3A_284, %parallel_loop3A_287 : vector<16xi32>
        %parallel_loop3A_289 = arith.constant 7 : i32
        %parallel_loop3A_290 = vector.broadcast %parallel_loop3A_289 : i32 to vector<16xi32>
        %parallel_loop3A_291 = arith.andi %parallel_loop3A_284, %parallel_loop3A_290 : vector<16xi32>
        %parallel_loop3A_292 = arith.constant 7 : i32
        %parallel_loop3A_293 = vector.broadcast %parallel_loop3A_292 : i32 to vector<16xi32>
        %parallel_loop3A_294 = arith.shli %parallel_loop3A_291, %parallel_loop3A_293 : vector<16xi32>
        %parallel_loop3A_295 = arith.addi %parallel_loop3A_294, %parallel_loop3A_200 : vector<16xi32>
        tpu.vector_store_idx %arg13[%parallel_loop3A_288, %parallel_loop3A_295], %parallel_loop3A_285 : memref<8x1024xf32, #tpu.memory_space<vmem>>[vector<16xi32>, vector<16xi32>], vector<16xf32>,
        %parallel_loop3A_296 = arith.constant 5 : i32
        %parallel_loop3A_297 = vector.broadcast %parallel_loop3A_296 : i32 to vector<16xi32>
        %parallel_loop3A_298 = arith.addi %iota3A, %parallel_loop3A_297 : vector<16xi32>
        %parallel_loop3A_299 = arith.constant 15 : i32
        %parallel_loop3A_300 = vector.broadcast %parallel_loop3A_299 : i32 to vector<16xi32>
        %parallel_loop3A_301 = arith.andi %parallel_loop3A_298, %parallel_loop3A_300 : vector<16xi32>
        %parallel_loop3A_302 = vector.broadcast %parallel_loop3A_198 : i32 to vector<16xi32>
        %parallel_loop3A_303 = arith.addi %parallel_loop3A_301, %parallel_loop3A_302 : vector<16xi32>
        %parallel_loop3A_304 = tpu.vector_load_idx %arg9[%parallel_loop3A_200, %parallel_loop3A_303] : memref<128x64xf32, #tpu.memory_space<vmem>>[vector<16xi32>, vector<16xi32>], vector<16xf32>,
        %parallel_loop3A_305 = arith.constant 3 : i32
        %parallel_loop3A_306 = vector.broadcast %parallel_loop3A_305 : i32 to vector<16xi32>
        %parallel_loop3A_307 = arith.shrsi %parallel_loop3A_303, %parallel_loop3A_306 : vector<16xi32>
        %parallel_loop3A_308 = arith.constant 7 : i32
        %parallel_loop3A_309 = vector.broadcast %parallel_loop3A_308 : i32 to vector<16xi32>
        %parallel_loop3A_310 = arith.andi %parallel_loop3A_303, %parallel_loop3A_309 : vector<16xi32>
        %parallel_loop3A_311 = arith.constant 7 : i32
        %parallel_loop3A_312 = vector.broadcast %parallel_loop3A_311 : i32 to vector<16xi32>
        %parallel_loop3A_313 = arith.shli %parallel_loop3A_310, %parallel_loop3A_312 : vector<16xi32>
        %parallel_loop3A_314 = arith.addi %parallel_loop3A_313, %parallel_loop3A_200 : vector<16xi32>
        tpu.vector_store_idx %arg13[%parallel_loop3A_307, %parallel_loop3A_314], %parallel_loop3A_304 : memref<8x1024xf32, #tpu.memory_space<vmem>>[vector<16xi32>, vector<16xi32>], vector<16xf32>,
        %parallel_loop3A_315 = arith.constant 6 : i32
        %parallel_loop3A_316 = vector.broadcast %parallel_loop3A_315 : i32 to vector<16xi32>
        %parallel_loop3A_317 = arith.addi %iota3A, %parallel_loop3A_316 : vector<16xi32>
        %parallel_loop3A_318 = arith.constant 15 : i32
        %parallel_loop3A_319 = vector.broadcast %parallel_loop3A_318 : i32 to vector<16xi32>
        %parallel_loop3A_320 = arith.andi %parallel_loop3A_317, %parallel_loop3A_319 : vector<16xi32>
        %parallel_loop3A_321 = vector.broadcast %parallel_loop3A_198 : i32 to vector<16xi32>
        %parallel_loop3A_322 = arith.addi %parallel_loop3A_320, %parallel_loop3A_321 : vector<16xi32>
        %parallel_loop3A_323 = tpu.vector_load_idx %arg9[%parallel_loop3A_200, %parallel_loop3A_322] : memref<128x64xf32, #tpu.memory_space<vmem>>[vector<16xi32>, vector<16xi32>], vector<16xf32>,
        %parallel_loop3A_324 = arith.constant 3 : i32
        %parallel_loop3A_325 = vector.broadcast %parallel_loop3A_324 : i32 to vector<16xi32>
        %parallel_loop3A_326 = arith.shrsi %parallel_loop3A_322, %parallel_loop3A_325 : vector<16xi32>
        %parallel_loop3A_327 = arith.constant 7 : i32
        %parallel_loop3A_328 = vector.broadcast %parallel_loop3A_327 : i32 to vector<16xi32>
        %parallel_loop3A_329 = arith.andi %parallel_loop3A_322, %parallel_loop3A_328 : vector<16xi32>
        %parallel_loop3A_330 = arith.constant 7 : i32
        %parallel_loop3A_331 = vector.broadcast %parallel_loop3A_330 : i32 to vector<16xi32>
        %parallel_loop3A_332 = arith.shli %parallel_loop3A_329, %parallel_loop3A_331 : vector<16xi32>
        %parallel_loop3A_333 = arith.addi %parallel_loop3A_332, %parallel_loop3A_200 : vector<16xi32>
        tpu.vector_store_idx %arg13[%parallel_loop3A_326, %parallel_loop3A_333], %parallel_loop3A_323 : memref<8x1024xf32, #tpu.memory_space<vmem>>[vector<16xi32>, vector<16xi32>], vector<16xf32>,
        %parallel_loop3A_334 = arith.constant 7 : i32
        %parallel_loop3A_335 = vector.broadcast %parallel_loop3A_334 : i32 to vector<16xi32>
        %parallel_loop3A_336 = arith.addi %iota3A, %parallel_loop3A_335 : vector<16xi32>
        %parallel_loop3A_337 = arith.constant 15 : i32
        %parallel_loop3A_338 = vector.broadcast %parallel_loop3A_337 : i32 to vector<16xi32>
        %parallel_loop3A_339 = arith.andi %parallel_loop3A_336, %parallel_loop3A_338 : vector<16xi32>
        %parallel_loop3A_340 = vector.broadcast %parallel_loop3A_198 : i32 to vector<16xi32>
        %parallel_loop3A_341 = arith.addi %parallel_loop3A_339, %parallel_loop3A_340 : vector<16xi32>
        %parallel_loop3A_342 = tpu.vector_load_idx %arg9[%parallel_loop3A_200, %parallel_loop3A_341] : memref<128x64xf32, #tpu.memory_space<vmem>>[vector<16xi32>, vector<16xi32>], vector<16xf32>,
        %parallel_loop3A_343 = arith.constant 3 : i32
        %parallel_loop3A_344 = vector.broadcast %parallel_loop3A_343 : i32 to vector<16xi32>
        %parallel_loop3A_345 = arith.shrsi %parallel_loop3A_341, %parallel_loop3A_344 : vector<16xi32>
        %parallel_loop3A_346 = arith.constant 7 : i32
        %parallel_loop3A_347 = vector.broadcast %parallel_loop3A_346 : i32 to vector<16xi32>
        %parallel_loop3A_348 = arith.andi %parallel_loop3A_341, %parallel_loop3A_347 : vector<16xi32>
        %parallel_loop3A_349 = arith.constant 7 : i32
        %parallel_loop3A_350 = vector.broadcast %parallel_loop3A_349 : i32 to vector<16xi32>
        %parallel_loop3A_351 = arith.shli %parallel_loop3A_348, %parallel_loop3A_350 : vector<16xi32>
        %parallel_loop3A_352 = arith.addi %parallel_loop3A_351, %parallel_loop3A_200 : vector<16xi32>
        tpu.vector_store_idx %arg13[%parallel_loop3A_345, %parallel_loop3A_352], %parallel_loop3A_342 : memref<8x1024xf32, #tpu.memory_space<vmem>>[vector<16xi32>, vector<16xi32>], vector<16xf32>,
        %parallel_loop3A_353 = arith.constant 8 : i32
        %parallel_loop3A_354 = vector.broadcast %parallel_loop3A_353 : i32 to vector<16xi32>
        %parallel_loop3A_355 = arith.addi %iota3A, %parallel_loop3A_354 : vector<16xi32>
        %parallel_loop3A_356 = arith.constant 15 : i32
        %parallel_loop3A_357 = vector.broadcast %parallel_loop3A_356 : i32 to vector<16xi32>
        %parallel_loop3A_358 = arith.andi %parallel_loop3A_355, %parallel_loop3A_357 : vector<16xi32>
        %parallel_loop3A_359 = vector.broadcast %parallel_loop3A_198 : i32 to vector<16xi32>
        %parallel_loop3A_360 = arith.addi %parallel_loop3A_358, %parallel_loop3A_359 : vector<16xi32>
        %parallel_loop3A_361 = tpu.vector_load_idx %arg9[%parallel_loop3A_200, %parallel_loop3A_360] : memref<128x64xf32, #tpu.memory_space<vmem>>[vector<16xi32>, vector<16xi32>], vector<16xf32>,
        %parallel_loop3A_362 = arith.constant 3 : i32
        %parallel_loop3A_363 = vector.broadcast %parallel_loop3A_362 : i32 to vector<16xi32>
        %parallel_loop3A_364 = arith.shrsi %parallel_loop3A_360, %parallel_loop3A_363 : vector<16xi32>
        %parallel_loop3A_365 = arith.constant 7 : i32
        %parallel_loop3A_366 = vector.broadcast %parallel_loop3A_365 : i32 to vector<16xi32>
        %parallel_loop3A_367 = arith.andi %parallel_loop3A_360, %parallel_loop3A_366 : vector<16xi32>
        %parallel_loop3A_368 = arith.constant 7 : i32
        %parallel_loop3A_369 = vector.broadcast %parallel_loop3A_368 : i32 to vector<16xi32>
        %parallel_loop3A_370 = arith.shli %parallel_loop3A_367, %parallel_loop3A_369 : vector<16xi32>
        %parallel_loop3A_371 = arith.addi %parallel_loop3A_370, %parallel_loop3A_200 : vector<16xi32>
        tpu.vector_store_idx %arg13[%parallel_loop3A_364, %parallel_loop3A_371], %parallel_loop3A_361 : memref<8x1024xf32, #tpu.memory_space<vmem>>[vector<16xi32>, vector<16xi32>], vector<16xf32>,
        %parallel_loop3A_372 = arith.constant 9 : i32
        %parallel_loop3A_373 = vector.broadcast %parallel_loop3A_372 : i32 to vector<16xi32>
        %parallel_loop3A_374 = arith.addi %iota3A, %parallel_loop3A_373 : vector<16xi32>
        %parallel_loop3A_375 = arith.constant 15 : i32
        %parallel_loop3A_376 = vector.broadcast %parallel_loop3A_375 : i32 to vector<16xi32>
        %parallel_loop3A_377 = arith.andi %parallel_loop3A_374, %parallel_loop3A_376 : vector<16xi32>
        %parallel_loop3A_378 = vector.broadcast %parallel_loop3A_198 : i32 to vector<16xi32>
        %parallel_loop3A_379 = arith.addi %parallel_loop3A_377, %parallel_loop3A_378 : vector<16xi32>
        %parallel_loop3A_380 = tpu.vector_load_idx %arg9[%parallel_loop3A_200, %parallel_loop3A_379] : memref<128x64xf32, #tpu.memory_space<vmem>>[vector<16xi32>, vector<16xi32>], vector<16xf32>,
        %parallel_loop3A_381 = arith.constant 3 : i32
        %parallel_loop3A_382 = vector.broadcast %parallel_loop3A_381 : i32 to vector<16xi32>
        %parallel_loop3A_383 = arith.shrsi %parallel_loop3A_379, %parallel_loop3A_382 : vector<16xi32>
        %parallel_loop3A_384 = arith.constant 7 : i32
        %parallel_loop3A_385 = vector.broadcast %parallel_loop3A_384 : i32 to vector<16xi32>
        %parallel_loop3A_386 = arith.andi %parallel_loop3A_379, %parallel_loop3A_385 : vector<16xi32>
        %parallel_loop3A_387 = arith.constant 7 : i32
        %parallel_loop3A_388 = vector.broadcast %parallel_loop3A_387 : i32 to vector<16xi32>
        %parallel_loop3A_389 = arith.shli %parallel_loop3A_386, %parallel_loop3A_388 : vector<16xi32>
        %parallel_loop3A_390 = arith.addi %parallel_loop3A_389, %parallel_loop3A_200 : vector<16xi32>
        tpu.vector_store_idx %arg13[%parallel_loop3A_383, %parallel_loop3A_390], %parallel_loop3A_380 : memref<8x1024xf32, #tpu.memory_space<vmem>>[vector<16xi32>, vector<16xi32>], vector<16xf32>,
        %parallel_loop3A_391 = arith.constant 10 : i32
        %parallel_loop3A_392 = vector.broadcast %parallel_loop3A_391 : i32 to vector<16xi32>
        %parallel_loop3A_393 = arith.addi %iota3A, %parallel_loop3A_392 : vector<16xi32>
        %parallel_loop3A_394 = arith.constant 15 : i32
        %parallel_loop3A_395 = vector.broadcast %parallel_loop3A_394 : i32 to vector<16xi32>
        %parallel_loop3A_396 = arith.andi %parallel_loop3A_393, %parallel_loop3A_395 : vector<16xi32>
        %parallel_loop3A_397 = vector.broadcast %parallel_loop3A_198 : i32 to vector<16xi32>
        %parallel_loop3A_398 = arith.addi %parallel_loop3A_396, %parallel_loop3A_397 : vector<16xi32>
        %parallel_loop3A_399 = tpu.vector_load_idx %arg9[%parallel_loop3A_200, %parallel_loop3A_398] : memref<128x64xf32, #tpu.memory_space<vmem>>[vector<16xi32>, vector<16xi32>], vector<16xf32>,
        %parallel_loop3A_400 = arith.constant 3 : i32
        %parallel_loop3A_401 = vector.broadcast %parallel_loop3A_400 : i32 to vector<16xi32>
        %parallel_loop3A_402 = arith.shrsi %parallel_loop3A_398, %parallel_loop3A_401 : vector<16xi32>
        %parallel_loop3A_403 = arith.constant 7 : i32
        %parallel_loop3A_404 = vector.broadcast %parallel_loop3A_403 : i32 to vector<16xi32>
        %parallel_loop3A_405 = arith.andi %parallel_loop3A_398, %parallel_loop3A_404 : vector<16xi32>
        %parallel_loop3A_406 = arith.constant 7 : i32
        %parallel_loop3A_407 = vector.broadcast %parallel_loop3A_406 : i32 to vector<16xi32>
        %parallel_loop3A_408 = arith.shli %parallel_loop3A_405, %parallel_loop3A_407 : vector<16xi32>
        %parallel_loop3A_409 = arith.addi %parallel_loop3A_408, %parallel_loop3A_200 : vector<16xi32>
        tpu.vector_store_idx %arg13[%parallel_loop3A_402, %parallel_loop3A_409], %parallel_loop3A_399 : memref<8x1024xf32, #tpu.memory_space<vmem>>[vector<16xi32>, vector<16xi32>], vector<16xf32>,
        %parallel_loop3A_410 = arith.constant 11 : i32
        %parallel_loop3A_411 = vector.broadcast %parallel_loop3A_410 : i32 to vector<16xi32>
        %parallel_loop3A_412 = arith.addi %iota3A, %parallel_loop3A_411 : vector<16xi32>
        %parallel_loop3A_413 = arith.constant 15 : i32
        %parallel_loop3A_414 = vector.broadcast %parallel_loop3A_413 : i32 to vector<16xi32>
        %parallel_loop3A_415 = arith.andi %parallel_loop3A_412, %parallel_loop3A_414 : vector<16xi32>
        %parallel_loop3A_416 = vector.broadcast %parallel_loop3A_198 : i32 to vector<16xi32>
        %parallel_loop3A_417 = arith.addi %parallel_loop3A_415, %parallel_loop3A_416 : vector<16xi32>
        %parallel_loop3A_418 = tpu.vector_load_idx %arg9[%parallel_loop3A_200, %parallel_loop3A_417] : memref<128x64xf32, #tpu.memory_space<vmem>>[vector<16xi32>, vector<16xi32>], vector<16xf32>,
        %parallel_loop3A_419 = arith.constant 3 : i32
        %parallel_loop3A_420 = vector.broadcast %parallel_loop3A_419 : i32 to vector<16xi32>
        %parallel_loop3A_421 = arith.shrsi %parallel_loop3A_417, %parallel_loop3A_420 : vector<16xi32>
        %parallel_loop3A_422 = arith.constant 7 : i32
        %parallel_loop3A_423 = vector.broadcast %parallel_loop3A_422 : i32 to vector<16xi32>
        %parallel_loop3A_424 = arith.andi %parallel_loop3A_417, %parallel_loop3A_423 : vector<16xi32>
        %parallel_loop3A_425 = arith.constant 7 : i32
        %parallel_loop3A_426 = vector.broadcast %parallel_loop3A_425 : i32 to vector<16xi32>
        %parallel_loop3A_427 = arith.shli %parallel_loop3A_424, %parallel_loop3A_426 : vector<16xi32>
        %parallel_loop3A_428 = arith.addi %parallel_loop3A_427, %parallel_loop3A_200 : vector<16xi32>
        tpu.vector_store_idx %arg13[%parallel_loop3A_421, %parallel_loop3A_428], %parallel_loop3A_418 : memref<8x1024xf32, #tpu.memory_space<vmem>>[vector<16xi32>, vector<16xi32>], vector<16xf32>,
        %parallel_loop3A_429 = arith.constant 12 : i32
        %parallel_loop3A_430 = vector.broadcast %parallel_loop3A_429 : i32 to vector<16xi32>
        %parallel_loop3A_431 = arith.addi %iota3A, %parallel_loop3A_430 : vector<16xi32>
        %parallel_loop3A_432 = arith.constant 15 : i32
        %parallel_loop3A_433 = vector.broadcast %parallel_loop3A_432 : i32 to vector<16xi32>
        %parallel_loop3A_434 = arith.andi %parallel_loop3A_431, %parallel_loop3A_433 : vector<16xi32>
        %parallel_loop3A_435 = vector.broadcast %parallel_loop3A_198 : i32 to vector<16xi32>
        %parallel_loop3A_436 = arith.addi %parallel_loop3A_434, %parallel_loop3A_435 : vector<16xi32>
        %parallel_loop3A_437 = tpu.vector_load_idx %arg9[%parallel_loop3A_200, %parallel_loop3A_436] : memref<128x64xf32, #tpu.memory_space<vmem>>[vector<16xi32>, vector<16xi32>], vector<16xf32>,
        %parallel_loop3A_438 = arith.constant 3 : i32
        %parallel_loop3A_439 = vector.broadcast %parallel_loop3A_438 : i32 to vector<16xi32>
        %parallel_loop3A_440 = arith.shrsi %parallel_loop3A_436, %parallel_loop3A_439 : vector<16xi32>
        %parallel_loop3A_441 = arith.constant 7 : i32
        %parallel_loop3A_442 = vector.broadcast %parallel_loop3A_441 : i32 to vector<16xi32>
        %parallel_loop3A_443 = arith.andi %parallel_loop3A_436, %parallel_loop3A_442 : vector<16xi32>
        %parallel_loop3A_444 = arith.constant 7 : i32
        %parallel_loop3A_445 = vector.broadcast %parallel_loop3A_444 : i32 to vector<16xi32>
        %parallel_loop3A_446 = arith.shli %parallel_loop3A_443, %parallel_loop3A_445 : vector<16xi32>
        %parallel_loop3A_447 = arith.addi %parallel_loop3A_446, %parallel_loop3A_200 : vector<16xi32>
        tpu.vector_store_idx %arg13[%parallel_loop3A_440, %parallel_loop3A_447], %parallel_loop3A_437 : memref<8x1024xf32, #tpu.memory_space<vmem>>[vector<16xi32>, vector<16xi32>], vector<16xf32>,
        %parallel_loop3A_448 = arith.constant 13 : i32
        %parallel_loop3A_449 = vector.broadcast %parallel_loop3A_448 : i32 to vector<16xi32>
        %parallel_loop3A_450 = arith.addi %iota3A, %parallel_loop3A_449 : vector<16xi32>
        %parallel_loop3A_451 = arith.constant 15 : i32
        %parallel_loop3A_452 = vector.broadcast %parallel_loop3A_451 : i32 to vector<16xi32>
        %parallel_loop3A_453 = arith.andi %parallel_loop3A_450, %parallel_loop3A_452 : vector<16xi32>
        %parallel_loop3A_454 = vector.broadcast %parallel_loop3A_198 : i32 to vector<16xi32>
        %parallel_loop3A_455 = arith.addi %parallel_loop3A_453, %parallel_loop3A_454 : vector<16xi32>
        %parallel_loop3A_456 = tpu.vector_load_idx %arg9[%parallel_loop3A_200, %parallel_loop3A_455] : memref<128x64xf32, #tpu.memory_space<vmem>>[vector<16xi32>, vector<16xi32>], vector<16xf32>,
        %parallel_loop3A_457 = arith.constant 3 : i32
        %parallel_loop3A_458 = vector.broadcast %parallel_loop3A_457 : i32 to vector<16xi32>
        %parallel_loop3A_459 = arith.shrsi %parallel_loop3A_455, %parallel_loop3A_458 : vector<16xi32>
        %parallel_loop3A_460 = arith.constant 7 : i32
        %parallel_loop3A_461 = vector.broadcast %parallel_loop3A_460 : i32 to vector<16xi32>
        %parallel_loop3A_462 = arith.andi %parallel_loop3A_455, %parallel_loop3A_461 : vector<16xi32>
        %parallel_loop3A_463 = arith.constant 7 : i32
        %parallel_loop3A_464 = vector.broadcast %parallel_loop3A_463 : i32 to vector<16xi32>
        %parallel_loop3A_465 = arith.shli %parallel_loop3A_462, %parallel_loop3A_464 : vector<16xi32>
        %parallel_loop3A_466 = arith.addi %parallel_loop3A_465, %parallel_loop3A_200 : vector<16xi32>
        tpu.vector_store_idx %arg13[%parallel_loop3A_459, %parallel_loop3A_466], %parallel_loop3A_456 : memref<8x1024xf32, #tpu.memory_space<vmem>>[vector<16xi32>, vector<16xi32>], vector<16xf32>,
        %parallel_loop3A_467 = arith.constant 14 : i32
        %parallel_loop3A_468 = vector.broadcast %parallel_loop3A_467 : i32 to vector<16xi32>
        %parallel_loop3A_469 = arith.addi %iota3A, %parallel_loop3A_468 : vector<16xi32>
        %parallel_loop3A_470 = arith.constant 15 : i32
        %parallel_loop3A_471 = vector.broadcast %parallel_loop3A_470 : i32 to vector<16xi32>
        %parallel_loop3A_472 = arith.andi %parallel_loop3A_469, %parallel_loop3A_471 : vector<16xi32>
        %parallel_loop3A_473 = vector.broadcast %parallel_loop3A_198 : i32 to vector<16xi32>
        %parallel_loop3A_474 = arith.addi %parallel_loop3A_472, %parallel_loop3A_473 : vector<16xi32>
        %parallel_loop3A_475 = tpu.vector_load_idx %arg9[%parallel_loop3A_200, %parallel_loop3A_474] : memref<128x64xf32, #tpu.memory_space<vmem>>[vector<16xi32>, vector<16xi32>], vector<16xf32>,
        %parallel_loop3A_476 = arith.constant 3 : i32
        %parallel_loop3A_477 = vector.broadcast %parallel_loop3A_476 : i32 to vector<16xi32>
        %parallel_loop3A_478 = arith.shrsi %parallel_loop3A_474, %parallel_loop3A_477 : vector<16xi32>
        %parallel_loop3A_479 = arith.constant 7 : i32
        %parallel_loop3A_480 = vector.broadcast %parallel_loop3A_479 : i32 to vector<16xi32>
        %parallel_loop3A_481 = arith.andi %parallel_loop3A_474, %parallel_loop3A_480 : vector<16xi32>
        %parallel_loop3A_482 = arith.constant 7 : i32
        %parallel_loop3A_483 = vector.broadcast %parallel_loop3A_482 : i32 to vector<16xi32>
        %parallel_loop3A_484 = arith.shli %parallel_loop3A_481, %parallel_loop3A_483 : vector<16xi32>
        %parallel_loop3A_485 = arith.addi %parallel_loop3A_484, %parallel_loop3A_200 : vector<16xi32>
        tpu.vector_store_idx %arg13[%parallel_loop3A_478, %parallel_loop3A_485], %parallel_loop3A_475 : memref<8x1024xf32, #tpu.memory_space<vmem>>[vector<16xi32>, vector<16xi32>], vector<16xf32>,
        %parallel_loop3A_486 = arith.constant 15 : i32
        %parallel_loop3A_487 = vector.broadcast %parallel_loop3A_486 : i32 to vector<16xi32>
        %parallel_loop3A_488 = arith.addi %iota3A, %parallel_loop3A_487 : vector<16xi32>
        %parallel_loop3A_489 = arith.constant 15 : i32
        %parallel_loop3A_490 = vector.broadcast %parallel_loop3A_489 : i32 to vector<16xi32>
        %parallel_loop3A_491 = arith.andi %parallel_loop3A_488, %parallel_loop3A_490 : vector<16xi32>
        %parallel_loop3A_492 = vector.broadcast %parallel_loop3A_198 : i32 to vector<16xi32>
        %parallel_loop3A_493 = arith.addi %parallel_loop3A_491, %parallel_loop3A_492 : vector<16xi32>
        %parallel_loop3A_494 = tpu.vector_load_idx %arg9[%parallel_loop3A_200, %parallel_loop3A_493] : memref<128x64xf32, #tpu.memory_space<vmem>>[vector<16xi32>, vector<16xi32>], vector<16xf32>,
        %parallel_loop3A_495 = arith.constant 3 : i32
        %parallel_loop3A_496 = vector.broadcast %parallel_loop3A_495 : i32 to vector<16xi32>
        %parallel_loop3A_497 = arith.shrsi %parallel_loop3A_493, %parallel_loop3A_496 : vector<16xi32>
        %parallel_loop3A_498 = arith.constant 7 : i32
        %parallel_loop3A_499 = vector.broadcast %parallel_loop3A_498 : i32 to vector<16xi32>
        %parallel_loop3A_500 = arith.andi %parallel_loop3A_493, %parallel_loop3A_499 : vector<16xi32>
        %parallel_loop3A_501 = arith.constant 7 : i32
        %parallel_loop3A_502 = vector.broadcast %parallel_loop3A_501 : i32 to vector<16xi32>
        %parallel_loop3A_503 = arith.shli %parallel_loop3A_500, %parallel_loop3A_502 : vector<16xi32>
        %parallel_loop3A_504 = arith.addi %parallel_loop3A_503, %parallel_loop3A_200 : vector<16xi32>
        tpu.vector_store_idx %arg13[%parallel_loop3A_497, %parallel_loop3A_504], %parallel_loop3A_494 : memref<8x1024xf32, #tpu.memory_space<vmem>>[vector<16xi32>, vector<16xi32>], vector<16xf32>,
      } {sc.loop_unroll_factor = 2 : i64, sc.parallel_access}
      %lt3A_177 = arith.constant 49 : i32
      %lt3A_178 = arith.cmpi slt, %scan3A_70, %lt3A_177 : i32
      %convert_element_type3A_179 = arith.extui %lt3A_178 : i1 to i32
      %cond3A_180 = arith.constant 0 : i32
      %cond3A_181 = arith.cmpi ne, %convert_element_type3A_179, %cond3A_180 : i32
      scf.if %cond3A_181 {
        %add3A_190 = arith.constant 4 : i32
        %add3A_191 = arith.addi %add3A_162, %add3A_190 : i32
        %dma_start3A_192 = arith.constant 0 : i32
        %dma_start3A_193 = tpu.memref_slice %arg5[%add3A_191, %dma_start3A_192] : memref<200x128xi32, #tpu.memory_space<vmem>> -> memref<1x128xi32, #tpu.memory_space<vmem>>
        %dma_start3A_194 = tpu.memref_squeeze %dma_start3A_193 : memref<1x128xi32, #tpu.memory_space<vmem>> -> memref<128xi32, #tpu.memory_space<vmem>>
        %dma_start3A_195 = arith.constant 0 : i32
        %dma_start3A_196 = arith.constant 0 : i32
        %dma_start3A_197 = tpu.memref_slice %arg2[%dma_start3A_195, %dma_start3A_196] : memref<100000x64xf32, #tpu.memory_space<hbm>> -> memref<100000x64xf32, #tpu.memory_space<hbm>>
        tpu.enqueue_indirect_dma source(%dma_start3A_197 : memref<100000x64xf32, #tpu.memory_space<hbm>>) target(%arg9 : memref<128x64xf32, #tpu.memory_space<vmem>>) offsets(%dma_start3A_194 : memref<128xi32, #tpu.memory_space<vmem>>) semaphore(%arg17 : memref<!tpu.dma_semaphore, #tpu.memory_space<semaphore_mem>>)
      } else {
      }
      %dma_start3A_182 = arith.constant 0 : i32
      %dma_start3A_183 = arith.constant 0 : i32
      %dma_start3A_184 = tpu.memref_slice %arg4[%add3A_162, %dma_start3A_182, %add3A, %dma_start3A_183] : memref<200x8x32x1024xf32, #tpu.memory_space<hbm>> -> memref<1x8x1x1024xf32, #tpu.memory_space<hbm>>
      %dma_start3A_185 = tpu.memref_squeeze %dma_start3A_184 : memref<1x8x1x1024xf32, #tpu.memory_space<hbm>> -> memref<8x1024xf32, #tpu.memory_space<hbm>>
      %dma_start3A_186 = arith.constant 0 : i32
      %dma_start3A_187 = arith.constant 0 : i32
      %dma_start3A_188 = tpu.memref_slice %arg4[%add3A_162, %dma_start3A_186, %add3A, %dma_start3A_187] : memref<200x8x32x1024xf32, #tpu.memory_space<hbm>> -> memref<1x8x1x1024xf32, #tpu.memory_space<hbm>>
      %dma_start3A_189 = tpu.memref_squeeze %dma_start3A_188 : memref<1x8x1x1024xf32, #tpu.memory_space<hbm>> -> memref<8x1024xf32, #tpu.memory_space<hbm>>
      tpu.enqueue_dma source(%arg13 : memref<8x1024xf32, #tpu.memory_space<vmem>>) target(%dma_start3A_189 : memref<8x1024xf32, #tpu.memory_space<hbm>>) target_semaphore(%arg21 : memref<!tpu.dma_semaphore, #tpu.memory_space<semaphore_mem>>)
    }
    %scan3A_34 = arith.constant 50 : i32
    %dma_wait3A = arith.constant 0 : i32
    %dma_wait3A_35 = arith.constant 0 : i32
    %dma_wait3A_36 = arith.constant 0 : i32
    %dma_wait3A_37 = tpu.memref_slice %arg4[%dma_wait3A, %dma_wait3A_35, %add3A, %dma_wait3A_36] : memref<200x8x32x1024xf32, #tpu.memory_space<hbm>> -> memref<1x8x1x1024xf32, #tpu.memory_space<hbm>>
    %dma_wait3A_38 = tpu.memref_squeeze %dma_wait3A_37 : memref<1x8x1x1024xf32, #tpu.memory_space<hbm>> -> memref<8x1024xf32, #tpu.memory_space<hbm>>
    %dma_wait3A_39 = arith.constant 0 : i32
    %dma_wait3A_40 = arith.constant 0 : i32
    %dma_wait3A_41 = tpu.memref_slice %arg4[%dma_wait3A, %dma_wait3A_39, %add3A, %dma_wait3A_40] : memref<200x8x32x1024xf32, #tpu.memory_space<hbm>> -> memref<1x8x1x1024xf32, #tpu.memory_space<hbm>>
    %dma_wait3A_42 = tpu.memref_squeeze %dma_wait3A_41 : memref<1x8x1x1024xf32, #tpu.memory_space<hbm>> -> memref<8x1024xf32, #tpu.memory_space<hbm>>
    tpu.wait_dma2 semaphore(%arg18 : memref<!tpu.dma_semaphore, #tpu.memory_space<semaphore_mem>>) src(%arg10 : memref<8x1024xf32, #tpu.memory_space<vmem>>) dst(%dma_wait3A_42 : memref<8x1024xf32, #tpu.memory_space<hbm>>)
    %dma_wait3A_43 = arith.constant 0 : i32
    %dma_wait3A_44 = arith.constant 0 : i32
    %dma_wait3A_45 = arith.constant 0 : i32
    %dma_wait3A_46 = tpu.memref_slice %arg4[%dma_wait3A_43, %dma_wait3A_44, %add3A, %dma_wait3A_45] : memref<200x8x32x1024xf32, #tpu.memory_space<hbm>> -> memref<1x8x1x1024xf32, #tpu.memory_space<hbm>>
    %dma_wait3A_47 = tpu.memref_squeeze %dma_wait3A_46 : memref<1x8x1x1024xf32, #tpu.memory_space<hbm>> -> memref<8x1024xf32, #tpu.memory_space<hbm>>
    %dma_wait3A_48 = arith.constant 0 : i32
    %dma_wait3A_49 = arith.constant 0 : i32
    %dma_wait3A_50 = tpu.memref_slice %arg4[%dma_wait3A_43, %dma_wait3A_48, %add3A, %dma_wait3A_49] : memref<200x8x32x1024xf32, #tpu.memory_space<hbm>> -> memref<1x8x1x1024xf32, #tpu.memory_space<hbm>>
    %dma_wait3A_51 = tpu.memref_squeeze %dma_wait3A_50 : memref<1x8x1x1024xf32, #tpu.memory_space<hbm>> -> memref<8x1024xf32, #tpu.memory_space<hbm>>
    tpu.wait_dma2 semaphore(%arg19 : memref<!tpu.dma_semaphore, #tpu.memory_space<semaphore_mem>>) src(%arg11 : memref<8x1024xf32, #tpu.memory_space<vmem>>) dst(%dma_wait3A_51 : memref<8x1024xf32, #tpu.memory_space<hbm>>)
    %dma_wait3A_52 = arith.constant 0 : i32
    %dma_wait3A_53 = arith.constant 0 : i32
    %dma_wait3A_54 = arith.constant 0 : i32
    %dma_wait3A_55 = tpu.memref_slice %arg4[%dma_wait3A_52, %dma_wait3A_53, %add3A, %dma_wait3A_54] : memref<200x8x32x1024xf32, #tpu.memory_space<hbm>> -> memref<1x8x1x1024xf32, #tpu.memory_space<hbm>>
    %dma_wait3A_56 = tpu.memref_squeeze %dma_wait3A_55 : memref<1x8x1x1024xf32, #tpu.memory_space<hbm>> -> memref<8x1024xf32, #tpu.memory_space<hbm>>
    %dma_wait3A_57 = arith.constant 0 : i32
    %dma_wait3A_58 = arith.constant 0 : i32
    %dma_wait3A_59 = tpu.memref_slice %arg4[%dma_wait3A_52, %dma_wait3A_57, %add3A, %dma_wait3A_58] : memref<200x8x32x1024xf32, #tpu.memory_space<hbm>> -> memref<1x8x1x1024xf32, #tpu.memory_space<hbm>>
    %dma_wait3A_60 = tpu.memref_squeeze %dma_wait3A_59 : memref<1x8x1x1024xf32, #tpu.memory_space<hbm>> -> memref<8x1024xf32, #tpu.memory_space<hbm>>
    tpu.wait_dma2 semaphore(%arg20 : memref<!tpu.dma_semaphore, #tpu.memory_space<semaphore_mem>>) src(%arg12 : memref<8x1024xf32, #tpu.memory_space<vmem>>) dst(%dma_wait3A_60 : memref<8x1024xf32, #tpu.memory_space<hbm>>)
    %dma_wait3A_61 = arith.constant 0 : i32
    %dma_wait3A_62 = arith.constant 0 : i32
    %dma_wait3A_63 = arith.constant 0 : i32
    %dma_wait3A_64 = tpu.memref_slice %arg4[%dma_wait3A_61, %dma_wait3A_62, %add3A, %dma_wait3A_63] : memref<200x8x32x1024xf32, #tpu.memory_space<hbm>> -> memref<1x8x1x1024xf32, #tpu.memory_space<hbm>>
    %dma_wait3A_65 = tpu.memref_squeeze %dma_wait3A_64 : memref<1x8x1x1024xf32, #tpu.memory_space<hbm>> -> memref<8x1024xf32, #tpu.memory_space<hbm>>
    %dma_wait3A_66 = arith.constant 0 : i32
    %dma_wait3A_67 = arith.constant 0 : i32
    %dma_wait3A_68 = tpu.memref_slice %arg4[%dma_wait3A_61, %dma_wait3A_66, %add3A, %dma_wait3A_67] : memref<200x8x32x1024xf32, #tpu.memory_space<hbm>> -> memref<1x8x1x1024xf32, #tpu.memory_space<hbm>>
    %dma_wait3A_69 = tpu.memref_squeeze %dma_wait3A_68 : memref<1x8x1x1024xf32, #tpu.memory_space<hbm>> -> memref<8x1024xf32, #tpu.memory_space<hbm>>
    tpu.wait_dma2 semaphore(%arg21 : memref<!tpu.dma_semaphore, #tpu.memory_space<semaphore_mem>>) src(%arg13 : memref<8x1024xf32, #tpu.memory_space<vmem>>) dst(%dma_wait3A_69 : memref<8x1024xf32, #tpu.memory_space<hbm>>)
    return
  }
}

</mosaic_0001>

<sc_bundles>
// kernel: kernel.3.cloned.1.call-start
scs
__scs_entry_jumppad:
0x0: {  	(pc) =	sbr.rel $0x88, $3  }
0x1: {  	(tag) =	ssettag $0x0;
	lr =	simm.s32 $0x1  }
0x2: {  	[smem:$0x3F9F] =	sst lr;
	_ =	strace $0xD0000000  }
0x3: {  	_ = 	snop  }
0x4: {  	_ = 	snop  }
0x5: {  	_ = 	snop  }
0x6: {  	_ = 	snop  }
0x7: {  	_ = 	snop  }
__scs_overlays_trampoline_lowered:
0x8: {  	[smem:$0x3FAE] =	sst s0  }
0x9: {  	[smem:$0x3FAF] =	sst s1  }
0xa: {  	[smem:$0x3FB0] =	sst s2  }
0xb: {  	[smem:$0x3FB1] =	sst s3  }
0xc: {  	[smem:$0x3FB2] =	sst s4  }
0xd: {  	[smem:$0x3FB3] =	sst s5  }
0xe: {  	[smem:$0x3FB4] =	sst s6  }
0xf: {  	[smem:$0x3FB5] =	sst s7  }
0x10: {  	[smem:$0x3FB6] =	sst s8  }
0x11: {  	[smem:$0x3FB7] =	sst s9;
	s0 =	simm.s32 @!p0 $0x0  }
0x12: {  	s1 =	sld [smem:$0x3F9D];
	s0 =	simm.s32 @p0 $0x1  }
0x13: {  	[smem:$0x3FB8] =	sst s0;
	s0 =	simm.s32 @!p1 $0x0  }
0x14: {  	s2 =	sld [smem:$0x3F9C];
	s0 =	simm.s32 @p1 $0x1  }
0x15: {  	[smem:$0x3FB9] =	sst s0;
	s0 =	simm.s32 @!p2 $0x0  }
0x16: {  	s3 =	sld [smem:$0x3FDB];
	s0 =	simm.s32 @p2 $0x1  }
0x17: {  	s4 =	simm.s32 $0x1BF5;
	[smem:$0x3FBB] =	sst s0  }
0x18: {  	s0 =	sld [smem:$0x3F9E];
	_ =	swait.ge [sflag:s4], $0x0  }
0x19: {  	s7 =	sld [smem:$0x3F9F]  }
0x1a: {  	s8 =	sadd.s32 $0xFFFFE003, lr  }
0x1b: {  	s9 =	sadd.s32 $0xFFFFFEF7, lr;
	s5 =	simm.s32 $0xFFFFFFFF;
	p2 =	slt.u32 s8, $0xFFFFF086  }
0x1c: {  	p1 =	slt.u32 s9, $0xF7A;
	s5 =	simm.s32 @!p2 $0x0  }
0x1d: {  	s5 =	simm.s32 @p1 $0x1;
	p0 =	seq.s32 s7, s2  }
0x1e: {  	s7 =	smul.u32 @!p0 $0xF7A, s2;
	p2 =	seq.s32 @!p0 s5, $0x0  }
0x1f: {  	s9 =	smul.u32 $0xF7A, s1;
	s8 =	simm.s32 @!p0 $0x1BF5;
	p2 =	por !p2, p0  }
0x20: {  	[sflag:s8] =	ssyncset.s32 @!p0 $0xFFFFF086;
	s6 =	sadd.s32 @!p0 s3, s7;
	s7 =	simm.s32 @!p0 $0x108  }
0x21: {  	s3 =	sadd.s32 s3, s9;
	s6 =	sadd.s32 @!p0 $0x88, s6;
	s7 =	simm.s32 @p2 $0x1082  }
0x22: {  	[simem:s7], [sflag:s8] =	dma.local @!p0 [hbm:s6], $0xF7A  }
0x23: {  	s9 =	sor.u32 $0xD0000000, s2;
	s6 =	simm.s32 $0x108;
	_ =	swait.ge @!p0 [sflag:s8], $0x0  }
0x24: {  	s3 =	sadd.s32 $0x88, s3;
	s6 =	simm.s32 @!p1 $0x1082;
	[sflag:s4] =	ssyncset.s32 $0xFFFFF086  }
0x25: {  	[simem:s6], [sflag:s4] =	dma.local [hbm:s3], $0xF7A  }
0x26: {  	[smem:$0x3F9F] =	sst s1;
	(tag) =	ssettag s2;
	_ =	strace s9  }
0x27: {  	s1 =	sld [smem:$0x3FAF]  }
0x28: {  	s2 =	sld [smem:$0x3FB0]  }
0x29: {  	s4 =	sld [smem:$0x3FB2]  }
0x2a: {  	p0 =	seq.s32 s5, $0x0;
	s5 =	sld [smem:$0x3FB3]  }
0x2b: {  	s6 =	sld [smem:$0x3FB4]  }
0x2c: {  	s7 =	sld [smem:$0x3FB5]  }
0x2d: {  	s3 =	simm.s32 $0x108;
	s8 =	sld [smem:$0x3FB6]  }
0x2e: {  	s3 =	simm.s32 @!p0 $0x1082;
	s9 =	sld [smem:$0x3FB7]  }
0x2f: {  	lr =	sadd.s32 s0, s3;
	s0 =	sld [smem:$0x3FAE]  }
0x30: {  	s3 =	sld [smem:$0x3FB1]  }
0x31: {  	[smem:$0x3FBA] =	sst s10  }
0x32: {  	s10 =	sld [smem:$0x3FB8];
	_ =	sdelay $0x3  }
0x33: {  	p0 =	seq.s32 s10, $0x1;
	s10 =	sld [smem:$0x3FBA];
	_ =	sdelay $0x3  }
0x34: {  	[smem:$0x3FBA] =	sst s10  }
0x35: {  	s10 =	sld [smem:$0x3FB9];
	_ =	sdelay $0x3  }
0x36: {  	p1 =	seq.s32 s10, $0x1;
	s10 =	sld [smem:$0x3FBA];
	_ =	sdelay $0x3  }
0x37: {  	[smem:$0x3FBA] =	sst s10  }
0x38: {  	s10 =	sld [smem:$0x3FBB]  }
0x39: {  	_ = 	snop;
	(pc) =	sbr.ind lr, $3  }
0x3a: {  	_ = 	snop  }
0x3b: {  	_ = 	snop  }
0x3c: {  	p2 =	seq.s32 s10, $0x1;
	s10 =	sld [smem:$0x3FBA]  }
0x3d: {  	_ =	shalt  }
0x3e: {  	_ =	shalt  }
0x3f: {  	_ =	shalt  }
0x40: {  	_ =	shalt  }
0x41: {  	_ =	shalt  }
0x42: {  	_ =	shalt  }
0x43: {  	_ =	shalt  }
0x44: {  	_ =	shalt  }
0x45: {  	_ =	shalt  }
0x46: {  	_ =	shalt  }
0x47: {  	_ =	shalt  }
0x48: {  	_ =	shalt  }
0x49: {  	_ =	shalt  }
0x4a: {  	_ =	shalt  }
0x4b: {  	_ =	shalt  }
0x4c: {  	_ =	shalt  }
0x4d: {  	_ =	shalt  }
0x4e: {  	_ =	shalt  }
0x4f: {  	_ =	shalt  }
0x50: {  	_ =	shalt  }
0x51: {  	_ =	shalt  }
0x52: {  	_ =	shalt  }
0x53: {  	_ =	shalt  }
0x54: {  	_ =	shalt  }
0x55: {  	_ =	shalt  }
0x56: {  	_ =	shalt  }
0x57: {  	_ =	shalt  }
0x58: {  	_ =	shalt  }
0x59: {  	_ =	shalt  }
0x5a: {  	_ =	shalt  }
0x5b: {  	_ =	shalt  }
0x5c: {  	_ =	shalt  }
0x5d: {  	_ =	shalt  }
0x5e: {  	_ =	shalt  }
0x5f: {  	_ =	shalt  }
0x60: {  	_ =	shalt  }
0x61: {  	_ =	shalt  }
0x62: {  	_ =	shalt  }
0x63: {  	_ =	shalt  }
0x64: {  	_ =	shalt  }
0x65: {  	_ =	shalt  }
0x66: {  	_ =	shalt  }
0x67: {  	_ =	shalt  }
0x68: {  	_ =	shalt  }
0x69: {  	_ =	shalt  }
0x6a: {  	_ =	shalt  }
0x6b: {  	_ =	shalt  }
0x6c: {  	_ =	shalt  }
0x6d: {  	_ =	shalt  }
0x6e: {  	_ =	shalt  }
0x6f: {  	_ =	shalt  }
0x70: {  	_ =	shalt  }
0x71: {  	_ =	shalt  }
0x72: {  	_ =	shalt  }
0x73: {  	_ =	shalt  }
0x74: {  	_ =	shalt  }
0x75: {  	_ =	shalt  }
0x76: {  	_ =	shalt  }
0x77: {  	_ =	shalt  }
0x78: {  	_ =	shalt  }
0x79: {  	_ =	shalt  }
0x7a: {  	_ =	shalt  }
0x7b: {  	_ =	shalt  }
0x7c: {  	_ =	shalt  }
0x7d: {  	_ =	shalt  }
0x7e: {  	_ =	shalt  }
0x7f: {  	_ =	shalt  }
0x80: {  	_ =	shalt  }
0x81: {  	_ =	shalt  }
0x82: {  	_ =	shalt  }
0x83: {  	_ =	shalt  }
0x84: {  	_ =	shalt  }
0x85: {  	_ =	shalt  }
0x86: {  	_ =	shalt  }
0x87: {  	_ =	shalt  }
.Lfunc_end0:
.L_simem_size_0:
called_computation_lowered:
.L_overlay_start_0:
0x88: {  	s2 =	sld [smem:$0x3FD9]  }
0x89: {  	s3 =	sld [smem:$0x3FFE];
	_ =	sdelay $0x1  }
0x8a: {  	s1 =	srdreg.scid  }
0x8b: {  	s0 =	sand.u32 $0x1, s1  }
0x8c: {  	s17 =	sshll.u32 s0, $0xA;
	s2 =	sadd.s32 s3, s2  }
0x8d: {  	s2 =	sadd.s32 s2, s17  }
0x8e: {  	[smem:$0x3FC6] =	sst s2  }
0x8f: {  	_ = 	snop  }
0x90: {  	s2 =	sld [smem:$0x3FD0];
	(tm) =	ssettm $0x1  }
0x91: {  	s18 =	sld [smem:$0x3FFB];
	_ =	sdelay $0x3  }
0x92: {  	_ =	strace s18  }
0x93: {  	s3 =	sld [smem:$0x3FFC];
	_ =	sdelay $0x3  }
0x94: {  	_ =	strace s3  }
0x95: {  	s3 =	sld [smem:$0x3FFD];
	_ =	sdelay $0x3  }
0x96: {  	_ =	strace s3  }
0x97: {  	_ =	strace $0x8FFFFFFF  }
0x98: {  	s19 =	sld [smem:$0x3FDB];
	_ =	sdelay $0x1  }
0x99: {  	s4 =	simm.s32 $_scs_section_size  }
0x9a: {  	s5 =	simm.s32 $_size__tile_overlayer_lowered;
	s6 =	simm.s32 $_tile_overlayer_lowered  }
0x9b: {  	s22 =	simm.s32 $0x1BFF;
	s21 =	sshll.u32 s6, $0x1;
	s3 =	sadd.s32 s4, s19  }
0x9c: {  	s7 =	simm.s32 $0x0;
	s20 =	sshll.u32 s5, $0x1;
	s5 =	sadd.s32 s21, s3  }
0x9d: {  	[timem:s7], [sflag:s22] =	dma.local [hbm:s5], s20  }
0x9e: {  	_ =	swait.ge [sflag:s22], s20  }
0x9f: {  	s4 =	ssub.s32 $0x0, s20;
	[sflag:s22] =	ssyncset.done $0x0  }
0xa0: {  	[sflag:s22] =	ssyncadd.s32 s4;
	_ =	sdelay $0x1  }
0xa1: {  	s23 =	simm.s32 $0x1B8B  }
0xa2: {  	_ =	swait.ge [sflag:s23], $0x1  }
0xa3: {  	[sflag:s23] =	ssyncset.done $0x0  }
0xa4: {  	s25 =	simm.s32 $0x1B8E;
	s24 =	sld [smem:$0x3FFE];
	[sflag:s23] =	ssyncadd.s32 $0xFFFFFFFF  }
0xa5: {  	s26 =	simm.s32 $execute0_lowered;
	[smem:$0x3FD2] =	sst s25  }
0xa6: {  	s5 =	sshll.u32 s26, $0x1;
	_ =	strace $0x80000046;
	[dreg:$0x1] =	wrdreg $0xFFFFFFFF  }
0xa7: {  	s28 =	simm.s32 $_size_execute0_lowered;
	s3 =	sadd.s32 s3, s5;
	[dreg:$0x0] =	wrdreg $0x0  }
0xa8: {  	s5 =	sshll.u32 s28, $0x1;
	[dreg:$0x2] =	wrdreg s3  }
0xa9: {  	[dreg:$0x3] =	wrdreg s5  }
0xaa: {  	[dreg:$0x4] =	wrdreg $0xC0  }
0xab: {  	_ =	task [dreg:s7], $0x5FFFF  }
0xac: {  	[dreg:$0x1] =	wrdreg $0xFFFFFFFF  }
0xad: {  	[dreg:$0x0] =	wrdreg $0x60  }
0xae: {  	[dreg:$0x2] =	wrdreg s24  }
0xaf: {  	[dreg:$0x3] =	wrdreg s2  }
0xb0: {  	[dreg:$0x4] =	wrdreg $0x9  }
0xb1: {  	_ =	task.clear_ibuf [dreg:s7], $0x5FFFF;
	_ =	strace $0x90000046  }
0xb2: {  	s29 =	simm.s32 $0x9;
	_ =	strace $0x80000048  }
0xb3: {  	_ =	swait.ge [sflag:s29], $0x1  }
0xb4: {  	[sflag:s29] =	ssyncadd.s32 $0xFFFFFFFF  }
0xb5: {  	_ =	strace $0x90000048  }
0xb6: {  	_ =	sfence  }
0xb7: {  	s30 =	sld [smem:$0x0];
	_ =	sdelay $0x2  }
0xb8: {  	s31 =	sshll.u32 s1, $0xD;
	s1 =	sshrl.u32 s1, $0x2  }
0xb9: {  	s3 =	sand.u32 $0x4000, s31;
	s1 =	sadd.s32 s1, s30  }
0xba: {  	s0 =	sor.u32 s3, s0;
	s1 =	sshll.u32 s1, $0x11  }
0xbb: {  	s0 =	sor.u32 s1, s0  }
0xbc: {  	s0 =	sadd.s32 $0x8F2B, s0  }
0xbd: {  	[sflag:s0] =	ssyncadd.remote.s32 $0x1  }
0xbe: {  	_ =	sfence.sel $0xFFFF  }
0xbf: {  	[dreg:$0x0] =	wrdreg $0xFFFFFFFF;
	(pc) =	sbr.abs _section_cstart, $3  }
0xc0: {  	[dreg:$0x1] =	wrdreg $0xFFFFFFFF  }
0xc1: {  	_ =	task.clear_ibuf [dreg:s7], $0x2FFFF;
	_ =	strace $0x9FFFFFFF  }
0xc2: {  	(tm) =	ssettm $0x7FFFFFFF  }
0xc3: {  	_ =	shalt  }
tec
execute0_lowered:
.L_overlay_start_1:
0x0: {  	(tag) =	ssettag $0x1  }
0x1: {  	v0 =	vimm.s32 $0x38F;
	vm14 =	vcmask $0x300;
	vm13 =	vcmask $0x704  }
0x2: {  	vm12 =	vcmask $0xB08;
	vm11 =	vcmask $0xF0C;
	vm10 =	vcmask $0x1310  }
0x3: {  	vm9 =	vcmask $0x1714;
	vm8 =	vcmask $0x1B18;
	vm7 =	vcmask $0x1F1C  }
0x4: {  	vm6 =	vcmask $0x2320;
	vm5 =	vcmask $0x2724;
	v4 =	vlaneseq.u32  }
0x5: {  	vm4 =	vcmask $0x2B28;
	vm2 =	vcmask $0x2F2C;
	vm1 =	vcmask $0x3330  }
0x6: {  	vm0 =	vcmask $0x3734;
	v2 =	vimm.s32 $0xFEDCBA9;
	v0 =	vsel vm14, $0x0, v0  }
0x7: {  	v3 =	vimm.s32 $0x87654321;
	vm3 =	vcmask $0x3B38;
	v0 =	vsel vm13, $0x81, v0  }
0x8: {  	v5 =	vimm.s32 $0x8F;
	v6 =	vimm.s32 $0x98765432;
	v0 =	vsel vm12, $0x102, v0  }
0x9: {  	v8 =	vimm.s32 $0x210FEDCB;
	v9 =	vimm.s32 $0xA9876543;
	v0 =	vsel vm11, $0x183, v0  }
0xa: {  	v10 =	vimm.s32 $0x10765432;
	v11 =	vimm.s32 $0x21076543;
	v0 =	vsel vm10, $0x204, v0  }
0xb: {  	v12 =	vimm.s32 $0x3210FEDC;
	v13 =	vimm.s32 $0xBA987654;
	v0 =	vsel vm9, $0x285, v0  }
0xc: {  	v15 =	vimm.s32 $0x20F;
	v16 =	vimm.s32 $0xCBA98765;
	v0 =	vsel vm8, $0x306, v0  }
0xd: {  	v18 =	vimm.s32 $0xDCBA9876;
	v1 =	vmul.u32 $0x40, v4;
	v0 =	vsel vm7, $0x387, v0  }
0xe: {  	v19 =	vimm.s32 $0x43210765;
	v20 =	vimm.s32 $0x54321076;
	v0 =	vsel vm6, $0x8, v0  }
0xf: {  	v2 =	vunpack.c.l.s4.s8 v2;
	[tilespmem:$0x1FF40] =	vst v1;
	v1 =	vimm.s32 $0xF;
	v0 =	vsel vm5, $0x89, v0  }
0x10: {  	v3 =	vunpack.c.l.s4.s8 v3;
	v1 =	vsel vm14, $0x80, v1;
	v0 =	vsel vm4, $0x10A, v0  }
0x11: {  	v25 =	vunpack.c.0.s8.s32 v2;
	v1 =	vsel vm13, $0x101, v1;
	v0 =	vsel vm2, $0x18B, v0  }
0x12: {  	v26 =	vunpack.c.0.s8.s32 v3;
	v1 =	vsel vm12, $0x182, v1;
	v0 =	vsel vm1, $0x20C, v0  }
0x13: {  	v2 =	vand.u32 $0x7, v4;
	v1 =	vsel vm11, $0x203, v1;
	v0 =	vsel vm0, $0x28D, v0  }
0x14: {  	[tilespmem:$0x1FF50] =	vst v2;
	v2 =	vimm.s32 $0x7654321;
	v1 =	vsel vm10, $0x284, v1;
	v0 =	vsel vm3, $0x30E, v0  }
0x15: {  	v21 =	vimm.s32 $0x6543210F;
	v2 =	vunpack.c.l.s4.s8 v2;
	[tilespmem:$0x1FF60] =	vst v0;
	v0 =	vsel vm9, $0x305, v1  }
0x16: {  	v22 =	vimm.s32 $0xEDCBA987;
	v1 =	vcombine.low v26, v25;
	v0 =	vsel vm8, $0x386, v0  }
0x17: {  	v23 =	vimm.s32 $0x76543210;
	v2 =	vunpack.c.0.s8.s32 v2;
	v0 =	vsel vm7, $0x7, v0  }
0x18: {  	v4 =	vand.u32 $0xF, v1;
	v1 =	vsel vm14, $0x100, v5;
	v0 =	vsel vm6, $0x88, v0  }
0x19: {  	[tilespmem:$0x1FF70] =	vst v2;
	v2 =	vimm.s32 $0x10FEDCBA;
	v1 =	vsel vm13, $0x181, v1;
	v0 =	vsel vm5, $0x109, v0  }
0x1a: {  	v2 =	vunpack.c.l.s4.s8 v2;
	v1 =	vsel vm12, $0x202, v1;
	v0 =	vsel vm4, $0x18A, v0  }
0x1b: {  	v24 =	vimm.s32 $0x65432107;
	v1 =	vsel vm11, $0x283, v1;
	v0 =	vsel vm2, $0x20B, v0  }
0x1c: {  	v7 =	vsel vm1, $0x28C, v0;
	v0 =	vunpack.c.0.s8.s32 v2;
	v2 =	vimm.s32 $0x10F  }
0x1d: {  	v6 =	vunpack.c.l.s4.s8 v6;
	v1 =	vsel vm10, $0x304, v1;
	v2 =	vsel vm14, $0x180, v2  }
0x1e: {  	v8 =	vunpack.c.l.s4.s8 v8;
	v1 =	vsel vm9, $0x385, v1;
	v2 =	vsel vm13, $0x201, v2  }
0x1f: {  	v9 =	vunpack.c.l.s4.s8 v9;
	v1 =	vsel vm8, $0x6, v1;
	v2 =	vsel vm12, $0x282, v2  }
0x20: {  	v12 =	vunpack.c.l.s4.s8 v12;
	v1 =	vsel vm7, $0x87, v1;
	v2 =	vsel vm11, $0x303, v2  }
0x21: {  	v13 =	vunpack.c.l.s4.s8 v13;
	v1 =	vsel vm6, $0x108, v1;
	v2 =	vsel vm10, $0x384, v2  }
0x22: {  	v11 =	vunpack.c.l.s4.s8 v11;
	v1 =	vsel vm5, $0x189, v1;
	v2 =	vsel vm9, $0x5, v2  }
0x23: {  	v16 =	vunpack.c.l.s4.s8 v16;
	v1 =	vsel vm4, $0x20A, v1;
	v2 =	vsel vm8, $0x86, v2  }
0x24: {  	v18 =	vunpack.c.l.s4.s8 v18;
	v1 =	vsel vm2, $0x28B, v1;
	v2 =	vsel vm7, $0x107, v2  }
0x25: {  	v21 =	vunpack.c.l.s4.s8 v21;
	v1 =	vsel vm1, $0x30C, v1;
	v2 =	vsel vm6, $0x188, v2  }
0x26: {  	v22 =	vunpack.c.l.s4.s8 v22;
	v1 =	vsel vm0, $0x38D, v1;
	v2 =	vsel vm5, $0x209, v2  }
0x27: {  	v17 =	vsel vm3, $0xE, v1;
	v1 =	vsel vm4, $0x28A, v2;
	v2 =	vimm.s32 $0x18F  }
0x28: {  	v20 =	vunpack.c.l.s4.s8 v20;
	v23 =	vunpack.c.l.s4.s8 v23;
	v2 =	vsel vm14, $0x200, v2  }
0x29: {  	v27 =	vunpack.c.0.s8.s32 v6;
	v30 =	vunpack.c.0.s8.s32 v12;
	v2 =	vsel vm13, $0x281, v2  }
0x2a: {  	v31 =	vunpack.c.0.s8.s32 v13;
	v1 =	vsel vm2, $0x30B, v1;
	v2 =	vsel vm12, $0x302, v2  }
0x2b: {  	v6 =	vsel vm0, $0x30D, v7;
	v1 =	vsel vm1, $0x38C, v1;
	v2 =	vsel vm11, $0x383, v2  }
0x2c: {  	v3 =	vsel vm3, $0x38E, v6;
	v1 =	vsel vm0, $0xD, v1;
	v2 =	vsel vm10, $0x4, v2  }
0x2d: {  	v6 =	vsel vm3, $0x8E, v1;
	v1 =	vsel vm9, $0x85, v2;
	v2 =	vcombine.low v31, v30  }
0x2e: {  	v28 =	vunpack.c.0.s8.s32 v8;
	v8 =	vunpack.c.l.s4.s8 v10;
	v13 =	vimm.s32 $0x32107654  }
0x2f: {  	v14 =	vunpack.c.l.s4.s8 v13;
	v13 =	vand.u32 $0xF, v2;
	v2 =	vsel vm14, $0x280, v15  }
0x30: {  	v5 =	vunpack.c.0.s8.s32 v11;
	v1 =	vsel vm8, $0x106, v1;
	v2 =	vsel vm13, $0x301, v2  }
0x31: {  	v1 =	vsel vm7, $0x187, v1;
	v15 =	vimm.s32 $0x43210FED;
	v2 =	vsel vm12, $0x382, v2  }
0x32: {  	v1 =	vsel vm6, $0x208, v1;
	v15 =	vunpack.c.l.s4.s8 v15;
	v2 =	vsel vm11, $0x3, v2  }
0x33: {  	[tilespmem:$0x1FF80] =	vst v3;
	v3 =	vunpack.c.0.s8.s32 v8;
	v1 =	vsel vm5, $0x289, v1;
	v2 =	vsel vm10, $0x84, v2  }
0x34: {  	v1 =	vsel vm4, $0x30A, v1;
	v32 =	vunpack.c.0.s8.s32 v15;
	v2 =	vsel vm9, $0x105, v2  }
0x35: {  	v15 =	vimm.s32 $0x28F;
	v1 =	vsel vm2, $0x38B, v1;
	v2 =	vsel vm8, $0x186, v2  }
0x36: {  	v15 =	vsel vm14, $0x300, v15;
	v1 =	vsel vm1, $0xC, v1;
	v2 =	vsel vm7, $0x207, v2  }
0x37: {  	[tilespmem:$0x1FF90] =	vst v3;
	v3 =	vsel vm13, $0x381, v15;
	v1 =	vsel vm0, $0x8D, v1;
	v2 =	vsel vm6, $0x288, v2  }
0x38: {  	v11 =	vsel vm3, $0x10E, v1;
	v1 =	vsel vm5, $0x309, v2;
	v2 =	vsel vm12, $0x2, v3  }
0x39: {  	v24 =	vunpack.c.l.s4.s8 v24;
	v29 =	vunpack.c.0.s8.s32 v9;
	v2 =	vsel vm11, $0x83, v2  }
0x3a: {  	v9 =	vlaneseq.u32;
	v33 =	vunpack.c.0.s8.s32 v16;
	v2 =	vsel vm10, $0x104, v2  }
0x3b: {  	v35 =	vunpack.c.0.s8.s32 v18;
	v36 =	vunpack.c.0.s8.s32 v21;
	v2 =	vsel vm9, $0x185, v2  }
0x3c: {  	v37 =	vunpack.c.0.s8.s32 v22;
	v1 =	vsel vm4, $0x38A, v1;
	v2 =	vsel vm8, $0x206, v2  }
0x3d: {  	v22 =	vimm.s32 $0xFEDCBA98;
	v1 =	vsel vm2, $0xB, v1;
	v2 =	vsel vm7, $0x287, v2  }
0x3e: {  	v18 =	vunpack.c.0.s8.s32 v24;
	v1 =	vsel vm1, $0x8C, v1;
	v2 =	vsel vm6, $0x308, v2  }
0x3f: {  	v22 =	vunpack.c.l.s4.s8 v22;
	v1 =	vsel vm0, $0x10D, v1;
	v2 =	vsel vm5, $0x389, v2  }
0x40: {  	v12 =	vsel vm3, $0x18E, v1;
	v1 =	vsel vm4, $0xA, v2;
	v2 =	vimm.s32 $0x30F  }
0x41: {  	v10 =	vcombine.low v29, v28;
	v28 =	vcombine.low v28, v29;
	v2 =	vsel vm14, $0x380, v2  }
0x42: {  	v63 =	vcombine.low v36, v37;
	v38 =	vunpack.c.0.s8.s32 v22;
	v2 =	vsel vm13, $0x1, v2  }
0x43: {  	v10 =	vand.u32 $0xF, v10;
	v1 =	vsel vm2, $0x8B, v1;
	v2 =	vsel vm12, $0x82, v2  }
0x44: {  	v28 =	vand.u32 $0xF, v28;
	v1 =	vsel vm1, $0x10C, v1;
	v2 =	vsel vm11, $0x103, v2  }
0x45: {  	s0 =	rddreg [dreg:$0x0];
	v24 =	vand.u32 $0xF, v38;
	v1 =	vsel vm0, $0x18D, v1;
	v2 =	vsel vm10, $0x184, v2  }
0x46: {  	s1 =	rddreg [dreg:$0x1];
	s2 =	srdreg.scid;
	v7 =	vcombine.low v27, v0;
	v15 =	vsel vm3, $0x20E, v1;
	v1 =	vsel vm9, $0x205, v2  }
0x47: {  	s3 =	stileid.u32;
	s4 =	simm.s32 $0x0;
	s14 =	simm.s32 $0x6400;
	v0 =	vcombine.low v0, v27;
	v8 =	vunpack.c.0.s8.s32 v14;
	v1 =	vsel vm8, $0x286, v1  }
0x48: {  	s15 =	simm.s32 $0x8400;
	s17 =	simm.s32 $0xA400;
	s19 =	simm.s32 $0xC400;
	v14 =	vunpack.c.0.s8.s32 v20;
	v7 =	vand.u32 $0xF, v7;
	v1 =	vsel vm7, $0x307, v1  }
0x49: {  	s20 =	simm.s32 $0x1;
	s21 =	simm.s32 $0xE400;
	s22 =	simm.s32 $0x400;
	v3 =	vimm.s32 $0x543210FE;
	v2 =	vcombine.low v37, v36;
	v1 =	vsel vm6, $0x388, v1  }
0x4a: {  	s23 =	simm.s32 $0x8000;
	s24 =	simm.s32 $0x2;
	s25 =	simm.s32 $0x10400;
	v27 =	vand.u32 $0xF, v0;
	v3 =	vunpack.c.l.s4.s8 v3;
	v1 =	vsel vm5, $0x9, v1  }
0x4b: {  	s26 =	simm.s32 $0x3;
	s28 =	simm.s32 $0x12400;
	s29 =	simm.s32 $0x4;
	v22 =	vand.u32 $0xF, v2;
	v2 =	vunpack.c.0.s8.s32 v23;
	v1 =	vsel vm4, $0x8A, v1  }
0x4c: {  	s2 =	sand.u32 $0x1, s2;
	s3 =	sshll.u32 s3, $0x1;
	[smem:$0x7FF] =	sst s4;
	v16 =	vcombine.low v33, v32;
	v34 =	vunpack.c.0.s8.s32 v3;
	v1 =	vsel vm2, $0x10B, v1  }
0x4d: {  	s30 =	simm.s32 $0x14400;
	s3 =	sor.u32 s2, s3;
	_ =	strace $0x80000047;
	[tilespmem:$0x1FFB0] =	vst v18;
	v24 =	vcombine.low v24, v2;
	v2 =	vcombine.low v25, v26;
	v1 =	vsel vm1, $0x18C, v1  }
0x4e: {  	s16 =	simm.s32 $0x0;
	s2 =	ssub.s32 $0x2, s2;
	s5 =	sshll.u32 s3, $0x4;
	[tilespmem:$0x1FFC0] =	vst v5;
	v3 =	vunpack.c.l.s4.s8 v19;
	v19 =	vcombine.low v35, v34;
	v1 =	vsel vm0, $0x20D, v1  }
0x4f: {  	s4 =	sadd.s32 $0x19400, s0;
	s6 =	sshrl.u32 s2, $0x1;
	s0 =	sadd.s32 s5, s0;
	[tilespmem:$0x1FFD0] =	vst v8;
	v26 =	vand.u32 $0xF, v2;
	v2 =	vcombine.low v34, v35;
	v1 =	vsel vm3, $0x28E, v1  }
0x50: {  	s7 =	sadd.s32 $0x8000, s1;
	s2 =	ssub.s32 s2, s6;
	s0 =	sadd.s32 $0x400, s0;
	v3 =	vunpack.c.0.s8.s32 v3;
	[tilespmem:$0x1FFA0] =	vst v1;
	v1 =	vcombine.low v30, v31;
	v30 =	vcombine.low v32, v33  }
0x51: {  	s8 =	sadd.s32 $0x10000, s1;
	s31 =	smax.u32 s2, $0x1;
	[dreg:$0x3] =	wrdreg s0;
	[tilespmem:$0x1FFF0] =	vst v14;
	v16 =	vand.u32 $0xF, v16;
	v19 =	vand.u32 $0xF, v19;
	v31 =	vand.u32 $0xF, v2  }
0x52: {  	s9 =	sadd.s32 $0x18000, s1;
	s6 =	sshll.u32 s3, $0x7;
	[dreg:$0x4] =	wrdreg s31;
	[tilespmem:$0x1FFE0] =	vst v3;
	v32 =	vand.u32 $0xF, v63;
	v29 =	vand.u32 $0xF, v1;
	v30 =	vand.u32 $0xF, v30  }
.LBB2_1:
0x53: {  	s0 =	simm.s32 $0x0;
	s2 =	rddreg [dreg:$0x3]  }
0x54: {  	s3 =	simm.s32 $0x80;
	s5 =	simm.s32 $0x1000;
	s13 =	simm.s32 $0x9  }
0x55: {  	[tilespmem:s0], [sflag:$0x9] =	stream.strided.gather [hbm4b:s2+s3], $0x6400, s5, s3, $0x38;
	[tilespmem:$0x16400] =	vst v63  }
0x56: {  	_ =	swait.ge [sflag:s13], $0x6400  }
0x57: {  	[sflag:s13] =	ssyncset.done $0x0  }
0x58: {  	[sflag:s13] =	ssyncadd.s32 $0xFFFF9C00  }
0x59: {  	[tilespmem:s14], [sflag:$0x1] =	stream.indirect.gather [hbm4b:s4+s3], $0x40, s0, s3, $0xb8;
	[tilespmem:$0x16400] =	vst v63  }
0x5a: {  	_ = 	snop  }
0x5b: {  	[tilespmem:s15], [sflag:$0x2] =	stream.indirect.gather [hbm4b:s4+s3], $0x40, s3, s3, $0xb8;
	[tilespmem:$0x16400] =	vst v63  }
0x5c: {  	s18 =	simm.s32 $0x100  }
0x5d: {  	[tilespmem:s17], [sflag:$0x3] =	stream.indirect.gather [hbm4b:s4+s3], $0x40, s18, s3, $0xb8;
	[tilespmem:$0x16400] =	vst v63  }
0x5e: {  	s31 =	simm.s32 $0x180;
	s18 =	simm.s32 $0x0  }
0x5f: {  	[tilespmem:s19], [sflag:$0x4] =	stream.indirect.gather [hbm4b:s4+s3], $0x40, s31, s3, $0xb8;
	[tilespmem:$0x16400] =	vst v63  }
.LBB2_2:
0x60: {  	v2 =	vld [tilespmem:$0x1FF40]  }
0x61: {  	s0 =	simm.s32 $0x0  }
0x62: {  	_ =	swait.ge [sflag:s20], $0x2000;
	s2 =	sand.u32 $0x70, s0  }
0x63: {  	p0 =	seq.s32 s18, $0x0;
	[sflag:s20] =	ssyncset.done $0x0;
	v0 =	vmov s2  }
0x64: {  	s5 =	simm.s32 @!p0 $0x5;
	[sflag:s20] =	ssyncadd.s32 $0xFFFFE000;
	v0 =	vshll.u32 v0, $0x6  }
0x65: {  	v44 =	vor.u32 v2, v0;
	v0 =	vld [tilespmem:$0x1FF50];
	_ =	swait.ge @!p0 [sflag:s5], $0x2000  }
0x66: {  	v20 =	vld [tilespmem:$0x1FF60];
	_ =	sdelay $0x3  }
0x67: {  	s0 =	sand.u32 $0x20, s0  }
0x68: {  	s3 =	sor.u32 $0x10, s0;
	v21 =	vor.u32 s2, v20;
	v20 =	vld [tilespmem:$0x1FF70]  }
0x69: {  	v1 =	vor.u32 s3, v9  }
0x6a: {  	v2 =	vor.u32 s0, v9;
	v25 =	vor.u32 v0, v44;
	v0 =	vand.u32 $0x38, v1  }
0x6b: {  	v33 =	vand.u32 $0x28, v2;
	v0 =	vor.u32 v0, v25  }
0x6c: {  	v33 =	vor.u32 v33, v25  }
0x6d: {  	v23 =	vor.u32 v20, v44;
	v20 =	vld [tilespmem:$0x1FF80]  }
0x6e: {  	v34 =	vor.u32 s0, v4;
	[sflag:s5] =	ssyncset.done @!p0 $0x0  }
0x6f: {  	v35 =	vand.u32 $0x28, v34;
	[sflag:s5] =	ssyncadd.s32 @!p0 $0xFFFFE000;
	v1 =	vshll.u32 v1, $0x7  }
0x70: {  	v36 =	vor.u32 s3, v4;
	v2 =	vshll.u32 v2, $0x7;
	v1 =	vand.u32 $0x1C00, v1;
	v0 =	vld.idx.msk [tilespmem:v0+s14+$0x0], $0xffff  }
0x71: {  	v37 =	vand.u32 $0x38, v36;
	v2 =	vand.u32 $0x1400, v2;
	v1 =	vor.u32 v1, v21;
	v39 =	vld.idx.msk [tilespmem:v33+s14+$0x0], $0xffff  }
0x72: {  	v2 =	vor.u32 v2, v21;
	v37 =	vor.u32 v37, v23;
	v33 =	vor.u32 s2, v20;
	v20 =	vld [tilespmem:$0x1FF90]  }
0x73: {  	v38 =	vor.u32 v35, v23  }
0x74: {  	v55 =	vor.u32 s0, v7;
	v40 =	vor.u32 s0, v10;
	v61 =	vor.u32 s0, v13  }
0x75: {  	v54 =	vshll.u32 v34, $0x7;
	v42 =	vor.u32 s3, v7;
	v56 =	vshll.u32 v36, $0x7  }
0x76: {  	v41 =	vand.u32 $0x1400, v54;
	v45 =	vand.u32 $0x38, v42;
	v43 =	vand.u32 $0x1C00, v56;
	[tilespmem:v1+s21+$0x0] =	vst.idx.msk $0xffff, v0  }
0x77: {  	[tilespmem:v2+s21+$0x0] =	vst.idx.msk $0xffff, v39;
	v43 =	vor.u32 v43, v33;
	v37 =	vld.idx.msk [tilespmem:v37+s14+$0x0], $0xffff;
	v35 =	vor.u32 v20, v44  }
0x78: {  	v57 =	vand.u32 $0x28, v55;
	v0 =	vor.u32 v41, v33;
	v39 =	vld.idx.msk [tilespmem:v38+s14+$0x0], $0xffff;
	v58 =	vor.u32 v45, v35  }
0x79: {  	v46 =	vor.u32 s0, v22;
	v59 =	vand.u32 $0x28, v40;
	v2 =	vor.u32 v57, v35  }
0x7a: {  	v34 =	vor.u32 s2, v17;
	v40 =	vshll.u32 v40, $0x7;
	v60 =	vshll.u32 v42, $0x7  }
0x7b: {  	v62 =	vor.u32 s3, v10;
	v63 =	vand.u32 $0x28, v61;
	v49 =	vand.u32 $0x1C00, v60  }
0x7c: {  	v50 =	vand.u32 $0x38, v62;
	v49 =	vor.u32 v49, v34;
	v1 =	vshll.u32 v55, $0x7;
	[tilespmem:v43+s21+$0x0] =	vst.idx.msk $0xffff, v37  }
0x7d: {  	v40 =	vand.u32 $0x1400, v40;
	v1 =	vand.u32 $0x1400, v1;
	v38 =	vor.u32 v5, v44;
	[tilespmem:v0+s21+$0x0] =	vst.idx.msk $0xffff, v39;
	v41 =	vld.idx.msk [tilespmem:v58+s14+$0x0], $0xffff  }
0x7e: {  	v42 =	vshll.u32 v61, $0x7;
	v1 =	vor.u32 v1, v34;
	v50 =	vor.u32 v50, v38;
	v2 =	vld.idx.msk [tilespmem:v2+s14+$0x0], $0xffff  }
0x7f: {  	v36 =	vor.u32 s2, v6;
	v56 =	vshll.u32 v62, $0x7;
	v43 =	vor.u32 v59, v38  }
0x80: {  	v53 =	vor.u32 v40, v36;
	v60 =	vor.u32 s0, v19;
	v51 =	vand.u32 $0x1C00, v56  }
0x81: {  	v40 =	vor.u32 v3, v44;
	v51 =	vor.u32 v51, v36;
	v0 =	vand.u32 $0x1400, v42  }
0x82: {  	v57 =	vor.u32 s0, v16;
	v39 =	vor.u32 v8, v44;
	v58 =	vor.u32 s3, v13;
	[tilespmem:v49+s21+$0x0] =	vst.idx.msk $0xffff, v41  }
0x83: {  	v37 =	vor.u32 s2, v11;
	v42 =	vshll.u32 v60, $0x7;
	v52 =	vand.u32 $0x38, v58;
	[tilespmem:v1+s21+$0x0] =	vst.idx.msk $0xffff, v2;
	v41 =	vld.idx.msk [tilespmem:v50+s14+$0x0], $0xffff  }
0x84: {  	v54 =	vand.u32 $0x28, v57;
	v55 =	vor.u32 v63, v39;
	v52 =	vor.u32 v52, v39;
	v43 =	vld.idx.msk [tilespmem:v43+s14+$0x0], $0xffff  }
0x85: {  	v59 =	vshll.u32 v57, $0x7;
	v0 =	vor.u32 v0, v37;
	v56 =	vand.u32 $0x1400, v42  }
0x86: {  	v57 =	vand.u32 $0x28, v46;
	v42 =	vshll.u32 v46, $0x7;
	v61 =	vand.u32 $0x1400, v59  }
0x87: {  	v54 =	vor.u32 v54, v40;
	v46 =	vand.u32 $0x1400, v42;
	v62 =	vshll.u32 v58, $0x7  }
0x88: {  	v42 =	vor.u32 v14, v44;
	v45 =	vand.u32 $0x1C00, v62;
	v2 =	vor.u32 s3, v16;
	[tilespmem:v51+s21+$0x0] =	vst.idx.msk $0xffff, v41  }
0x89: {  	v58 =	vor.u32 s0, v24;
	v45 =	vor.u32 v45, v37;
	v63 =	vand.u32 $0x38, v2;
	[tilespmem:v53+s21+$0x0] =	vst.idx.msk $0xffff, v43;
	v52 =	vld.idx.msk [tilespmem:v52+s14+$0x0], $0xffff  }
0x8a: {  	v59 =	vand.u32 $0x28, v58;
	v58 =	vshll.u32 v58, $0x7;
	v50 =	vor.u32 v63, v40;
	v53 =	vld.idx.msk [tilespmem:v55+s14+$0x0], $0xffff  }
0x8b: {  	v3 =	vor.u32 v59, v25;
	v58 =	vand.u32 $0x1400, v58;
	v59 =	vor.u32 s0, v27  }
0x8c: {  	v44 =	vor.u32 v18, v44;
	v62 =	vor.u32 v58, v21;
	v58 =	vand.u32 $0x28, v59  }
0x8d: {  	v1 =	vand.u32 $0x28, v60;
	v60 =	vor.u32 s0, v26;
	v2 =	vshll.u32 v2, $0x7  }
0x8e: {  	v2 =	vand.u32 $0x1C00, v2;
	v41 =	vor.u32 s2, v12;
	v43 =	vor.u32 s3, v19;
	[tilespmem:v45+s21+$0x0] =	vst.idx.msk $0xffff, v52  }
0x8f: {  	v63 =	vshll.u32 v60, $0x7;
	v2 =	vor.u32 v2, v41;
	v47 =	vand.u32 $0x38, v43;
	[tilespmem:v0+s21+$0x0] =	vst.idx.msk $0xffff, v53;
	v50 =	vld.idx.msk [tilespmem:v50+s14+$0x0], $0xffff  }
0x90: {  	v51 =	vor.u32 v57, v44;
	v49 =	vor.u32 v61, v41;
	v55 =	vor.u32 v47, v42;
	v53 =	vld.idx.msk [tilespmem:v54+s14+$0x0], $0xffff  }
0x91: {  	v61 =	vand.u32 $0x28, v60;
	v48 =	vshll.u32 v43, $0x7;
	v43 =	vor.u32 s2, v15  }
0x92: {  	v47 =	vor.u32 v1, v42;
	v0 =	vor.u32 v61, v23;
	v45 =	vand.u32 $0x1400, v63  }
0x93: {  	v52 =	vand.u32 $0x1C00, v48;
	v48 =	vor.u32 v56, v43;
	v56 =	vshll.u32 v59, $0x7  }
0x94: {  	v61 =	vor.u32 v58, v35;
	v54 =	vor.u32 s3, v22;
	v52 =	vor.u32 v52, v43;
	[tilespmem:v2+s21+$0x0] =	vst.idx.msk $0xffff, v50  }
0x95: {  	v63 =	vor.u32 v45, v33;
	v45 =	vor.u32 s0, v28;
	v60 =	vand.u32 $0x38, v54;
	[tilespmem:v49+s21+$0x0] =	vst.idx.msk $0xffff, v53;
	v55 =	vld.idx.msk [tilespmem:v55+s14+$0x0], $0xffff  }
0x96: {  	v57 =	vshll.u32 v54, $0x7;
	v54 =	vor.u32 s3, v24;
	v60 =	vor.u32 v60, v44;
	v1 =	vld [tilespmem:$0x1FFA0]  }
0x97: {  	v2 =	vand.u32 $0x1400, v56;
	v50 =	vor.u32 s0, v29;
	v49 =	vand.u32 $0x1C00, v57;
	v47 =	vld.idx.msk [tilespmem:v47+s14+$0x0], $0xffff  }
0x98: {  	v58 =	vor.u32 v2, v34;
	v2 =	vand.u32 $0x28, v45;
	v45 =	vshll.u32 v45, $0x7  }
0x99: {  	v53 =	vand.u32 $0x38, v54;
	v59 =	vor.u32 v2, v38;
	v2 =	vand.u32 $0x1400, v45  }
0x9a: {  	v54 =	vshll.u32 v54, $0x7;
	v56 =	vor.u32 v2, v36;
	v2 =	vand.u32 $0x28, v50  }
0x9b: {  	v57 =	vor.u32 v2, v39;
	v2 =	vshll.u32 v50, $0x7;
	v45 =	vor.u32 s2, v1;
	[tilespmem:v52+s21+$0x0] =	vst.idx.msk $0xffff, v55  }
0x9c: {  	v2 =	vand.u32 $0x1400, v2;
	v55 =	vor.u32 s0, v30;
	[tilespmem:v48+s21+$0x0] =	vst.idx.msk $0xffff, v47;
	v5 =	vor.u32 v46, v45  }
0x9d: {  	v1 =	vor.u32 v49, v45;
	v46 =	vor.u32 v53, v25;
	v50 =	vld.idx.msk [tilespmem:v60+s14+$0x0], $0xffff;
	v60 =	vshll.u32 v55, $0x7  }
0x9e: {  	v47 =	vand.u32 $0x28, v55;
	v55 =	vld.idx.msk [tilespmem:v51+s14+$0x0], $0xffff;
	v53 =	vor.u32 v2, v37;
	v2 =	vand.u32 $0x1400, v60  }
0x9f: {  	v52 =	vor.u32 s3, v26;
	v48 =	vor.u32 v2, v41;
	v2 =	vor.u32 s0, v31  }
0xa0: {  	v51 =	vor.u32 v47, v40;
	v47 =	vand.u32 $0x1C00, v54;
	v60 =	vand.u32 $0x28, v2  }
0xa1: {  	v20 =	vmovc v6;
	v54 =	vand.u32 $0x38, v52;
	v49 =	vor.u32 v60, v42;
	v60 =	vor.u32 v47, v21  }
0xa2: {  	v25 =	vmovc v15;
	[tilespmem:v1+s21+$0x0] =	vst.idx.msk $0xffff, v50;
	v50 =	vshll.u32 v2, $0x7;
	v1 =	vor.u32 v54, v23;
	v54 =	vor.u32 s0, v32  }
0xa3: {  	s10 =	simm.s32 $0x0;
	v21 =	vmovc v11;
	[tilespmem:v5+s21+$0x0] =	vst.idx.msk $0xffff, v55;
	v2 =	vld.idx.msk [tilespmem:v46+s14+$0x0], $0xffff;
	v46 =	vand.u32 $0x1400, v50;
	v50 =	vand.u32 $0x28, v54;
	v55 =	vshll.u32 v54, $0x7  }
0xa4: {  	s13 =	simm.s32 $0x20;
	s31 =	simm.s32 $0x8;
	s5 =	sshll.u32 s18, $0x11;
	v23 =	vmovc v12;
	v54 =	vld.idx.msk [tilespmem:v3+s14+$0x0], $0xffff;
	v47 =	vor.u32 v46, v43;
	v46 =	vor.u32 v50, v44;
	v50 =	vand.u32 $0x1400, v55  }
.LBB2_3:
0xa5: {  	v6 =	vld [tilespmem:$0x1FF40];
	_ =	sdelay $0x1  }
0xa6: {  	s2 =	sand.u32 $0x70, s31  }
0xa7: {  	v55 =	vor.u32 v50, v45;
	v50 =	vmov s2  }
0xa8: {  	v50 =	vshll.u32 v50, $0x6  }
0xa9: {  	[tilespmem:v60+s21+$0x0] =	vst.idx.msk $0xffff, v2;
	v2 =	vshll.u32 v52, $0x7;
	v60 =	vor.u32 v6, v50;
	v6 =	vld [tilespmem:$0x1FF50]  }
0xaa: {  	v2 =	vand.u32 $0x1C00, v2  }
0xab: {  	s0 =	sand.u32 $0x20, s13;
	v3 =	vor.u32 s3, v27;
	v1 =	vld.idx.msk [tilespmem:v1+s14+$0x0], $0xffff;
	v2 =	vor.u32 v2, v33  }
0xac: {  	s12 =	sor.u32 $0x10, s0;
	v33 =	vand.u32 $0x38, v3  }
0xad: {  	v5 =	vor.u32 s12, v9;
	v33 =	vor.u32 v33, v35  }
0xae: {  	v50 =	vand.u32 $0x38, v5;
	v35 =	vor.u32 s0, v9;
	v9 =	vld [tilespmem:$0x1FF60];
	v52 =	vor.u32 v6, v60  }
0xaf: {  	[tilespmem:v62+s21+$0x0] =	vst.idx.msk $0xffff, v54;
	v54 =	vor.u32 v50, v52  }
0xb0: {  	v14 =	vld [tilespmem:$0x1FF70];
	[tilespmem:v2+s21+$0x0] =	vst.idx.msk $0xffff, v1;
	v1 =	vshll.u32 v3, $0x7  }
0xb1: {  	v2 =	vor.u32 s3, v28;
	v1 =	vand.u32 $0x1C00, v1  }
0xb2: {  	v3 =	vshll.u32 v5, $0x7;
	v5 =	vld.idx.msk [tilespmem:v33+s14+$0x0], $0xffff;
	v50 =	vand.u32 $0x28, v35;
	v1 =	vor.u32 v1, v34  }
0xb3: {  	v0 =	vld.idx.msk [tilespmem:v0+s14+$0x0], $0xffff;
	v3 =	vand.u32 $0x1C00, v3;
	v8 =	vor.u32 v50, v52;
	v50 =	vor.u32 s2, v9  }
0xb4: {  	v33 =	vand.u32 $0x38, v2;
	v9 =	vor.u32 s12, v4;
	v3 =	vor.u32 v3, v50;
	v11 =	vld.idx.msk [tilespmem:v54+s14+$0x0], $0xffff  }
0xb5: {  	v15 =	vld [tilespmem:$0x1FF80];
	v34 =	vor.u32 v33, v38;
	v12 =	vand.u32 $0x38, v9;
	v54 =	vor.u32 v14, v60  }
0xb6: {  	v35 =	vshll.u32 v35, $0x7;
	v12 =	vor.u32 v12, v54  }
0xb7: {  	v18 =	vld [tilespmem:$0x1FF90];
	v62 =	vor.u32 s0, v4;
	v35 =	vand.u32 $0x1400, v35;
	[tilespmem:v1+s21+$0x0] =	vst.idx.msk $0xffff, v5  }
0xb8: {  	v33 =	vshll.u32 v62, $0x7;
	v38 =	vor.u32 v35, v50;
	v1 =	vshll.u32 v2, $0x7;
	v8 =	vld.idx.msk [tilespmem:v8+s14+$0x0], $0xffff;
	[tilespmem:v63+s21+$0x0] =	vst.idx.msk $0xffff, v0  }
0xb9: {  	v0 =	vand.u32 $0x1400, v33;
	v1 =	vand.u32 $0x1C00, v1;
	[tilespmem:v3+s21+$0x0] =	vst.idx.msk $0xffff, v11;
	v3 =	vshll.u32 v9, $0x7  }
0xba: {  	v33 =	vor.u32 s2, v15;
	v1 =	vor.u32 v1, v36;
	v5 =	vld.idx.msk [tilespmem:v34+s14+$0x0], $0xffff;
	v3 =	vand.u32 $0x1C00, v3  }
0xbb: {  	v6 =	vand.u32 $0x28, v62;
	v11 =	vld.idx.msk [tilespmem:v12+s14+$0x0], $0xffff;
	v3 =	vor.u32 v3, v33  }
0xbc: {  	v2 =	vor.u32 s3, v29;
	v6 =	vor.u32 v6, v54  }
0xbd: {  	v35 =	vor.u32 v18, v60;
	v15 =	vor.u32 s12, v7;
	v9 =	vand.u32 $0x38, v2  }
0xbe: {  	v61 =	vld.idx.msk [tilespmem:v61+s14+$0x0], $0xffff;
	v12 =	vand.u32 $0x38, v15;
	v9 =	vor.u32 v9, v39;
	[tilespmem:v38+s21+$0x0] =	vst.idx.msk $0xffff, v8  }
0xbf: {  	v62 =	vor.u32 s0, v7;
	v14 =	vor.u32 s0, v10;
	v12 =	vor.u32 v12, v35;
	[tilespmem:v1+s21+$0x0] =	vst.idx.msk $0xffff, v5  }
0xc0: {  	v63 =	vand.u32 $0x28, v62;
	v0 =	vor.u32 v0, v33;
	[tilespmem:v3+s21+$0x0] =	vst.idx.msk $0xffff, v11;
	v3 =	vshll.u32 v15, $0x7;
	v15 =	vld [tilespmem:$0x1FFC0]  }
0xc1: {  	v36 =	vor.u32 v63, v35;
	v8 =	vshll.u32 v62, $0x7;
	v6 =	vld.idx.msk [tilespmem:v6+s14+$0x0], $0xffff;
	v1 =	vshll.u32 v2, $0x7  }
0xc2: {  	v34 =	vor.u32 s2, v17;
	v8 =	vand.u32 $0x1400, v8;
	v1 =	vand.u32 $0x1C00, v1  }
0xc3: {  	v2 =	vor.u32 s3, v30;
	v5 =	vld.idx.msk [tilespmem:v9+s14+$0x0], $0xffff;
	v3 =	vand.u32 $0x1C00, v3;
	v1 =	vor.u32 v1, v37  }
0xc4: {  	[tilespmem:v58+s21+$0x0] =	vst.idx.msk $0xffff, v61;
	v61 =	vor.u32 s12, v10;
	v9 =	vand.u32 $0x38, v2;
	v11 =	vld.idx.msk [tilespmem:v12+s14+$0x0], $0xffff;
	v3 =	vor.u32 v3, v34  }
0xc5: {  	v12 =	vand.u32 $0x38, v61;
	v9 =	vor.u32 v9, v40;
	v38 =	vor.u32 v15, v60  }
0xc6: {  	v59 =	vld.idx.msk [tilespmem:v59+s14+$0x0], $0xffff;
	[tilespmem:v0+s21+$0x0] =	vst.idx.msk $0xffff, v6;
	v0 =	vor.u32 v8, v34;
	v8 =	vor.u32 v12, v38  }
0xc7: {  	v18 =	vld [tilespmem:$0x1FFD0];
	v39 =	vand.u32 $0x28, v14;
	v14 =	vshll.u32 v14, $0x7  }
0xc8: {  	v6 =	vand.u32 $0x1400, v14;
	v14 =	vor.u32 v39, v38;
	[tilespmem:v1+s21+$0x0] =	vst.idx.msk $0xffff, v5;
	v1 =	vshll.u32 v2, $0x7  }
0xc9: {  	v12 =	vld.idx.msk [tilespmem:v36+s14+$0x0], $0xffff;
	v36 =	vor.u32 s2, v20;
	[tilespmem:v3+s21+$0x0] =	vst.idx.msk $0xffff, v11;
	v3 =	vshll.u32 v61, $0x7;
	v1 =	vand.u32 $0x1C00, v1  }
0xca: {  	v2 =	vor.u32 s3, v31;
	v5 =	vld.idx.msk [tilespmem:v9+s14+$0x0], $0xffff;
	v3 =	vand.u32 $0x1C00, v3;
	v1 =	vor.u32 v1, v41  }
0xcb: {  	v63 =	vor.u32 s12, v13;
	v9 =	vand.u32 $0x38, v2;
	v3 =	vor.u32 v3, v36;
	v8 =	vld.idx.msk [tilespmem:v8+s14+$0x0], $0xffff  }
0xcc: {  	[tilespmem:v56+s21+$0x0] =	vst.idx.msk $0xffff, v59;
	v39 =	vor.u32 v18, v60;
	v11 =	vand.u32 $0x38, v63;
	v9 =	vor.u32 v9, v42  }
0xcd: {  	v58 =	vor.u32 s0, v13;
	v62 =	vld.idx.msk [tilespmem:v57+s14+$0x0], $0xffff;
	v11 =	vor.u32 v11, v39  }
0xce: {  	v37 =	vor.u32 s0, v16;
	v15 =	vand.u32 $0x28, v58;
	[tilespmem:v0+s21+$0x0] =	vst.idx.msk $0xffff, v12;
	v0 =	vor.u32 v6, v36  }
0xcf: {  	v6 =	vand.u32 $0x28, v37;
	v12 =	vld.idx.msk [tilespmem:v14+s14+$0x0], $0xffff;
	v14 =	vor.u32 v15, v39;
	[tilespmem:v1+s21+$0x0] =	vst.idx.msk $0xffff, v5;
	v1 =	vshll.u32 v2, $0x7  }
0xd0: {  	v18 =	vld [tilespmem:$0x1FFE0];
	v15 =	vshll.u32 v37, $0x7;
	v1 =	vand.u32 $0x1C00, v1;
	[tilespmem:v3+s21+$0x0] =	vst.idx.msk $0xffff, v8;
	v3 =	vshll.u32 v63, $0x7  }
0xd1: {  	v37 =	vor.u32 s2, v21;
	v1 =	vor.u32 v1, v43;
	v5 =	vld.idx.msk [tilespmem:v9+s14+$0x0], $0xffff;
	v3 =	vand.u32 $0x1C00, v3  }
0xd2: {  	[tilespmem:v53+s21+$0x0] =	vst.idx.msk $0xffff, v62;
	v9 =	vld.idx.msk [tilespmem:v11+s14+$0x0], $0xffff;
	v3 =	vor.u32 v3, v37  }
0xd3: {  	v59 =	vld.idx.msk [tilespmem:v51+s14+$0x0], $0xffff;
	v2 =	vor.u32 s3, v32  }
0xd4: {  	v51 =	vor.u32 s12, v16;
	v8 =	vand.u32 $0x38, v2  }
0xd5: {  	v40 =	vor.u32 v18, v60;
	v11 =	vand.u32 $0x38, v51;
	v8 =	vor.u32 v8, v44;
	[tilespmem:v0+s21+$0x0] =	vst.idx.msk $0xffff, v12  }
0xd6: {  	v58 =	vshll.u32 v58, $0x7;
	v11 =	vor.u32 v11, v40;
	[tilespmem:v1+s21+$0x0] =	vst.idx.msk $0xffff, v5  }
0xd7: {  	v56 =	vand.u32 $0x1400, v58;
	v61 =	vor.u32 s0, v22;
	[tilespmem:v3+s21+$0x0] =	vst.idx.msk $0xffff, v9;
	v9 =	vld [tilespmem:$0x1FFF0]  }
0xd8: {  	v41 =	vshll.u32 v61, $0x7;
	v0 =	vor.u32 v56, v37;
	v14 =	vld.idx.msk [tilespmem:v14+s14+$0x0], $0xffff;
	[tilespmem:v48+s21+$0x0] =	vst.idx.msk $0xffff, v59;
	v1 =	vshll.u32 v2, $0x7  }
0xd9: {  	v44 =	vld.idx.msk [tilespmem:v49+s14+$0x0], $0xffff;
	v49 =	vand.u32 $0x1400, v41;
	v2 =	vshll.u32 v51, $0x7;
	v1 =	vand.u32 $0x1C00, v1  }
0xda: {  	s3 =	smov.u32 s12;
	v41 =	vor.u32 s2, v23;
	v2 =	vand.u32 $0x1C00, v2;
	v3 =	vld.idx.msk [tilespmem:v8+s14+$0x0], $0xffff;
	v1 =	vor.u32 v1, v45  }
0xdb: {  	v6 =	vor.u32 v6, v40;
	v5 =	vld.idx.msk [tilespmem:v11+s14+$0x0], $0xffff;
	v8 =	vor.u32 s3, v19;
	v2 =	vor.u32 v2, v41  }
0xdc: {  	v58 =	vor.u32 s0, v19;
	v42 =	vor.u32 v9, v60;
	v9 =	vand.u32 $0x38, v8  }
0xdd: {  	v53 =	vand.u32 $0x28, v58;
	v62 =	vor.u32 s0, v24;
	v9 =	vor.u32 v9, v42  }
0xde: {  	v15 =	vand.u32 $0x1400, v15;
	v43 =	vor.u32 s2, v25;
	v12 =	vshll.u32 v58, $0x7;
	[tilespmem:v0+s21+$0x0] =	vst.idx.msk $0xffff, v14  }
0xdf: {  	v63 =	vand.u32 $0x28, v62;
	v56 =	vor.u32 s0, v27;
	v12 =	vand.u32 $0x1400, v12;
	[tilespmem:v1+s21+$0x0] =	vst.idx.msk $0xffff, v3  }
0xe0: {  	v48 =	vand.u32 $0x28, v61;
	v11 =	vor.u32 v15, v41;
	v6 =	vld.idx.msk [tilespmem:v6+s14+$0x0], $0xffff;
	[tilespmem:v2+s21+$0x0] =	vst.idx.msk $0xffff, v5;
	v2 =	vshll.u32 v8, $0x7  }
0xe1: {  	v0 =	vshll.u32 v62, $0x7;
	v14 =	vor.u32 v53, v42;
	v8 =	vld [tilespmem:$0x1FFB0];
	v2 =	vand.u32 $0x1C00, v2  }
0xe2: {  	v59 =	vand.u32 $0x28, v56;
	v0 =	vand.u32 $0x1400, v0;
	v2 =	vor.u32 v2, v43;
	v3 =	vld.idx.msk [tilespmem:v9+s14+$0x0], $0xffff  }
0xe3: {  	v61 =	vor.u32 v59, v35;
	[tilespmem:v47+s21+$0x0] =	vst.idx.msk $0xffff, v44;
	v62 =	vor.u32 v0, v50;
	v0 =	vor.u32 s0, v26  }
0xe4: {  	v15 =	vor.u32 v63, v52;
	v46 =	vld.idx.msk [tilespmem:v46+s14+$0x0], $0xffff;
	v57 =	vand.u32 $0x28, v0;
	v58 =	vshll.u32 v0, $0x7  }
0xe5: {  	v0 =	vor.u32 v57, v54;
	v1 =	vand.u32 $0x1400, v58;
	[tilespmem:v11+s21+$0x0] =	vst.idx.msk $0xffff, v6;
	v6 =	vor.u32 v12, v43  }
0xe6: {  	v5 =	vor.u32 s3, v22;
	v63 =	vor.u32 v1, v33;
	v9 =	vshll.u32 v56, $0x7;
	v11 =	vld.idx.msk [tilespmem:v14+s14+$0x0], $0xffff  }
0xe7: {  	v44 =	vor.u32 v8, v60;
	v8 =	vand.u32 $0x38, v5;
	v1 =	vand.u32 $0x1400, v9;
	[tilespmem:v2+s21+$0x0] =	vst.idx.msk $0xffff, v3;
	v3 =	vld [tilespmem:$0x1FFA0]  }
0xe8: {  	v9 =	vor.u32 s0, v28;
	v8 =	vor.u32 v8, v44;
	v12 =	vor.u32 v48, v44  }
0xe9: {  	v58 =	vor.u32 v1, v34;
	v1 =	vand.u32 $0x28, v9;
	v9 =	vshll.u32 v9, $0x7  }
0xea: {  	v14 =	vor.u32 s0, v29;
	v59 =	vor.u32 v1, v38;
	v1 =	vand.u32 $0x1400, v9  }
0xeb: {  	[tilespmem:v55+s21+$0x0] =	vst.idx.msk $0xffff, v46;
	v56 =	vor.u32 v1, v36;
	v1 =	vand.u32 $0x28, v14;
	v2 =	vshll.u32 v5, $0x7  }
0xec: {  	v5 =	vor.u32 s3, v24;
	[tilespmem:v6+s21+$0x0] =	vst.idx.msk $0xffff, v11;
	v2 =	vand.u32 $0x1C00, v2;
	v45 =	vor.u32 s2, v3  }
0xed: {  	v57 =	vor.u32 v1, v39;
	v9 =	vand.u32 $0x38, v5;
	v3 =	vld.idx.msk [tilespmem:v8+s14+$0x0], $0xffff;
	v2 =	vor.u32 v2, v45  }
0xee: {  	v1 =	vshll.u32 v14, $0x7;
	v6 =	vor.u32 v9, v52;
	v9 =	vld.idx.msk [tilespmem:v12+s14+$0x0], $0xffff;
	v8 =	vor.u32 v49, v45  }
0xef: {  	v11 =	vor.u32 s0, v30;
	v1 =	vand.u32 $0x1400, v1  }
0xf0: {  	v12 =	vand.u32 $0x28, v11;
	v11 =	vshll.u32 v11, $0x7;
	v53 =	vor.u32 v1, v37  }
0xf1: {  	s10 =	sadd.s32 $0x2, s10;
	v52 =	vor.u32 s3, v26;
	v51 =	vor.u32 v12, v40;
	v1 =	vand.u32 $0x1400, v11  }
0xf2: {  	p1 =	slt.u32 s10, $0x1E;
	v48 =	vor.u32 v1, v41;
	v1 =	vor.u32 s0, v31;
	[tilespmem:v2+s21+$0x0] =	vst.idx.msk $0xffff, v3;
	v3 =	vshll.u32 v5, $0x7  }
.Ltmp0:
0xf3: {  	v5 =	vand.u32 $0x28, v1;
	[tilespmem:v8+s21+$0x0] =	vst.idx.msk $0xffff, v9;
	v9 =	vlaneseq.u32;
	v3 =	vand.u32 $0x1C00, v3;
	(pc) =	sbr.rel @p1 .LBB2_3-.Ltmp0, $4  }
0xf4: {  	v49 =	vor.u32 v5, v42;
	v60 =	vor.u32 v3, v50;
	v3 =	vand.u32 $0x38, v52  }
0xf5: {  	v2 =	vld.idx.msk [tilespmem:v6+s14+$0x0], $0xffff;
	v5 =	vshll.u32 v1, $0x7;
	v6 =	vor.u32 s0, v32;
	v1 =	vor.u32 v3, v54  }
0xf6: {  	v3 =	vand.u32 $0x1400, v5;
	v5 =	vand.u32 $0x28, v6;
	v6 =	vshll.u32 v6, $0x7  }
0xf7: {  	s13 =	sadd.s32 $0x20, s13;
	s31 =	sadd.s32 $0x8, s31;
	v54 =	vld.idx.msk [tilespmem:v15+s14+$0x0], $0xffff;
	v47 =	vor.u32 v3, v43;
	v46 =	vor.u32 v5, v44;
	v50 =	vand.u32 $0x1400, v6  }
0xf8: {  	_ =	sdelay $0x2  }
0xf9: {  	v3 =	vshll.u32 v52, $0x7  }
0xfa: {  	v3 =	vand.u32 $0x1C00, v3;
	[tilespmem:v60+s21+$0x0] =	vst.idx.msk $0xffff, v2;
	v2 =	vor.u32 s3, v27  }
0xfb: {  	v3 =	vor.u32 v3, v33;
	v1 =	vld.idx.msk [tilespmem:v1+s14+$0x0], $0xffff;
	v5 =	vand.u32 $0x38, v2;
	[tilespmem:v62+s21+$0x0] =	vst.idx.msk $0xffff, v54  }
0xfc: {  	v5 =	vor.u32 v5, v35;
	v0 =	vld.idx.msk [tilespmem:v0+s14+$0x0], $0xffff;
	_ =	sdelay $0x2  }
0xfd: {  	v2 =	vshll.u32 v2, $0x7  }
0xfe: {  	v2 =	vand.u32 $0x1C00, v2;
	[tilespmem:v3+s21+$0x0] =	vst.idx.msk $0xffff, v1;
	v1 =	vor.u32 s3, v28  }
0xff: {  	v2 =	vor.u32 v2, v34;
	v3 =	vld.idx.msk [tilespmem:v5+s14+$0x0], $0xffff;
	v5 =	vand.u32 $0x38, v1;
	[tilespmem:v63+s21+$0x0] =	vst.idx.msk $0xffff, v0  }
0x100: {  	v0 =	vor.u32 v5, v38;
	v5 =	vld.idx.msk [tilespmem:v61+s14+$0x0], $0xffff;
	_ =	sdelay $0x2  }
0x101: {  	v1 =	vshll.u32 v1, $0x7  }
0x102: {  	v1 =	vand.u32 $0x1C00, v1;
	[tilespmem:v2+s21+$0x0] =	vst.idx.msk $0xffff, v3;
	v2 =	vor.u32 s3, v29  }
0x103: {  	v1 =	vor.u32 v1, v36;
	v0 =	vld.idx.msk [tilespmem:v0+s14+$0x0], $0xffff;
	v3 =	vand.u32 $0x38, v2;
	[tilespmem:v58+s21+$0x0] =	vst.idx.msk $0xffff, v5  }
0x104: {  	v3 =	vor.u32 v3, v39;
	v5 =	vld.idx.msk [tilespmem:v59+s14+$0x0], $0xffff;
	_ =	sdelay $0x2  }
0x105: {  	v2 =	vshll.u32 v2, $0x7  }
0x106: {  	[tilespmem:v1+s21+$0x0] =	vst.idx.msk $0xffff, v0;
	v0 =	vor.u32 s3, v30;
	v1 =	vand.u32 $0x1C00, v2  }
0x107: {  	v2 =	vld.idx.msk [tilespmem:v3+s14+$0x0], $0xffff;
	v3 =	vand.u32 $0x38, v0;
	v1 =	vor.u32 v1, v37;
	[tilespmem:v56+s21+$0x0] =	vst.idx.msk $0xffff, v5  }
0x108: {  	v3 =	vor.u32 v3, v40;
	v5 =	vld.idx.msk [tilespmem:v57+s14+$0x0], $0xffff;
	_ =	sdelay $0x2  }
0x109: {  	v0 =	vshll.u32 v0, $0x7  }
0x10a: {  	v0 =	vand.u32 $0x1C00, v0;
	[tilespmem:v1+s21+$0x0] =	vst.idx.msk $0xffff, v2;
	v1 =	vor.u32 s3, v31  }
0x10b: {  	v0 =	vor.u32 v0, v41;
	v2 =	vld.idx.msk [tilespmem:v3+s14+$0x0], $0xffff;
	v3 =	vand.u32 $0x38, v1;
	[tilespmem:v53+s21+$0x0] =	vst.idx.msk $0xffff, v5  }
0x10c: {  	v3 =	vor.u32 v3, v42;
	v5 =	vld.idx.msk [tilespmem:v51+s14+$0x0], $0xffff;
	_ =	sdelay $0x2  }
0x10d: {  	v1 =	vshll.u32 v1, $0x7  }
0x10e: {  	v1 =	vand.u32 $0x1C00, v1;
	[tilespmem:v0+s21+$0x0] =	vst.idx.msk $0xffff, v2;
	v0 =	vor.u32 s3, v32  }
0x10f: {  	v1 =	vor.u32 v1, v43;
	v2 =	vld.idx.msk [tilespmem:v3+s14+$0x0], $0xffff;
	v3 =	vand.u32 $0x38, v0;
	[tilespmem:v48+s21+$0x0] =	vst.idx.msk $0xffff, v5  }
0x110: {  	v3 =	vor.u32 v3, v44;
	v5 =	vld.idx.msk [tilespmem:v49+s14+$0x0], $0xffff;
	_ =	sdelay $0x2  }
0x111: {  	v0 =	vshll.u32 v0, $0x7  }
0x112: {  	v0 =	vand.u32 $0x1C00, v0;
	[tilespmem:v1+s21+$0x0] =	vst.idx.msk $0xffff, v2  }
0x113: {  	v0 =	vor.u32 v0, v45;
	v1 =	vld.idx.msk [tilespmem:v3+s14+$0x0], $0xffff;
	[tilespmem:v47+s21+$0x0] =	vst.idx.msk $0xffff, v5  }
0x114: {  	v2 =	vor.u32 v50, v45;
	v3 =	vld.idx.msk [tilespmem:v46+s14+$0x0], $0xffff;
	_ =	sdelay $0x1  }
0x115: {  	p1 =	seq.s32 s18, $0x31  }
0x116: {  	s0 =	sshll.u32 @!p1 s18, $0x9  }
0x117: {  	s5 =	sor.u32 s6, s5;
	s3 =	sand.u32 @!p1 $0x3FFFFE00, s0;
	[tilespmem:v0+s21+$0x0] =	vst.idx.msk $0xffff, v1  }
0x118: {  	s2 =	simm.s32 @!p1 $0x80;
	s10 =	simm.s32 @!p1 $0x6400;
	s0 =	sadd.s32 @!p1 $0x200, s3;
	[tilespmem:v2+s21+$0x0] =	vst.idx.msk $0xffff, v3  }
0x119: {  	[tilespmem:s10], [sflag:$0x1] =	stream.indirect.gather @!p1 [hbm4b:s4+s2], $0x40, s0, s2, $0xb8;
	[tilespmem:$0x16400] =	vst v63  }
0x11a: {  	s11 =	sadd.s32 s1, s5  }
0x11b: {  	[hbm4b:s11+s22] =	stream.strided.scatter [tilespmem:s21], [sflag:$0x5], $0x2000, s23, s22, $0x38;
	[tilespmem:$0x16400] =	vst v63  }
0x11c: {  	v11 =	vld [tilespmem:$0x1FF40];
	_ =	swait.ge [sflag:s24], $0x2000  }
0x11d: {  	s12 =	simm.s32 $0x0;
	v12 =	vld [tilespmem:$0x1FF50]  }
0x11e: {  	s13 =	sand.u32 $0x70, s12  }
0x11f: {  	v0 =	vmov s13;
	s0 =	sand.u32 $0x20, s12;
	[sflag:s24] =	ssyncset.done $0x0  }
0x120: {  	v0 =	vshll.u32 v0, $0x6;
	s10 =	sor.u32 $0x10, s0;
	s11 =	simm.s32 @!p0 $0x6;
	[sflag:s24] =	ssyncadd.s32 $0xFFFFE000  }
0x121: {  	v1 =	vor.u32 s10, v9;
	v44 =	vor.u32 v11, v0;
	_ =	swait.ge @!p0 [sflag:s11], $0x2000  }
0x122: {  	v2 =	vor.u32 s0, v9;
	v0 =	vand.u32 $0x38, v1;
	v9 =	vld [tilespmem:$0x1FF60];
	v48 =	vor.u32 v12, v44  }
0x123: {  	v3 =	vand.u32 $0x28, v2;
	v11 =	vld [tilespmem:$0x1FF70];
	v0 =	vor.u32 v0, v48  }
0x124: {  	v3 =	vor.u32 v3, v48  }
0x125: {  	v5 =	vor.u32 s0, v4  }
0x126: {  	v2 =	vshll.u32 v2, $0x7;
	v8 =	vor.u32 s10, v4;
	v1 =	vshll.u32 v1, $0x7;
	[sflag:s11] =	ssyncset.done @!p0 $0x0  }
0x127: {  	v2 =	vand.u32 $0x1400, v2;
	v1 =	vand.u32 $0x1C00, v1;
	v14 =	vld [tilespmem:$0x1FF80];
	[sflag:s11] =	ssyncadd.s32 @!p0 $0xFFFFE000;
	v46 =	vor.u32 s13, v9  }
0x128: {  	v9 =	vand.u32 $0x38, v8;
	v47 =	vor.u32 v11, v44;
	v1 =	vor.u32 v1, v46;
	v0 =	vld.idx.msk [tilespmem:v0+s15+$0x0], $0xffff  }
0x129: {  	v6 =	vand.u32 $0x28, v5;
	v2 =	vor.u32 v2, v46;
	v9 =	vor.u32 v9, v47;
	v3 =	vld.idx.msk [tilespmem:v3+s15+$0x0], $0xffff  }
0x12a: {  	v18 =	vld [tilespmem:$0x1FF90];
	v6 =	vor.u32 v6, v47;
	_ =	sdelay $0x1  }
0x12b: {  	v5 =	vshll.u32 v5, $0x7  }
0x12c: {  	v15 =	vor.u32 s10, v7;
	v5 =	vand.u32 $0x1400, v5;
	v8 =	vshll.u32 v8, $0x7;
	[tilespmem:v1+s25+$0x0] =	vst.idx.msk $0xffff, v0  }
0x12d: {  	v53 =	vand.u32 $0x38, v15;
	v33 =	vor.u32 s13, v14;
	v8 =	vand.u32 $0x1C00, v8;
	[tilespmem:v2+s25+$0x0] =	vst.idx.msk $0xffff, v3;
	v9 =	vld.idx.msk [tilespmem:v9+s15+$0x0], $0xffff  }
0x12e: {  	v11 =	vor.u32 s0, v7;
	v35 =	vor.u32 v18, v44;
	v8 =	vor.u32 v8, v33;
	v6 =	vld.idx.msk [tilespmem:v6+s15+$0x0], $0xffff  }
0x12f: {  	v14 =	vand.u32 $0x28, v11;
	v0 =	vor.u32 v5, v33;
	v5 =	vor.u32 v53, v35;
	v18 =	vld [tilespmem:$0x1FFC0]  }
0x130: {  	v12 =	vor.u32 s0, v10;
	v2 =	vor.u32 v14, v35  }
0x131: {  	v34 =	vor.u32 s13, v17;
	v1 =	vshll.u32 v11, $0x7;
	v3 =	vand.u32 $0x28, v12  }
0x132: {  	v11 =	vshll.u32 v12, $0x7;
	v12 =	vshll.u32 v15, $0x7;
	v15 =	vor.u32 s10, v10  }
0x133: {  	v1 =	vand.u32 $0x1400, v1;
	v12 =	vand.u32 $0x1C00, v12;
	v54 =	vand.u32 $0x38, v15;
	[tilespmem:v8+s25+$0x0] =	vst.idx.msk $0xffff, v9  }
0x134: {  	v12 =	vor.u32 v12, v34;
	v38 =	vor.u32 v18, v44;
	[tilespmem:v0+s25+$0x0] =	vst.idx.msk $0xffff, v6;
	v5 =	vld.idx.msk [tilespmem:v5+s15+$0x0], $0xffff  }
0x135: {  	v1 =	vor.u32 v1, v34;
	v55 =	vor.u32 v54, v38;
	v2 =	vld.idx.msk [tilespmem:v2+s15+$0x0], $0xffff  }
0x136: {  	v3 =	vor.u32 v3, v38;
	v18 =	vld [tilespmem:$0x1FFD0]  }
0x137: {  	v36 =	vor.u32 s13, v20;
	v37 =	vor.u32 s13, v21  }
0x138: {  	v43 =	vor.u32 s13, v25;
	v57 =	vor.u32 s0, v19;
	v14 =	vor.u32 s0, v13  }
0x139: {  	v11 =	vand.u32 $0x1400, v11;
	v8 =	vand.u32 $0x28, v14;
	v6 =	vshll.u32 v15, $0x7;
	[tilespmem:v12+s25+$0x0] =	vst.idx.msk $0xffff, v5  }
0x13a: {  	v9 =	vshll.u32 v14, $0x7;
	v14 =	vor.u32 s10, v13;
	v6 =	vand.u32 $0x1C00, v6;
	[tilespmem:v1+s25+$0x0] =	vst.idx.msk $0xffff, v2;
	v12 =	vld.idx.msk [tilespmem:v55+s15+$0x0], $0xffff  }
0x13b: {  	v15 =	vand.u32 $0x38, v14;
	v6 =	vor.u32 v6, v36;
	v39 =	vor.u32 v18, v44;
	v3 =	vld.idx.msk [tilespmem:v3+s15+$0x0], $0xffff  }
0x13c: {  	v42 =	vshll.u32 v57, $0x7;
	v11 =	vor.u32 v11, v36;
	v15 =	vor.u32 v15, v39;
	v18 =	vld [tilespmem:$0x1FFE0]  }
0x13d: {  	v0 =	vand.u32 $0x1400, v9;
	v9 =	vor.u32 s0, v16;
	v8 =	vor.u32 v8, v39  }
0x13e: {  	v52 =	vor.u32 s10, v26;
	v56 =	vand.u32 $0x28, v9;
	v9 =	vshll.u32 v9, $0x7  }
0x13f: {  	v5 =	vand.u32 $0x1400, v9;
	v9 =	vshll.u32 v14, $0x7;
	v2 =	vor.u32 s10, v16  }
0x140: {  	v59 =	vand.u32 $0x1400, v42;
	v9 =	vand.u32 $0x1C00, v9;
	v14 =	vand.u32 $0x38, v2;
	[tilespmem:v6+s25+$0x0] =	vst.idx.msk $0xffff, v12  }
0x141: {  	v9 =	vor.u32 v9, v37;
	v40 =	vor.u32 v18, v44;
	[tilespmem:v11+s25+$0x0] =	vst.idx.msk $0xffff, v3;
	v15 =	vld.idx.msk [tilespmem:v15+s15+$0x0], $0xffff  }
0x142: {  	v53 =	vor.u32 s0, v22;
	v0 =	vor.u32 v0, v37;
	v14 =	vor.u32 v14, v40;
	v8 =	vld.idx.msk [tilespmem:v8+s15+$0x0], $0xffff  }
0x143: {  	v49 =	vand.u32 $0x28, v53;
	v54 =	vor.u32 s0, v24;
	v58 =	vor.u32 v56, v40;
	v11 =	vld [tilespmem:$0x1FFF0]  }
0x144: {  	v41 =	vshll.u32 v53, $0x7;
	v53 =	vor.u32 v59, v43;
	v50 =	vshll.u32 v54, $0x7  }
0x145: {  	v1 =	vand.u32 $0x28, v57;
	v2 =	vshll.u32 v2, $0x7;
	v55 =	vor.u32 s0, v26  }
0x146: {  	v2 =	vand.u32 $0x1C00, v2;
	v6 =	vand.u32 $0x1400, v41;
	v41 =	vor.u32 s13, v23;
	[tilespmem:v9+s25+$0x0] =	vst.idx.msk $0xffff, v15  }
0x147: {  	v3 =	vor.u32 s10, v19;
	v2 =	vor.u32 v2, v41;
	v9 =	vand.u32 $0x28, v55;
	[tilespmem:v0+s25+$0x0] =	vst.idx.msk $0xffff, v8;
	v14 =	vld.idx.msk [tilespmem:v14+s15+$0x0], $0xffff  }
0x148: {  	v42 =	vor.u32 v11, v44;
	v11 =	vand.u32 $0x38, v3;
	v0 =	vor.u32 v9, v47;
	v9 =	vld.idx.msk [tilespmem:v58+s15+$0x0], $0xffff  }
0x149: {  	v5 =	vor.u32 v5, v41;
	v56 =	vor.u32 s0, v27;
	v11 =	vor.u32 v11, v42;
	v18 =	vld [tilespmem:$0x1FFB0]  }
0x14a: {  	v12 =	vand.u32 $0x28, v54;
	v59 =	vshll.u32 v56, $0x7;
	v3 =	vshll.u32 v3, $0x7  }
0x14b: {  	v15 =	vshll.u32 v55, $0x7;
	v1 =	vor.u32 v1, v42;
	v3 =	vand.u32 $0x1C00, v3  }
0x14c: {  	v8 =	vand.u32 $0x1400, v15;
	v15 =	vor.u32 s10, v22;
	v3 =	vor.u32 v3, v43  }
0x14d: {  	v58 =	vand.u32 $0x38, v15;
	v63 =	vor.u32 v8, v33;
	v8 =	vor.u32 s0, v28;
	[tilespmem:v2+s25+$0x0] =	vst.idx.msk $0xffff, v14  }
0x14e: {  	v44 =	vor.u32 v18, v44;
	v2 =	vand.u32 $0x1400, v59;
	[tilespmem:v5+s25+$0x0] =	vst.idx.msk $0xffff, v9;
	v5 =	vshll.u32 v8, $0x7;
	v11 =	vld.idx.msk [tilespmem:v11+s15+$0x0], $0xffff  }
0x14f: {  	v51 =	vor.u32 v58, v44;
	v58 =	vor.u32 v2, v34;
	v2 =	vand.u32 $0x28, v8;
	v8 =	vld [tilespmem:$0x1FFA0]  }
0x150: {  	v50 =	vand.u32 $0x1400, v50;
	v12 =	vor.u32 v12, v48;
	v57 =	vand.u32 $0x28, v56;
	v1 =	vld.idx.msk [tilespmem:v1+s15+$0x0], $0xffff  }
0x151: {  	v61 =	vor.u32 v57, v35;
	v14 =	vor.u32 s0, v29;
	v49 =	vor.u32 v49, v44  }
0x152: {  	v60 =	vor.u32 v2, v38;
	v2 =	vand.u32 $0x1400, v5;
	v5 =	vshll.u32 v15, $0x7  }
0x153: {  	v5 =	vand.u32 $0x1C00, v5;
	v56 =	vor.u32 v2, v36;
	v2 =	vand.u32 $0x28, v14  }
0x154: {  	v57 =	vor.u32 v2, v39;
	v2 =	vshll.u32 v14, $0x7;
	v45 =	vor.u32 s13, v8;
	[tilespmem:v3+s25+$0x0] =	vst.idx.msk $0xffff, v11  }
0x155: {  	v8 =	vor.u32 s10, v24;
	v3 =	vor.u32 s0, v30;
	[tilespmem:v53+s25+$0x0] =	vst.idx.msk $0xffff, v1;
	v1 =	vand.u32 $0x1400, v2  }
0x156: {  	v6 =	vor.u32 v6, v45;
	v5 =	vor.u32 v5, v45;
	v9 =	vand.u32 $0x38, v8  }
0x157: {  	v11 =	vld.idx.msk [tilespmem:v51+s15+$0x0], $0xffff;
	v2 =	vand.u32 $0x28, v3;
	v3 =	vshll.u32 v3, $0x7;
	v54 =	vor.u32 v1, v37  }
0x158: {  	v14 =	vld.idx.msk [tilespmem:v49+s15+$0x0], $0xffff;
	v9 =	vor.u32 v9, v48;
	v51 =	vor.u32 v2, v40;
	v1 =	vand.u32 $0x1400, v3  }
0x159: {  	v2 =	vor.u32 s0, v31;
	v48 =	vor.u32 v1, v41;
	v1 =	vshll.u32 v8, $0x7  }
0x15a: {  	v62 =	vor.u32 v50, v46;
	v3 =	vand.u32 $0x28, v2;
	v1 =	vand.u32 $0x1C00, v1  }
0x15b: {  	v49 =	vor.u32 v3, v42;
	v3 =	vand.u32 $0x38, v52;
	v1 =	vor.u32 v1, v46  }
0x15c: {  	v59 =	vor.u32 v3, v47;
	v3 =	vor.u32 s0, v32;
	[tilespmem:v5+s25+$0x0] =	vst.idx.msk $0xffff, v11;
	v5 =	vshll.u32 v2, $0x7  }
0x15d: {  	[tilespmem:v6+s25+$0x0] =	vst.idx.msk $0xffff, v14;
	v6 =	vand.u32 $0x28, v3;
	v3 =	vshll.u32 v3, $0x7;
	v2 =	vld.idx.msk [tilespmem:v9+s15+$0x0], $0xffff;
	v5 =	vand.u32 $0x1400, v5  }
0x15e: {  	s31 =	simm.s32 $0x20;
	s13 =	simm.s32 $0x0;
	s0 =	simm.s32 $0x8;
	v53 =	vld.idx.msk [tilespmem:v12+s15+$0x0], $0xffff;
	v46 =	vor.u32 v6, v44;
	v50 =	vand.u32 $0x1400, v3;
	v47 =	vor.u32 v5, v43  }
.LBB2_5:
0x15f: {  	v8 =	vld [tilespmem:$0x1FF40];
	_ =	sdelay $0x1  }
0x160: {  	s12 =	sand.u32 $0x70, s0  }
0x161: {  	v3 =	vmov s12;
	[tilespmem:v1+s25+$0x0] =	vst.idx.msk $0xffff, v2  }
0x162: {  	v3 =	vshll.u32 v3, $0x6;
	v6 =	vld.idx.msk [tilespmem:v59+s15+$0x0], $0xffff  }
0x163: {  	v59 =	vor.u32 v8, v3;
	v8 =	vld [tilespmem:$0x1FF50]  }
0x164: {  	s2 =	sand.u32 $0x20, s31  }
0x165: {  	v9 =	vlaneseq.u32;
	s11 =	sor.u32 $0x10, s2;
	v1 =	vshll.u32 v52, $0x7  }
0x166: {  	v5 =	vor.u32 s11, v9;
	v2 =	vor.u32 s10, v27;
	v1 =	vand.u32 $0x1C00, v1  }
0x167: {  	v18 =	vld [tilespmem:$0x1FF70];
	v9 =	vor.u32 s2, v9;
	v3 =	vand.u32 $0x38, v2;
	v1 =	vor.u32 v1, v33  }
0x168: {  	v15 =	vld [tilespmem:$0x1FF60];
	v3 =	vor.u32 v3, v35;
	v52 =	vor.u32 v8, v59;
	v8 =	vand.u32 $0x38, v5  }
0x169: {  	v12 =	vand.u32 $0x28, v9;
	v8 =	vor.u32 v8, v52  }
0x16a: {  	v55 =	vor.u32 v50, v45;
	v11 =	vor.u32 s2, v4;
	[tilespmem:v62+s25+$0x0] =	vst.idx.msk $0xffff, v53;
	v12 =	vor.u32 v12, v52  }
0x16b: {  	v14 =	vand.u32 $0x28, v11;
	v11 =	vshll.u32 v11, $0x7;
	v9 =	vshll.u32 v9, $0x7;
	v0 =	vld.idx.msk [tilespmem:v0+s15+$0x0], $0xffff  }
0x16c: {  	v9 =	vand.u32 $0x1400, v9;
	v53 =	vor.u32 v18, v59;
	v18 =	vld [tilespmem:$0x1FF90];
	[tilespmem:v1+s25+$0x0] =	vst.idx.msk $0xffff, v6;
	v1 =	vshll.u32 v2, $0x7  }
0x16d: {  	v50 =	vor.u32 s12, v15;
	v5 =	vshll.u32 v5, $0x7;
	v3 =	vld.idx.msk [tilespmem:v3+s15+$0x0], $0xffff;
	v1 =	vand.u32 $0x1C00, v1  }
0x16e: {  	v2 =	vor.u32 s10, v28;
	v5 =	vand.u32 $0x1C00, v5;
	v1 =	vor.u32 v1, v34;
	v8 =	vld.idx.msk [tilespmem:v8+s15+$0x0], $0xffff  }
0x16f: {  	v15 =	vor.u32 s11, v4;
	v6 =	vand.u32 $0x38, v2;
	v5 =	vor.u32 v5, v50;
	v12 =	vld.idx.msk [tilespmem:v12+s15+$0x0], $0xffff  }
0x170: {  	v62 =	vand.u32 $0x38, v15;
	v6 =	vor.u32 v6, v38;
	[tilespmem:v63+s25+$0x0] =	vst.idx.msk $0xffff, v0;
	v0 =	vand.u32 $0x1400, v11;
	v11 =	vld [tilespmem:$0x1FF80]  }
0x171: {  	v9 =	vor.u32 v9, v50;
	v14 =	vor.u32 v14, v53;
	v34 =	vor.u32 v62, v53  }
0x172: {  	v35 =	vor.u32 v18, v59;
	v38 =	vor.u32 s2, v7;
	v62 =	vor.u32 s2, v10  }
0x173: {  	v18 =	vld [tilespmem:$0x1FFC0];
	v63 =	vor.u32 s11, v7;
	[tilespmem:v1+s25+$0x0] =	vst.idx.msk $0xffff, v3;
	v1 =	vshll.u32 v2, $0x7;
	v2 =	vor.u32 s10, v29  }
0x174: {  	v61 =	vld.idx.msk [tilespmem:v61+s15+$0x0], $0xffff;
	v3 =	vshll.u32 v15, $0x7;
	v15 =	vand.u32 $0x38, v63;
	v1 =	vand.u32 $0x1C00, v1;
	[tilespmem:v5+s25+$0x0] =	vst.idx.msk $0xffff, v8  }
0x175: {  	v3 =	vand.u32 $0x1C00, v3;
	v1 =	vor.u32 v1, v36;
	v33 =	vor.u32 s12, v11;
	v5 =	vld.idx.msk [tilespmem:v6+s15+$0x0], $0xffff  }
0x176: {  	v36 =	vshll.u32 v62, $0x7;
	v6 =	vand.u32 $0x38, v2;
	v8 =	vld.idx.msk [tilespmem:v34+s15+$0x0], $0xffff;
	v3 =	vor.u32 v3, v33  }
0x177: {  	v11 =	vand.u32 $0x28, v38;
	[tilespmem:v9+s25+$0x0] =	vst.idx.msk $0xffff, v12;
	v9 =	vshll.u32 v38, $0x7;
	v6 =	vor.u32 v6, v39  }
0x178: {  	v12 =	vor.u32 v15, v35;
	v38 =	vor.u32 v18, v59;
	v0 =	vor.u32 v0, v33  }
0x179: {  	v15 =	vand.u32 $0x28, v62;
	v14 =	vld.idx.msk [tilespmem:v14+s15+$0x0], $0xffff;
	v11 =	vor.u32 v11, v35;
	v9 =	vand.u32 $0x1400, v9;
	[tilespmem:v58+s25+$0x0] =	vst.idx.msk $0xffff, v61  }
0x17a: {  	v18 =	vld [tilespmem:$0x1FFD0];
	v34 =	vor.u32 s12, v17;
	v39 =	vor.u32 s2, v13;
	[tilespmem:v1+s25+$0x0] =	vst.idx.msk $0xffff, v5;
	v1 =	vshll.u32 v2, $0x7  }
0x17b: {  	v58 =	vld.idx.msk [tilespmem:v60+s15+$0x0], $0xffff;
	v60 =	vor.u32 s11, v10;
	[tilespmem:v3+s25+$0x0] =	vst.idx.msk $0xffff, v8;
	v3 =	vshll.u32 v63, $0x7;
	v1 =	vand.u32 $0x1C00, v1  }
0x17c: {  	v2 =	vor.u32 s10, v30;
	v5 =	vld.idx.msk [tilespmem:v6+s15+$0x0], $0xffff;
	v3 =	vand.u32 $0x1C00, v3;
	v1 =	vor.u32 v1, v37  }
0x17d: {  	v62 =	vshll.u32 v39, $0x7;
	v6 =	vand.u32 $0x38, v2;
	v8 =	vld.idx.msk [tilespmem:v12+s15+$0x0], $0xffff;
	v3 =	vor.u32 v3, v34  }
0x17e: {  	[tilespmem:v0+s25+$0x0] =	vst.idx.msk $0xffff, v14;
	v14 =	vor.u32 v15, v38;
	v12 =	vand.u32 $0x38, v60;
	v6 =	vor.u32 v6, v40  }
0x17f: {  	v15 =	vand.u32 $0x28, v39;
	v39 =	vor.u32 v18, v59;
	v18 =	vld [tilespmem:$0x1FFE0];
	v12 =	vor.u32 v12, v38  }
0x180: {  	v0 =	vor.u32 v9, v34;
	v9 =	vand.u32 $0x1400, v36;
	v11 =	vld.idx.msk [tilespmem:v11+s15+$0x0], $0xffff;
	[tilespmem:v56+s25+$0x0] =	vst.idx.msk $0xffff, v58  }
0x181: {  	v36 =	vor.u32 s12, v20;
	v56 =	vand.u32 $0x1400, v62;
	[tilespmem:v1+s25+$0x0] =	vst.idx.msk $0xffff, v5;
	v1 =	vshll.u32 v2, $0x7  }
0x182: {  	v63 =	vor.u32 s2, v16;
	v61 =	vld.idx.msk [tilespmem:v57+s15+$0x0], $0xffff;
	[tilespmem:v3+s25+$0x0] =	vst.idx.msk $0xffff, v8;
	v3 =	vshll.u32 v60, $0x7;
	v1 =	vand.u32 $0x1C00, v1  }
0x183: {  	v2 =	vor.u32 s10, v31;
	v5 =	vld.idx.msk [tilespmem:v6+s15+$0x0], $0xffff;
	v3 =	vand.u32 $0x1C00, v3;
	v1 =	vor.u32 v1, v41  }
0x184: {  	v62 =	vor.u32 s11, v13;
	v6 =	vand.u32 $0x38, v2;
	v8 =	vld.idx.msk [tilespmem:v12+s15+$0x0], $0xffff;
	v3 =	vor.u32 v3, v36  }
0x185: {  	v40 =	vor.u32 v18, v59;
	v12 =	vand.u32 $0x38, v62;
	v6 =	vor.u32 v6, v42  }
0x186: {  	[tilespmem:v0+s25+$0x0] =	vst.idx.msk $0xffff, v11;
	v0 =	vor.u32 v9, v36;
	v9 =	vand.u32 $0x28, v63;
	v11 =	vor.u32 v12, v39  }
0x187: {  	v37 =	vor.u32 s12, v21;
	v9 =	vor.u32 v9, v40;
	v12 =	vld.idx.msk [tilespmem:v14+s15+$0x0], $0xffff;
	[tilespmem:v54+s25+$0x0] =	vst.idx.msk $0xffff, v61  }
0x188: {  	v60 =	vor.u32 s11, v16;
	v14 =	vor.u32 v15, v39;
	[tilespmem:v1+s25+$0x0] =	vst.idx.msk $0xffff, v5;
	v1 =	vshll.u32 v2, $0x7  }
0x189: {  	v15 =	vshll.u32 v63, $0x7;
	v58 =	vld.idx.msk [tilespmem:v51+s15+$0x0], $0xffff;
	[tilespmem:v3+s25+$0x0] =	vst.idx.msk $0xffff, v8;
	v3 =	vshll.u32 v62, $0x7;
	v1 =	vand.u32 $0x1C00, v1  }
0x18a: {  	v2 =	vor.u32 s10, v32;
	v5 =	vld.idx.msk [tilespmem:v6+s15+$0x0], $0xffff;
	v3 =	vand.u32 $0x1C00, v3;
	v1 =	vor.u32 v1, v43  }
0x18b: {  	v63 =	vor.u32 s2, v19;
	v6 =	vand.u32 $0x38, v2;
	v8 =	vld.idx.msk [tilespmem:v11+s15+$0x0], $0xffff;
	v3 =	vor.u32 v3, v37  }
0x18c: {  	v61 =	vor.u32 s2, v22;
	[tilespmem:v0+s25+$0x0] =	vst.idx.msk $0xffff, v12;
	v11 =	vand.u32 $0x38, v60;
	v6 =	vor.u32 v6, v44  }
0x18d: {  	v15 =	vand.u32 $0x1400, v15;
	v0 =	vor.u32 v56, v37;
	v14 =	vld.idx.msk [tilespmem:v14+s15+$0x0], $0xffff;
	v11 =	vor.u32 v11, v40  }
0x18e: {  	v18 =	vld [tilespmem:$0x1FFA0];
	v54 =	vand.u32 $0x28, v63;
	v41 =	vshll.u32 v61, $0x7;
	v12 =	vshll.u32 v63, $0x7;
	[tilespmem:v48+s25+$0x0] =	vst.idx.msk $0xffff, v58  }
0x18f: {  	v62 =	vor.u32 s2, v24;
	v12 =	vand.u32 $0x1400, v12;
	v44 =	vld.idx.msk [tilespmem:v49+s15+$0x0], $0xffff;
	[tilespmem:v1+s25+$0x0] =	vst.idx.msk $0xffff, v5;
	v1 =	vshll.u32 v2, $0x7  }
0x190: {  	v49 =	vand.u32 $0x1400, v41;
	v2 =	vshll.u32 v60, $0x7;
	[tilespmem:v3+s25+$0x0] =	vst.idx.msk $0xffff, v8;
	v1 =	vand.u32 $0x1C00, v1;
	v8 =	vld [tilespmem:$0x1FFF0]  }
0x191: {  	v41 =	vor.u32 s12, v23;
	v2 =	vand.u32 $0x1C00, v2;
	v3 =	vld.idx.msk [tilespmem:v6+s15+$0x0], $0xffff;
	v1 =	vor.u32 v1, v45  }
0x192: {  	v48 =	vand.u32 $0x28, v61;
	[tilespmem:v0+s25+$0x0] =	vst.idx.msk $0xffff, v14;
	v0 =	vshll.u32 v62, $0x7;
	v5 =	vld.idx.msk [tilespmem:v11+s15+$0x0], $0xffff;
	v2 =	vor.u32 v2, v41  }
0x193: {  	s10 =	smov.u32 s11;
	v63 =	vand.u32 $0x28, v62;
	v43 =	vor.u32 s12, v25;
	v0 =	vand.u32 $0x1400, v0  }
0x194: {  	v6 =	vor.u32 s10, v19;
	v11 =	vor.u32 v15, v41;
	v15 =	vor.u32 v63, v52  }
0x195: {  	v9 =	vld.idx.msk [tilespmem:v9+s15+$0x0], $0xffff;
	v62 =	vor.u32 v0, v50;
	v42 =	vor.u32 v8, v59;
	v8 =	vand.u32 $0x38, v6  }
0x196: {  	v0 =	vor.u32 s2, v26;
	v45 =	vor.u32 s12, v18;
	v8 =	vor.u32 v8, v42;
	[tilespmem:v1+s25+$0x0] =	vst.idx.msk $0xffff, v3  }
0x197: {  	v56 =	vand.u32 $0x28, v0;
	v57 =	vshll.u32 v0, $0x7;
	[tilespmem:v2+s25+$0x0] =	vst.idx.msk $0xffff, v5;
	v2 =	vshll.u32 v6, $0x7;
	v6 =	vld [tilespmem:$0x1FFB0]  }
0x198: {  	v0 =	vor.u32 v56, v53;
	v14 =	vor.u32 v54, v42;
	v54 =	vor.u32 s2, v27  }
0x199: {  	[tilespmem:v47+s25+$0x0] =	vst.idx.msk $0xffff, v44;
	v1 =	vand.u32 $0x1400, v57;
	v58 =	vand.u32 $0x28, v54;
	v5 =	vor.u32 s10, v22  }
0x19a: {  	v46 =	vld.idx.msk [tilespmem:v46+s15+$0x0], $0xffff;
	[tilespmem:v11+s25+$0x0] =	vst.idx.msk $0xffff, v9;
	v9 =	vshll.u32 v54, $0x7;
	v63 =	vor.u32 v1, v33;
	v2 =	vand.u32 $0x1C00, v2  }
0x19b: {  	v61 =	vor.u32 v58, v35;
	v1 =	vand.u32 $0x1400, v9;
	v2 =	vor.u32 v2, v43;
	v3 =	vld.idx.msk [tilespmem:v8+s15+$0x0], $0xffff  }
0x19c: {  	v9 =	vor.u32 s2, v28;
	v44 =	vor.u32 v6, v59;
	v6 =	vand.u32 $0x38, v5  }
0x19d: {  	v58 =	vor.u32 v1, v34;
	v1 =	vand.u32 $0x28, v9;
	v6 =	vor.u32 v6, v44  }
0x19e: {  	v9 =	vshll.u32 v9, $0x7;
	v60 =	vor.u32 v1, v38;
	v8 =	vor.u32 v12, v43;
	v11 =	vld.idx.msk [tilespmem:v14+s15+$0x0], $0xffff  }
0x19f: {  	v1 =	vand.u32 $0x1400, v9;
	v14 =	vor.u32 s2, v29;
	v12 =	vor.u32 v48, v44  }
0x1a0: {  	v56 =	vor.u32 v1, v36;
	v1 =	vand.u32 $0x28, v14;
	[tilespmem:v2+s25+$0x0] =	vst.idx.msk $0xffff, v3;
	v2 =	vshll.u32 v5, $0x7  }
0x1a1: {  	v57 =	vor.u32 v1, v39;
	v1 =	vshll.u32 v14, $0x7;
	v2 =	vand.u32 $0x1C00, v2  }
0x1a2: {  	[tilespmem:v55+s25+$0x0] =	vst.idx.msk $0xffff, v46;
	v1 =	vand.u32 $0x1400, v1;
	v5 =	vor.u32 s10, v24;
	v3 =	vld.idx.msk [tilespmem:v6+s15+$0x0], $0xffff;
	v2 =	vor.u32 v2, v45  }
0x1a3: {  	[tilespmem:v8+s25+$0x0] =	vst.idx.msk $0xffff, v11;
	v11 =	vor.u32 s2, v30;
	v9 =	vand.u32 $0x38, v5;
	v6 =	vor.u32 v49, v45  }
0x1a4: {  	v8 =	vor.u32 v9, v52;
	v9 =	vld.idx.msk [tilespmem:v12+s15+$0x0], $0xffff;
	v12 =	vand.u32 $0x28, v11;
	v11 =	vshll.u32 v11, $0x7  }
0x1a5: {  	s13 =	sadd.s32 $0x2, s13;
	v54 =	vor.u32 v1, v37;
	v52 =	vor.u32 s10, v26;
	v1 =	vand.u32 $0x1400, v11  }
0x1a6: {  	p2 =	slt.u32 s13, $0x1E;
	v51 =	vor.u32 v12, v40;
	v11 =	vor.u32 s2, v31;
	v48 =	vor.u32 v1, v41  }
.Ltmp1:
0x1a7: {  	v1 =	vshll.u32 v5, $0x7;
	v5 =	vshll.u32 v11, $0x7;
	[tilespmem:v2+s25+$0x0] =	vst.idx.msk $0xffff, v3;
	v3 =	vand.u32 $0x28, v11;
	(pc) =	sbr.rel @p2 .LBB2_5-.Ltmp1, $4  }
0x1a8: {  	v1 =	vand.u32 $0x1C00, v1;
	v49 =	vor.u32 v3, v42;
	v3 =	vand.u32 $0x38, v52  }
0x1a9: {  	v1 =	vor.u32 v1, v50;
	[tilespmem:v6+s25+$0x0] =	vst.idx.msk $0xffff, v9;
	v6 =	vor.u32 s2, v32;
	v59 =	vor.u32 v3, v53  }
0x1aa: {  	v2 =	vld.idx.msk [tilespmem:v8+s15+$0x0], $0xffff;
	v3 =	vand.u32 $0x1400, v5;
	v5 =	vand.u32 $0x28, v6;
	v6 =	vshll.u32 v6, $0x7  }
0x1ab: {  	s31 =	sadd.s32 $0x20, s31;
	s0 =	sadd.s32 $0x8, s0;
	v53 =	vld.idx.msk [tilespmem:v15+s15+$0x0], $0xffff;
	v47 =	vor.u32 v3, v43;
	v46 =	vor.u32 v5, v44;
	v50 =	vand.u32 $0x1400, v6  }
0x1ac: {  	_ =	sdelay $0x2  }
0x1ad: {  	v3 =	vshll.u32 v52, $0x7  }
0x1ae: {  	[tilespmem:v1+s25+$0x0] =	vst.idx.msk $0xffff, v2;
	v1 =	vor.u32 s10, v27;
	v2 =	vand.u32 $0x1C00, v3  }
0x1af: {  	v3 =	vld.idx.msk [tilespmem:v59+s15+$0x0], $0xffff;
	v2 =	vor.u32 v2, v33;
	v5 =	vand.u32 $0x38, v1;
	[tilespmem:v62+s25+$0x0] =	vst.idx.msk $0xffff, v53  }
0x1b0: {  	v5 =	vor.u32 v5, v35;
	v0 =	vld.idx.msk [tilespmem:v0+s15+$0x0], $0xffff;
	_ =	sdelay $0x2  }
0x1b1: {  	v1 =	vshll.u32 v1, $0x7  }
0x1b2: {  	v1 =	vand.u32 $0x1C00, v1;
	[tilespmem:v2+s25+$0x0] =	vst.idx.msk $0xffff, v3;
	v2 =	vor.u32 s10, v28  }
0x1b3: {  	v1 =	vor.u32 v1, v34;
	v3 =	vld.idx.msk [tilespmem:v5+s15+$0x0], $0xffff;
	v5 =	vand.u32 $0x38, v2;
	[tilespmem:v63+s25+$0x0] =	vst.idx.msk $0xffff, v0  }
0x1b4: {  	v0 =	vor.u32 v5, v38;
	v5 =	vld.idx.msk [tilespmem:v61+s15+$0x0], $0xffff;
	_ =	sdelay $0x2  }
0x1b5: {  	v2 =	vshll.u32 v2, $0x7  }
0x1b6: {  	v2 =	vand.u32 $0x1C00, v2;
	[tilespmem:v1+s25+$0x0] =	vst.idx.msk $0xffff, v3;
	v1 =	vor.u32 s10, v29  }
0x1b7: {  	v2 =	vor.u32 v2, v36;
	v0 =	vld.idx.msk [tilespmem:v0+s15+$0x0], $0xffff;
	v3 =	vand.u32 $0x38, v1;
	[tilespmem:v58+s25+$0x0] =	vst.idx.msk $0xffff, v5  }
0x1b8: {  	v3 =	vor.u32 v3, v39;
	v5 =	vld.idx.msk [tilespmem:v60+s15+$0x0], $0xffff;
	_ =	sdelay $0x2  }
0x1b9: {  	v1 =	vshll.u32 v1, $0x7  }
0x1ba: {  	v1 =	vand.u32 $0x1C00, v1;
	[tilespmem:v2+s25+$0x0] =	vst.idx.msk $0xffff, v0;
	v0 =	vor.u32 s10, v30  }
0x1bb: {  	v1 =	vor.u32 v1, v37;
	v2 =	vld.idx.msk [tilespmem:v3+s15+$0x0], $0xffff;
	v3 =	vand.u32 $0x38, v0;
	[tilespmem:v56+s25+$0x0] =	vst.idx.msk $0xffff, v5  }
0x1bc: {  	v3 =	vor.u32 v3, v40;
	v5 =	vld.idx.msk [tilespmem:v57+s15+$0x0], $0xffff;
	_ =	sdelay $0x2  }
0x1bd: {  	v0 =	vshll.u32 v0, $0x7  }
0x1be: {  	v0 =	vand.u32 $0x1C00, v0;
	[tilespmem:v1+s25+$0x0] =	vst.idx.msk $0xffff, v2;
	v1 =	vor.u32 s10, v31  }
0x1bf: {  	v0 =	vor.u32 v0, v41;
	v2 =	vld.idx.msk [tilespmem:v3+s15+$0x0], $0xffff;
	v3 =	vand.u32 $0x38, v1;
	[tilespmem:v54+s25+$0x0] =	vst.idx.msk $0xffff, v5  }
0x1c0: {  	v3 =	vor.u32 v3, v42;
	v5 =	vld.idx.msk [tilespmem:v51+s15+$0x0], $0xffff;
	_ =	sdelay $0x2  }
0x1c1: {  	v1 =	vshll.u32 v1, $0x7  }
0x1c2: {  	v1 =	vand.u32 $0x1C00, v1;
	[tilespmem:v0+s25+$0x0] =	vst.idx.msk $0xffff, v2;
	v0 =	vor.u32 s10, v32  }
0x1c3: {  	v1 =	vor.u32 v1, v43;
	v2 =	vld.idx.msk [tilespmem:v3+s15+$0x0], $0xffff;
	v3 =	vand.u32 $0x38, v0;
	[tilespmem:v48+s25+$0x0] =	vst.idx.msk $0xffff, v5  }
0x1c4: {  	v3 =	vor.u32 v3, v44;
	v5 =	vld.idx.msk [tilespmem:v49+s15+$0x0], $0xffff;
	_ =	sdelay $0x2  }
0x1c5: {  	v0 =	vshll.u32 v0, $0x7  }
0x1c6: {  	v0 =	vand.u32 $0x1C00, v0;
	[tilespmem:v1+s25+$0x0] =	vst.idx.msk $0xffff, v2  }
0x1c7: {  	v0 =	vor.u32 v0, v45;
	v1 =	vld.idx.msk [tilespmem:v3+s15+$0x0], $0xffff;
	[tilespmem:v47+s25+$0x0] =	vst.idx.msk $0xffff, v5  }
0x1c8: {  	v2 =	vor.u32 v50, v45;
	v3 =	vld.idx.msk [tilespmem:v46+s15+$0x0], $0xffff;
	_ =	sdelay $0x3  }
0x1c9: {  	[tilespmem:v0+s25+$0x0] =	vst.idx.msk $0xffff, v1  }
0x1ca: {  	s0 =	sadd.s32 @!p1 $0x280, s3;
	[tilespmem:v2+s25+$0x0] =	vst.idx.msk $0xffff, v3  }
0x1cb: {  	s2 =	simm.s32 @!p1 $0x80;
	s12 =	simm.s32 $0x0;
	s10 =	simm.s32 @!p1 $0x8400;
	v2 =	vld [tilespmem:$0x1FF40]  }
0x1cc: {  	[tilespmem:s10], [sflag:$0x2] =	stream.indirect.gather @!p1 [hbm4b:s4+s2], $0x40, s0, s2, $0xb8;
	[tilespmem:$0x16400] =	vst v63  }
0x1cd: {  	s11 =	sadd.s32 s5, s7;
	s13 =	sand.u32 $0x70, s12  }
0x1ce: {  	v0 =	vmov s13;
	[hbm4b:s11+s22] =	stream.strided.scatter [tilespmem:s25], [sflag:$0x6], $0x2000, s23, s22, $0x38;
	[tilespmem:$0x16400] =	vst v63  }
0x1cf: {  	v0 =	vshll.u32 v0, $0x6;
	_ =	swait.ge [sflag:s26], $0x2000  }
0x1d0: {  	v44 =	vor.u32 v2, v0;
	v0 =	vld [tilespmem:$0x1FF50];
	_ =	sdelay $0x1  }
0x1d1: {  	s0 =	sand.u32 $0x20, s12;
	[sflag:s26] =	ssyncset.done $0x0  }
0x1d2: {  	v3 =	vlaneseq.u32;
	s10 =	sor.u32 $0x10, s0;
	s11 =	simm.s32 @!p0 $0x7;
	[sflag:s26] =	ssyncadd.s32 $0xFFFFE000  }
0x1d3: {  	v1 =	vor.u32 s10, v3;
	_ =	swait.ge @!p0 [sflag:s11], $0x2000  }
0x1d4: {  	v2 =	vor.u32 s0, v3;
	v8 =	vld [tilespmem:$0x1FF60];
	v48 =	vor.u32 v0, v44;
	v0 =	vand.u32 $0x38, v1  }
0x1d5: {  	v3 =	vand.u32 $0x28, v2;
	v11 =	vld [tilespmem:$0x1FF70];
	v0 =	vor.u32 v0, v48  }
0x1d6: {  	v3 =	vor.u32 v3, v48  }
0x1d7: {  	v2 =	vshll.u32 v2, $0x7  }
0x1d8: {  	v5 =	vor.u32 s0, v4;
	v2 =	vand.u32 $0x1400, v2;
	[sflag:s11] =	ssyncset.done @!p0 $0x0;
	v1 =	vshll.u32 v1, $0x7  }
0x1d9: {  	v14 =	vld [tilespmem:$0x1FF80];
	[sflag:s11] =	ssyncadd.s32 @!p0 $0xFFFFE000;
	v1 =	vand.u32 $0x1C00, v1;
	v46 =	vor.u32 s13, v8;
	v8 =	vor.u32 s10, v4  }
0x1da: {  	v47 =	vor.u32 v11, v44;
	v9 =	vand.u32 $0x38, v8;
	v1 =	vor.u32 v1, v46;
	v0 =	vld.idx.msk [tilespmem:v0+s17+$0x0], $0xffff  }
0x1db: {  	v6 =	vand.u32 $0x28, v5;
	v2 =	vor.u32 v2, v46;
	v9 =	vor.u32 v9, v47;
	v3 =	vld.idx.msk [tilespmem:v3+s17+$0x0], $0xffff  }
0x1dc: {  	v50 =	vld [tilespmem:$0x1FF90];
	v6 =	vor.u32 v6, v47;
	_ =	sdelay $0x1  }
0x1dd: {  	v34 =	vor.u32 s13, v17;
	v5 =	vshll.u32 v5, $0x7  }
0x1de: {  	v15 =	vor.u32 s10, v7;
	v5 =	vand.u32 $0x1400, v5;
	v8 =	vshll.u32 v8, $0x7;
	[tilespmem:v1+s28+$0x0] =	vst.idx.msk $0xffff, v0  }
0x1df: {  	v49 =	vand.u32 $0x38, v15;
	v33 =	vor.u32 s13, v14;
	v8 =	vand.u32 $0x1C00, v8;
	[tilespmem:v2+s28+$0x0] =	vst.idx.msk $0xffff, v3;
	v9 =	vld.idx.msk [tilespmem:v9+s17+$0x0], $0xffff  }
0x1e0: {  	v11 =	vor.u32 s0, v7;
	v35 =	vor.u32 v50, v44;
	v8 =	vor.u32 v8, v33;
	v6 =	vld.idx.msk [tilespmem:v6+s17+$0x0], $0xffff  }
0x1e1: {  	v14 =	vand.u32 $0x28, v11;
	v0 =	vor.u32 v5, v33;
	v5 =	vor.u32 v49, v35;
	v52 =	vld [tilespmem:$0x1FFC0]  }
0x1e2: {  	v36 =	vor.u32 s13, v20;
	v12 =	vor.u32 s0, v10;
	v2 =	vor.u32 v14, v35  }
0x1e3: {  	v37 =	vor.u32 s13, v21;
	v1 =	vshll.u32 v11, $0x7;
	v3 =	vand.u32 $0x28, v12  }
0x1e4: {  	v11 =	vshll.u32 v12, $0x7;
	v12 =	vshll.u32 v15, $0x7;
	v15 =	vor.u32 s10, v10  }
0x1e5: {  	v1 =	vand.u32 $0x1400, v1;
	v12 =	vand.u32 $0x1C00, v12;
	v51 =	vand.u32 $0x38, v15;
	[tilespmem:v8+s28+$0x0] =	vst.idx.msk $0xffff, v9  }
0x1e6: {  	v12 =	vor.u32 v12, v34;
	v38 =	vor.u32 v52, v44;
	[tilespmem:v0+s28+$0x0] =	vst.idx.msk $0xffff, v6;
	v5 =	vld.idx.msk [tilespmem:v5+s17+$0x0], $0xffff  }
0x1e7: {  	v43 =	vor.u32 s13, v25;
	v1 =	vor.u32 v1, v34;
	v53 =	vor.u32 v51, v38;
	v2 =	vld.idx.msk [tilespmem:v2+s17+$0x0], $0xffff  }
0x1e8: {  	v56 =	vor.u32 s0, v19;
	v59 =	vor.u32 s0, v22;
	v3 =	vor.u32 v3, v38;
	v54 =	vld [tilespmem:$0x1FFD0]  }
0x1e9: {  	v60 =	vor.u32 s0, v24;
	v61 =	vor.u32 s0, v26;
	v63 =	vor.u32 s0, v27  }
0x1ea: {  	v42 =	vshll.u32 v56, $0x7;
	v41 =	vshll.u32 v59, $0x7;
	v14 =	vor.u32 s0, v13  }
0x1eb: {  	v11 =	vand.u32 $0x1400, v11;
	v8 =	vand.u32 $0x28, v14;
	v6 =	vshll.u32 v15, $0x7;
	[tilespmem:v12+s28+$0x0] =	vst.idx.msk $0xffff, v5  }
0x1ec: {  	v9 =	vshll.u32 v14, $0x7;
	v14 =	vor.u32 s10, v13;
	v6 =	vand.u32 $0x1C00, v6;
	[tilespmem:v1+s28+$0x0] =	vst.idx.msk $0xffff, v2;
	v12 =	vld.idx.msk [tilespmem:v53+s17+$0x0], $0xffff  }
0x1ed: {  	v15 =	vand.u32 $0x38, v14;
	v6 =	vor.u32 v6, v36;
	v39 =	vor.u32 v54, v44;
	v3 =	vld.idx.msk [tilespmem:v3+s17+$0x0], $0xffff  }
0x1ee: {  	v45 =	vand.u32 $0x1400, v42;
	v11 =	vor.u32 v11, v36;
	v15 =	vor.u32 v15, v39;
	v57 =	vld [tilespmem:$0x1FFE0]  }
0x1ef: {  	v0 =	vand.u32 $0x1400, v9;
	v9 =	vor.u32 s0, v16;
	v8 =	vor.u32 v8, v39  }
0x1f0: {  	v50 =	vshll.u32 v60, $0x7;
	v55 =	vand.u32 $0x28, v9;
	v9 =	vshll.u32 v9, $0x7  }
0x1f1: {  	v5 =	vand.u32 $0x1400, v9;
	v9 =	vshll.u32 v14, $0x7;
	v2 =	vor.u32 s10, v16  }
0x1f2: {  	v50 =	vand.u32 $0x1400, v50;
	v9 =	vand.u32 $0x1C00, v9;
	v14 =	vand.u32 $0x38, v2;
	[tilespmem:v6+s28+$0x0] =	vst.idx.msk $0xffff, v12  }
0x1f3: {  	v9 =	vor.u32 v9, v37;
	v40 =	vor.u32 v57, v44;
	[tilespmem:v11+s28+$0x0] =	vst.idx.msk $0xffff, v3;
	v15 =	vld.idx.msk [tilespmem:v15+s17+$0x0], $0xffff  }
0x1f4: {  	v62 =	vor.u32 v50, v46;
	v0 =	vor.u32 v0, v37;
	v14 =	vor.u32 v14, v40;
	v8 =	vld.idx.msk [tilespmem:v8+s17+$0x0], $0xffff  }
0x1f5: {  	v49 =	vand.u32 $0x28, v59;
	v59 =	vshll.u32 v63, $0x7;
	v58 =	vor.u32 v55, v40  }
0x1f6: {  	v1 =	vand.u32 $0x28, v56;
	v56 =	vand.u32 $0x28, v63;
	v2 =	vshll.u32 v2, $0x7;
	v11 =	vld [tilespmem:$0x1FFF0]  }
0x1f7: {  	v53 =	vor.u32 v45, v43;
	v45 =	vor.u32 s13, v18;
	v2 =	vand.u32 $0x1C00, v2  }
0x1f8: {  	v6 =	vand.u32 $0x1400, v41;
	v12 =	vand.u32 $0x28, v60;
	v41 =	vor.u32 s13, v23;
	[tilespmem:v9+s28+$0x0] =	vst.idx.msk $0xffff, v15  }
0x1f9: {  	v3 =	vor.u32 s10, v19;
	v2 =	vor.u32 v2, v41;
	v9 =	vand.u32 $0x28, v61;
	[tilespmem:v0+s28+$0x0] =	vst.idx.msk $0xffff, v8;
	v14 =	vld.idx.msk [tilespmem:v14+s17+$0x0], $0xffff  }
0x1fa: {  	v5 =	vor.u32 v5, v41;
	v12 =	vor.u32 v12, v48;
	v0 =	vor.u32 v9, v47;
	v9 =	vld.idx.msk [tilespmem:v58+s17+$0x0], $0xffff  }
0x1fb: {  	v6 =	vor.u32 v6, v45;
	v42 =	vor.u32 v11, v44;
	v11 =	vand.u32 $0x38, v3;
	v57 =	vld [tilespmem:$0x1FFB0]  }
0x1fc: {  	v15 =	vshll.u32 v61, $0x7;
	v3 =	vshll.u32 v3, $0x7;
	v11 =	vor.u32 v11, v42  }
0x1fd: {  	v61 =	vor.u32 v56, v35;
	v1 =	vor.u32 v1, v42;
	v3 =	vand.u32 $0x1C00, v3  }
0x1fe: {  	v8 =	vand.u32 $0x1400, v15;
	v15 =	vor.u32 s10, v22;
	v3 =	vor.u32 v3, v43  }
0x1ff: {  	v58 =	vand.u32 $0x38, v15;
	v63 =	vor.u32 v8, v33;
	v8 =	vor.u32 s0, v28;
	[tilespmem:v2+s28+$0x0] =	vst.idx.msk $0xffff, v14  }
0x200: {  	v44 =	vor.u32 v57, v44;
	v2 =	vand.u32 $0x1400, v59;
	v14 =	vor.u32 s0, v29;
	[tilespmem:v5+s28+$0x0] =	vst.idx.msk $0xffff, v9  }
0x201: {  	v5 =	vshll.u32 v8, $0x7;
	v51 =	vor.u32 v58, v44;
	v49 =	vor.u32 v49, v44;
	v11 =	vld.idx.msk [tilespmem:v11+s17+$0x0], $0xffff  }
0x202: {  	v58 =	vor.u32 v2, v34;
	v2 =	vand.u32 $0x28, v8;
	v1 =	vld.idx.msk [tilespmem:v1+s17+$0x0], $0xffff;
	v8 =	vor.u32 s10, v24  }
0x203: {  	v60 =	vor.u32 v2, v38;
	v2 =	vand.u32 $0x1400, v5;
	v5 =	vshll.u32 v15, $0x7  }
0x204: {  	v9 =	vand.u32 $0x38, v8;
	v5 =	vand.u32 $0x1C00, v5;
	v56 =	vor.u32 v2, v36  }
0x205: {  	v2 =	vand.u32 $0x28, v14;
	v9 =	vor.u32 v9, v48;
	v5 =	vor.u32 v5, v45  }
0x206: {  	v57 =	vor.u32 v2, v39;
	v2 =	vshll.u32 v14, $0x7;
	[tilespmem:v3+s28+$0x0] =	vst.idx.msk $0xffff, v11;
	v3 =	vor.u32 s0, v30  }
0x207: {  	[tilespmem:v53+s28+$0x0] =	vst.idx.msk $0xffff, v1;
	v1 =	vand.u32 $0x1400, v2;
	v11 =	vld.idx.msk [tilespmem:v51+s17+$0x0], $0xffff;
	v2 =	vand.u32 $0x28, v3;
	v3 =	vshll.u32 v3, $0x7  }
0x208: {  	v14 =	vld.idx.msk [tilespmem:v49+s17+$0x0], $0xffff;
	v54 =	vor.u32 v1, v37;
	v51 =	vor.u32 v2, v40;
	v1 =	vand.u32 $0x1400, v3  }
0x209: {  	v2 =	vor.u32 s0, v31;
	v48 =	vor.u32 v1, v41;
	v1 =	vshll.u32 v8, $0x7  }
0x20a: {  	v52 =	vor.u32 s10, v26;
	v3 =	vand.u32 $0x28, v2;
	v1 =	vand.u32 $0x1C00, v1  }
0x20b: {  	v49 =	vor.u32 v3, v42;
	v3 =	vand.u32 $0x38, v52;
	v1 =	vor.u32 v1, v46  }
0x20c: {  	v59 =	vor.u32 v3, v47;
	v3 =	vor.u32 s0, v32;
	[tilespmem:v5+s28+$0x0] =	vst.idx.msk $0xffff, v11;
	v5 =	vshll.u32 v2, $0x7  }
0x20d: {  	[tilespmem:v6+s28+$0x0] =	vst.idx.msk $0xffff, v14;
	v6 =	vand.u32 $0x28, v3;
	v3 =	vshll.u32 v3, $0x7;
	v2 =	vld.idx.msk [tilespmem:v9+s17+$0x0], $0xffff;
	v5 =	vand.u32 $0x1400, v5  }
0x20e: {  	s31 =	simm.s32 $0x20;
	s13 =	simm.s32 $0x0;
	s0 =	simm.s32 $0x8;
	v53 =	vld.idx.msk [tilespmem:v12+s17+$0x0], $0xffff;
	v46 =	vor.u32 v6, v44;
	v50 =	vand.u32 $0x1400, v3;
	v47 =	vor.u32 v5, v43  }
.LBB2_7:
0x20f: {  	v8 =	vld [tilespmem:$0x1FF40];
	_ =	sdelay $0x1  }
0x210: {  	s12 =	sand.u32 $0x70, s0  }
0x211: {  	v3 =	vmov s12;
	[tilespmem:v1+s28+$0x0] =	vst.idx.msk $0xffff, v2  }
0x212: {  	v3 =	vshll.u32 v3, $0x6;
	v6 =	vld.idx.msk [tilespmem:v59+s17+$0x0], $0xffff  }
0x213: {  	v59 =	vor.u32 v8, v3;
	v8 =	vld [tilespmem:$0x1FF50]  }
0x214: {  	s2 =	sand.u32 $0x20, s31  }
0x215: {  	v9 =	vlaneseq.u32;
	s11 =	sor.u32 $0x10, s2;
	v1 =	vshll.u32 v52, $0x7  }
0x216: {  	v5 =	vor.u32 s11, v9;
	v2 =	vor.u32 s10, v27;
	v1 =	vand.u32 $0x1C00, v1  }
0x217: {  	v18 =	vld [tilespmem:$0x1FF70];
	v9 =	vor.u32 s2, v9;
	v3 =	vand.u32 $0x38, v2;
	v1 =	vor.u32 v1, v33  }
0x218: {  	v15 =	vld [tilespmem:$0x1FF60];
	v3 =	vor.u32 v3, v35;
	v52 =	vor.u32 v8, v59;
	v8 =	vand.u32 $0x38, v5  }
0x219: {  	v12 =	vand.u32 $0x28, v9;
	v8 =	vor.u32 v8, v52  }
0x21a: {  	v55 =	vor.u32 v50, v45;
	v11 =	vor.u32 s2, v4;
	[tilespmem:v62+s28+$0x0] =	vst.idx.msk $0xffff, v53;
	v12 =	vor.u32 v12, v52  }
0x21b: {  	v14 =	vand.u32 $0x28, v11;
	v11 =	vshll.u32 v11, $0x7;
	v9 =	vshll.u32 v9, $0x7;
	v0 =	vld.idx.msk [tilespmem:v0+s17+$0x0], $0xffff  }
0x21c: {  	v9 =	vand.u32 $0x1400, v9;
	v53 =	vor.u32 v18, v59;
	v18 =	vld [tilespmem:$0x1FF90];
	[tilespmem:v1+s28+$0x0] =	vst.idx.msk $0xffff, v6;
	v1 =	vshll.u32 v2, $0x7  }
0x21d: {  	v50 =	vor.u32 s12, v15;
	v5 =	vshll.u32 v5, $0x7;
	v3 =	vld.idx.msk [tilespmem:v3+s17+$0x0], $0xffff;
	v1 =	vand.u32 $0x1C00, v1  }
0x21e: {  	v2 =	vor.u32 s10, v28;
	v5 =	vand.u32 $0x1C00, v5;
	v1 =	vor.u32 v1, v34;
	v8 =	vld.idx.msk [tilespmem:v8+s17+$0x0], $0xffff  }
0x21f: {  	v15 =	vor.u32 s11, v4;
	v6 =	vand.u32 $0x38, v2;
	v5 =	vor.u32 v5, v50;
	v12 =	vld.idx.msk [tilespmem:v12+s17+$0x0], $0xffff  }
0x220: {  	v62 =	vand.u32 $0x38, v15;
	v6 =	vor.u32 v6, v38;
	[tilespmem:v63+s28+$0x0] =	vst.idx.msk $0xffff, v0;
	v0 =	vand.u32 $0x1400, v11;
	v11 =	vld [tilespmem:$0x1FF80]  }
0x221: {  	v9 =	vor.u32 v9, v50;
	v34 =	vor.u32 v62, v53  }
0x222: {  	v14 =	vor.u32 v14, v53;
	v35 =	vor.u32 v18, v59;
	v38 =	vor.u32 s2, v7  }
0x223: {  	v18 =	vld [tilespmem:$0x1FFC0];
	v62 =	vor.u32 s2, v10;
	v63 =	vor.u32 s11, v7;
	[tilespmem:v1+s28+$0x0] =	vst.idx.msk $0xffff, v3;
	v1 =	vshll.u32 v2, $0x7  }
0x224: {  	v61 =	vld.idx.msk [tilespmem:v61+s17+$0x0], $0xffff;
	v2 =	vor.u32 s10, v29;
	v3 =	vshll.u32 v15, $0x7;
	v1 =	vand.u32 $0x1C00, v1;
	[tilespmem:v5+s28+$0x0] =	vst.idx.msk $0xffff, v8  }
0x225: {  	v3 =	vand.u32 $0x1C00, v3;
	v1 =	vor.u32 v1, v36;
	v33 =	vor.u32 s12, v11;
	v5 =	vld.idx.msk [tilespmem:v6+s17+$0x0], $0xffff  }
0x226: {  	v15 =	vand.u32 $0x38, v63;
	v6 =	vand.u32 $0x38, v2;
	v8 =	vld.idx.msk [tilespmem:v34+s17+$0x0], $0xffff;
	v3 =	vor.u32 v3, v33  }
0x227: {  	v36 =	vshll.u32 v62, $0x7;
	v11 =	vand.u32 $0x28, v38;
	v6 =	vor.u32 v6, v39  }
0x228: {  	[tilespmem:v9+s28+$0x0] =	vst.idx.msk $0xffff, v12;
	v9 =	vshll.u32 v38, $0x7;
	v12 =	vor.u32 v15, v35;
	v15 =	vand.u32 $0x28, v62  }
0x229: {  	v38 =	vor.u32 v18, v59;
	v0 =	vor.u32 v0, v33;
	v14 =	vld.idx.msk [tilespmem:v14+s17+$0x0], $0xffff;
	[tilespmem:v58+s28+$0x0] =	vst.idx.msk $0xffff, v61  }
0x22a: {  	v18 =	vld [tilespmem:$0x1FFD0];
	v11 =	vor.u32 v11, v35;
	v9 =	vand.u32 $0x1400, v9;
	[tilespmem:v1+s28+$0x0] =	vst.idx.msk $0xffff, v5;
	v1 =	vshll.u32 v2, $0x7  }
0x22b: {  	v34 =	vor.u32 s12, v17;
	v58 =	vld.idx.msk [tilespmem:v60+s17+$0x0], $0xffff;
	[tilespmem:v3+s28+$0x0] =	vst.idx.msk $0xffff, v8;
	v3 =	vshll.u32 v63, $0x7;
	v1 =	vand.u32 $0x1C00, v1  }
0x22c: {  	v2 =	vor.u32 s10, v30;
	v5 =	vld.idx.msk [tilespmem:v6+s17+$0x0], $0xffff;
	v3 =	vand.u32 $0x1C00, v3;
	v1 =	vor.u32 v1, v37  }
0x22d: {  	v60 =	vor.u32 s11, v10;
	v6 =	vand.u32 $0x38, v2;
	v8 =	vld.idx.msk [tilespmem:v12+s17+$0x0], $0xffff;
	v3 =	vor.u32 v3, v34  }
0x22e: {  	v39 =	vor.u32 s2, v13;
	v12 =	vand.u32 $0x38, v60;
	v6 =	vor.u32 v6, v40  }
0x22f: {  	v62 =	vshll.u32 v39, $0x7;
	[tilespmem:v0+s28+$0x0] =	vst.idx.msk $0xffff, v14;
	v0 =	vor.u32 v9, v34;
	v12 =	vor.u32 v12, v38  }
0x230: {  	v9 =	vand.u32 $0x1400, v36;
	v14 =	vor.u32 v15, v38;
	v15 =	vand.u32 $0x28, v39;
	v11 =	vld.idx.msk [tilespmem:v11+s17+$0x0], $0xffff;
	[tilespmem:v56+s28+$0x0] =	vst.idx.msk $0xffff, v58  }
0x231: {  	v36 =	vor.u32 s12, v20;
	v39 =	vor.u32 v18, v59;
	v18 =	vld [tilespmem:$0x1FFE0];
	[tilespmem:v1+s28+$0x0] =	vst.idx.msk $0xffff, v5;
	v1 =	vshll.u32 v2, $0x7  }
0x232: {  	v56 =	vand.u32 $0x1400, v62;
	v61 =	vld.idx.msk [tilespmem:v57+s17+$0x0], $0xffff;
	[tilespmem:v3+s28+$0x0] =	vst.idx.msk $0xffff, v8;
	v3 =	vshll.u32 v60, $0x7;
	v1 =	vand.u32 $0x1C00, v1  }
0x233: {  	v2 =	vor.u32 s10, v31;
	v5 =	vld.idx.msk [tilespmem:v6+s17+$0x0], $0xffff;
	v3 =	vand.u32 $0x1C00, v3;
	v1 =	vor.u32 v1, v41  }
0x234: {  	v62 =	vor.u32 s11, v13;
	v6 =	vand.u32 $0x38, v2;
	v8 =	vld.idx.msk [tilespmem:v12+s17+$0x0], $0xffff;
	v3 =	vor.u32 v3, v36  }
0x235: {  	v12 =	vand.u32 $0x38, v62;
	v6 =	vor.u32 v6, v42  }
0x236: {  	v63 =	vor.u32 s2, v16;
	v40 =	vor.u32 v18, v59;
	[tilespmem:v0+s28+$0x0] =	vst.idx.msk $0xffff, v11;
	v11 =	vor.u32 v12, v39  }
0x237: {  	v37 =	vor.u32 s12, v21;
	v0 =	vor.u32 v9, v36;
	v9 =	vand.u32 $0x28, v63;
	v12 =	vld.idx.msk [tilespmem:v14+s17+$0x0], $0xffff;
	[tilespmem:v54+s28+$0x0] =	vst.idx.msk $0xffff, v61  }
0x238: {  	v9 =	vor.u32 v9, v40;
	v60 =	vor.u32 s11, v16;
	[tilespmem:v1+s28+$0x0] =	vst.idx.msk $0xffff, v5;
	v1 =	vshll.u32 v2, $0x7  }
0x239: {  	v14 =	vor.u32 v15, v39;
	v58 =	vld.idx.msk [tilespmem:v51+s17+$0x0], $0xffff;
	[tilespmem:v3+s28+$0x0] =	vst.idx.msk $0xffff, v8;
	v3 =	vshll.u32 v62, $0x7;
	v1 =	vand.u32 $0x1C00, v1  }
0x23a: {  	v15 =	vshll.u32 v63, $0x7;
	v5 =	vld.idx.msk [tilespmem:v6+s17+$0x0], $0xffff;
	v3 =	vand.u32 $0x1C00, v3;
	v1 =	vor.u32 v1, v43  }
0x23b: {  	v63 =	vor.u32 s2, v19;
	v2 =	vor.u32 s10, v32;
	v8 =	vld.idx.msk [tilespmem:v11+s17+$0x0], $0xffff;
	v3 =	vor.u32 v3, v37  }
0x23c: {  	v61 =	vor.u32 s2, v22;
	v15 =	vand.u32 $0x1400, v15;
	v6 =	vand.u32 $0x38, v2  }
0x23d: {  	v54 =	vand.u32 $0x28, v63;
	[tilespmem:v0+s28+$0x0] =	vst.idx.msk $0xffff, v12;
	v11 =	vand.u32 $0x38, v60;
	v6 =	vor.u32 v6, v44  }
0x23e: {  	v0 =	vor.u32 v56, v37;
	v14 =	vld.idx.msk [tilespmem:v14+s17+$0x0], $0xffff;
	[tilespmem:v48+s28+$0x0] =	vst.idx.msk $0xffff, v58;
	v11 =	vor.u32 v11, v40  }
0x23f: {  	v41 =	vshll.u32 v61, $0x7;
	v12 =	vshll.u32 v63, $0x7;
	v62 =	vor.u32 s2, v24;
	[tilespmem:v1+s28+$0x0] =	vst.idx.msk $0xffff, v5  }
0x240: {  	v12 =	vand.u32 $0x1400, v12;
	v48 =	vand.u32 $0x28, v61;
	v1 =	vshll.u32 v2, $0x7;
	[tilespmem:v3+s28+$0x0] =	vst.idx.msk $0xffff, v8;
	v8 =	vld [tilespmem:$0x1FFF0]  }
0x241: {  	v44 =	vld.idx.msk [tilespmem:v49+s17+$0x0], $0xffff;
	v49 =	vand.u32 $0x1400, v41;
	v2 =	vshll.u32 v60, $0x7;
	v1 =	vand.u32 $0x1C00, v1  }
0x242: {  	v41 =	vor.u32 s12, v23;
	v2 =	vand.u32 $0x1C00, v2;
	v3 =	vld.idx.msk [tilespmem:v6+s17+$0x0], $0xffff;
	v1 =	vor.u32 v1, v45  }
0x243: {  	s10 =	smov.u32 s11;
	v63 =	vand.u32 $0x28, v62;
	[tilespmem:v0+s28+$0x0] =	vst.idx.msk $0xffff, v14;
	v0 =	vshll.u32 v62, $0x7;
	v5 =	vld.idx.msk [tilespmem:v11+s17+$0x0], $0xffff;
	v2 =	vor.u32 v2, v41  }
0x244: {  	v0 =	vand.u32 $0x1400, v0;
	v6 =	vor.u32 s10, v19;
	v11 =	vor.u32 v15, v41  }
0x245: {  	v9 =	vld.idx.msk [tilespmem:v9+s17+$0x0], $0xffff;
	v15 =	vor.u32 v63, v52;
	v42 =	vor.u32 v8, v59;
	v8 =	vand.u32 $0x38, v6  }
0x246: {  	[tilespmem:v47+s28+$0x0] =	vst.idx.msk $0xffff, v44;
	v62 =	vor.u32 v0, v50;
	v0 =	vor.u32 s2, v26;
	v8 =	vor.u32 v8, v42  }
0x247: {  	v43 =	vor.u32 s12, v25;
	v46 =	vld.idx.msk [tilespmem:v46+s17+$0x0], $0xffff;
	v56 =	vand.u32 $0x28, v0;
	v14 =	vor.u32 v54, v42;
	[tilespmem:v1+s28+$0x0] =	vst.idx.msk $0xffff, v3  }
0x248: {  	v57 =	vshll.u32 v0, $0x7;
	v54 =	vor.u32 s2, v27;
	[tilespmem:v2+s28+$0x0] =	vst.idx.msk $0xffff, v5;
	v2 =	vshll.u32 v6, $0x7;
	v6 =	vld [tilespmem:$0x1FFB0]  }
0x249: {  	v0 =	vor.u32 v56, v53;
	v1 =	vand.u32 $0x1400, v57;
	v58 =	vand.u32 $0x28, v54  }
0x24a: {  	[tilespmem:v11+s28+$0x0] =	vst.idx.msk $0xffff, v9;
	v5 =	vor.u32 s10, v22;
	v9 =	vshll.u32 v54, $0x7;
	v63 =	vor.u32 v1, v33  }
0x24b: {  	v2 =	vand.u32 $0x1C00, v2;
	v61 =	vor.u32 v58, v35;
	v1 =	vand.u32 $0x1400, v9;
	v3 =	vld.idx.msk [tilespmem:v8+s17+$0x0], $0xffff  }
0x24c: {  	v9 =	vor.u32 s2, v28;
	v2 =	vor.u32 v2, v43;
	v58 =	vor.u32 v1, v34;
	v11 =	vld.idx.msk [tilespmem:v14+s17+$0x0], $0xffff  }
0x24d: {  	v1 =	vand.u32 $0x28, v9;
	[tilespmem:v55+s28+$0x0] =	vst.idx.msk $0xffff, v46;
	v55 =	vld [tilespmem:$0x1FFA0];
	v44 =	vor.u32 v6, v59;
	v6 =	vand.u32 $0x38, v5  }
0x24e: {  	v9 =	vshll.u32 v9, $0x7;
	v60 =	vor.u32 v1, v38;
	v6 =	vor.u32 v6, v44  }
0x24f: {  	v1 =	vand.u32 $0x1400, v9;
	v8 =	vor.u32 v12, v43;
	v14 =	vor.u32 s2, v29  }
0x250: {  	v56 =	vor.u32 v1, v36;
	v1 =	vand.u32 $0x28, v14;
	v12 =	vor.u32 v48, v44  }
0x251: {  	v57 =	vor.u32 v1, v39;
	[tilespmem:v2+s28+$0x0] =	vst.idx.msk $0xffff, v3;
	v2 =	vshll.u32 v5, $0x7  }
0x252: {  	v1 =	vshll.u32 v14, $0x7;
	v45 =	vor.u32 s12, v55;
	v2 =	vand.u32 $0x1C00, v2  }
0x253: {  	v1 =	vand.u32 $0x1400, v1;
	v5 =	vor.u32 s10, v24;
	v3 =	vld.idx.msk [tilespmem:v6+s17+$0x0], $0xffff;
	v2 =	vor.u32 v2, v45  }
0x254: {  	[tilespmem:v8+s28+$0x0] =	vst.idx.msk $0xffff, v11;
	v11 =	vor.u32 s2, v30;
	v9 =	vand.u32 $0x38, v5;
	v6 =	vor.u32 v49, v45  }
0x255: {  	v8 =	vor.u32 v9, v52;
	v9 =	vld.idx.msk [tilespmem:v12+s17+$0x0], $0xffff;
	v12 =	vand.u32 $0x28, v11;
	v11 =	vshll.u32 v11, $0x7  }
0x256: {  	s13 =	sadd.s32 $0x2, s13;
	v54 =	vor.u32 v1, v37;
	v52 =	vor.u32 s10, v26;
	v1 =	vand.u32 $0x1400, v11  }
0x257: {  	p2 =	slt.u32 s13, $0x1E;
	v51 =	vor.u32 v12, v40;
	v11 =	vor.u32 s2, v31;
	v48 =	vor.u32 v1, v41  }
.Ltmp2:
0x258: {  	v1 =	vshll.u32 v5, $0x7;
	v5 =	vshll.u32 v11, $0x7;
	[tilespmem:v2+s28+$0x0] =	vst.idx.msk $0xffff, v3;
	v3 =	vand.u32 $0x28, v11;
	(pc) =	sbr.rel @p2 .LBB2_7-.Ltmp2, $4  }
0x259: {  	v1 =	vand.u32 $0x1C00, v1;
	v49 =	vor.u32 v3, v42;
	v3 =	vand.u32 $0x38, v52  }
0x25a: {  	v1 =	vor.u32 v1, v50;
	[tilespmem:v6+s28+$0x0] =	vst.idx.msk $0xffff, v9;
	v6 =	vor.u32 s2, v32;
	v59 =	vor.u32 v3, v53  }
0x25b: {  	v2 =	vld.idx.msk [tilespmem:v8+s17+$0x0], $0xffff;
	v3 =	vand.u32 $0x1400, v5;
	v5 =	vand.u32 $0x28, v6;
	v6 =	vshll.u32 v6, $0x7  }
0x25c: {  	s31 =	sadd.s32 $0x20, s31;
	s0 =	sadd.s32 $0x8, s0;
	v53 =	vld.idx.msk [tilespmem:v15+s17+$0x0], $0xffff;
	v47 =	vor.u32 v3, v43;
	v46 =	vor.u32 v5, v44;
	v50 =	vand.u32 $0x1400, v6  }
0x25d: {  	_ =	sdelay $0x2  }
0x25e: {  	v3 =	vshll.u32 v52, $0x7  }
0x25f: {  	[tilespmem:v1+s28+$0x0] =	vst.idx.msk $0xffff, v2;
	v1 =	vor.u32 s10, v27;
	v2 =	vand.u32 $0x1C00, v3  }
0x260: {  	v3 =	vld.idx.msk [tilespmem:v59+s17+$0x0], $0xffff;
	v2 =	vor.u32 v2, v33;
	v5 =	vand.u32 $0x38, v1;
	[tilespmem:v62+s28+$0x0] =	vst.idx.msk $0xffff, v53  }
0x261: {  	v5 =	vor.u32 v5, v35;
	v0 =	vld.idx.msk [tilespmem:v0+s17+$0x0], $0xffff;
	_ =	sdelay $0x2  }
0x262: {  	v1 =	vshll.u32 v1, $0x7  }
0x263: {  	v1 =	vand.u32 $0x1C00, v1;
	[tilespmem:v2+s28+$0x0] =	vst.idx.msk $0xffff, v3;
	v2 =	vor.u32 s10, v28  }
0x264: {  	v1 =	vor.u32 v1, v34;
	v3 =	vld.idx.msk [tilespmem:v5+s17+$0x0], $0xffff;
	v5 =	vand.u32 $0x38, v2;
	[tilespmem:v63+s28+$0x0] =	vst.idx.msk $0xffff, v0  }
0x265: {  	v0 =	vor.u32 v5, v38;
	v5 =	vld.idx.msk [tilespmem:v61+s17+$0x0], $0xffff;
	_ =	sdelay $0x2  }
0x266: {  	v2 =	vshll.u32 v2, $0x7  }
0x267: {  	v2 =	vand.u32 $0x1C00, v2;
	[tilespmem:v1+s28+$0x0] =	vst.idx.msk $0xffff, v3;
	v1 =	vor.u32 s10, v29  }
0x268: {  	v2 =	vor.u32 v2, v36;
	v0 =	vld.idx.msk [tilespmem:v0+s17+$0x0], $0xffff;
	v3 =	vand.u32 $0x38, v1;
	[tilespmem:v58+s28+$0x0] =	vst.idx.msk $0xffff, v5  }
0x269: {  	v3 =	vor.u32 v3, v39;
	v5 =	vld.idx.msk [tilespmem:v60+s17+$0x0], $0xffff;
	_ =	sdelay $0x2  }
0x26a: {  	v1 =	vshll.u32 v1, $0x7  }
0x26b: {  	v1 =	vand.u32 $0x1C00, v1;
	[tilespmem:v2+s28+$0x0] =	vst.idx.msk $0xffff, v0;
	v0 =	vor.u32 s10, v30  }
0x26c: {  	v1 =	vor.u32 v1, v37;
	v2 =	vld.idx.msk [tilespmem:v3+s17+$0x0], $0xffff;
	v3 =	vand.u32 $0x38, v0;
	[tilespmem:v56+s28+$0x0] =	vst.idx.msk $0xffff, v5  }
0x26d: {  	v3 =	vor.u32 v3, v40;
	v5 =	vld.idx.msk [tilespmem:v57+s17+$0x0], $0xffff;
	_ =	sdelay $0x2  }
0x26e: {  	v0 =	vshll.u32 v0, $0x7  }
0x26f: {  	v0 =	vand.u32 $0x1C00, v0;
	[tilespmem:v1+s28+$0x0] =	vst.idx.msk $0xffff, v2;
	v1 =	vor.u32 s10, v31  }
0x270: {  	v0 =	vor.u32 v0, v41;
	v2 =	vld.idx.msk [tilespmem:v3+s17+$0x0], $0xffff;
	v3 =	vand.u32 $0x38, v1;
	[tilespmem:v54+s28+$0x0] =	vst.idx.msk $0xffff, v5  }
0x271: {  	v3 =	vor.u32 v3, v42;
	v5 =	vld.idx.msk [tilespmem:v51+s17+$0x0], $0xffff;
	_ =	sdelay $0x2  }
0x272: {  	v1 =	vshll.u32 v1, $0x7  }
0x273: {  	v1 =	vand.u32 $0x1C00, v1;
	[tilespmem:v0+s28+$0x0] =	vst.idx.msk $0xffff, v2;
	v0 =	vor.u32 s10, v32  }
0x274: {  	v1 =	vor.u32 v1, v43;
	v2 =	vld.idx.msk [tilespmem:v3+s17+$0x0], $0xffff;
	v3 =	vand.u32 $0x38, v0;
	[tilespmem:v48+s28+$0x0] =	vst.idx.msk $0xffff, v5  }
0x275: {  	v3 =	vor.u32 v3, v44;
	v5 =	vld.idx.msk [tilespmem:v49+s17+$0x0], $0xffff;
	_ =	sdelay $0x2  }
0x276: {  	v0 =	vshll.u32 v0, $0x7  }
0x277: {  	v0 =	vand.u32 $0x1C00, v0;
	[tilespmem:v1+s28+$0x0] =	vst.idx.msk $0xffff, v2  }
0x278: {  	v0 =	vor.u32 v0, v45;
	v1 =	vld.idx.msk [tilespmem:v3+s17+$0x0], $0xffff;
	[tilespmem:v47+s28+$0x0] =	vst.idx.msk $0xffff, v5  }
0x279: {  	v2 =	vor.u32 v50, v45;
	v3 =	vld.idx.msk [tilespmem:v46+s17+$0x0], $0xffff;
	_ =	sdelay $0x3  }
0x27a: {  	[tilespmem:v0+s28+$0x0] =	vst.idx.msk $0xffff, v1  }
0x27b: {  	s0 =	sadd.s32 @!p1 $0x300, s3;
	[tilespmem:v2+s28+$0x0] =	vst.idx.msk $0xffff, v3  }
0x27c: {  	s2 =	simm.s32 @!p1 $0x80;
	s12 =	simm.s32 $0x0;
	s10 =	simm.s32 @!p1 $0xA400;
	v2 =	vld [tilespmem:$0x1FF40]  }
0x27d: {  	[tilespmem:s10], [sflag:$0x3] =	stream.indirect.gather @!p1 [hbm4b:s4+s2], $0x40, s0, s2, $0xb8;
	[tilespmem:$0x16400] =	vst v63  }
0x27e: {  	s11 =	sadd.s32 s5, s8;
	s13 =	sand.u32 $0x70, s12  }
0x27f: {  	v0 =	vmov s13;
	[hbm4b:s11+s22] =	stream.strided.scatter [tilespmem:s28], [sflag:$0x7], $0x2000, s23, s22, $0x38;
	[tilespmem:$0x16400] =	vst v63  }
0x280: {  	v0 =	vshll.u32 v0, $0x6;
	_ =	swait.ge [sflag:s29], $0x2000  }
0x281: {  	v44 =	vor.u32 v2, v0;
	v0 =	vld [tilespmem:$0x1FF50];
	_ =	sdelay $0x1  }
0x282: {  	s0 =	sand.u32 $0x20, s12;
	[sflag:s29] =	ssyncset.done $0x0  }
0x283: {  	v3 =	vlaneseq.u32;
	s10 =	sor.u32 $0x10, s0;
	s11 =	simm.s32 @!p0 $0x8;
	[sflag:s29] =	ssyncadd.s32 $0xFFFFE000  }
0x284: {  	v1 =	vor.u32 s10, v3;
	_ =	swait.ge @!p0 [sflag:s11], $0x2000  }
0x285: {  	v2 =	vor.u32 s0, v3;
	v8 =	vld [tilespmem:$0x1FF60];
	v48 =	vor.u32 v0, v44;
	v0 =	vand.u32 $0x38, v1  }
0x286: {  	v3 =	vand.u32 $0x28, v2;
	v11 =	vld [tilespmem:$0x1FF70];
	v0 =	vor.u32 v0, v48  }
0x287: {  	v3 =	vor.u32 v3, v48  }
0x288: {  	v2 =	vshll.u32 v2, $0x7  }
0x289: {  	v5 =	vor.u32 s0, v4;
	v2 =	vand.u32 $0x1400, v2;
	[sflag:s11] =	ssyncset.done @!p0 $0x0;
	v1 =	vshll.u32 v1, $0x7  }
0x28a: {  	v14 =	vld [tilespmem:$0x1FF80];
	[sflag:s11] =	ssyncadd.s32 @!p0 $0xFFFFE000;
	v1 =	vand.u32 $0x1C00, v1;
	v46 =	vor.u32 s13, v8;
	v8 =	vor.u32 s10, v4  }
0x28b: {  	v47 =	vor.u32 v11, v44;
	v9 =	vand.u32 $0x38, v8;
	v1 =	vor.u32 v1, v46;
	v0 =	vld.idx.msk [tilespmem:v0+s19+$0x0], $0xffff  }
0x28c: {  	v6 =	vand.u32 $0x28, v5;
	v2 =	vor.u32 v2, v46;
	v9 =	vor.u32 v9, v47;
	v3 =	vld.idx.msk [tilespmem:v3+s19+$0x0], $0xffff  }
0x28d: {  	v18 =	vld [tilespmem:$0x1FF90];
	v6 =	vor.u32 v6, v47;
	_ =	sdelay $0x1  }
0x28e: {  	v34 =	vor.u32 s13, v17;
	v5 =	vshll.u32 v5, $0x7  }
0x28f: {  	v15 =	vor.u32 s10, v7;
	v5 =	vand.u32 $0x1400, v5;
	v8 =	vshll.u32 v8, $0x7;
	[tilespmem:v1+s30+$0x0] =	vst.idx.msk $0xffff, v0  }
0x290: {  	v52 =	vand.u32 $0x38, v15;
	v33 =	vor.u32 s13, v14;
	v8 =	vand.u32 $0x1C00, v8;
	[tilespmem:v2+s30+$0x0] =	vst.idx.msk $0xffff, v3;
	v9 =	vld.idx.msk [tilespmem:v9+s19+$0x0], $0xffff  }
0x291: {  	v11 =	vor.u32 s0, v7;
	v35 =	vor.u32 v18, v44;
	v8 =	vor.u32 v8, v33;
	v6 =	vld.idx.msk [tilespmem:v6+s19+$0x0], $0xffff  }
0x292: {  	v14 =	vand.u32 $0x28, v11;
	v0 =	vor.u32 v5, v33;
	v5 =	vor.u32 v52, v35;
	v18 =	vld [tilespmem:$0x1FFC0]  }
0x293: {  	v36 =	vor.u32 s13, v20;
	v12 =	vor.u32 s0, v10;
	v2 =	vor.u32 v14, v35  }
0x294: {  	v37 =	vor.u32 s13, v21;
	v1 =	vshll.u32 v11, $0x7;
	v3 =	vand.u32 $0x28, v12  }
0x295: {  	v11 =	vshll.u32 v12, $0x7;
	v12 =	vshll.u32 v15, $0x7;
	v15 =	vor.u32 s10, v10  }
0x296: {  	v1 =	vand.u32 $0x1400, v1;
	v12 =	vand.u32 $0x1C00, v12;
	v53 =	vand.u32 $0x38, v15;
	[tilespmem:v8+s30+$0x0] =	vst.idx.msk $0xffff, v9  }
0x297: {  	v12 =	vor.u32 v12, v34;
	v38 =	vor.u32 v18, v44;
	[tilespmem:v0+s30+$0x0] =	vst.idx.msk $0xffff, v6;
	v5 =	vld.idx.msk [tilespmem:v5+s19+$0x0], $0xffff  }
0x298: {  	v57 =	vor.u32 s0, v19;
	v1 =	vor.u32 v1, v34;
	v54 =	vor.u32 v53, v38;
	v2 =	vld.idx.msk [tilespmem:v2+s19+$0x0], $0xffff  }
0x299: {  	v43 =	vor.u32 s13, v25;
	v42 =	vshll.u32 v57, $0x7;
	v3 =	vor.u32 v3, v38;
	v18 =	vld [tilespmem:$0x1FFD0]  }
0x29a: {  	v45 =	vor.u32 s13, v55;
	v59 =	vand.u32 $0x1400, v42;
	v52 =	vor.u32 s0, v22  }
0x29b: {  	v14 =	vor.u32 s0, v13;
	v11 =	vand.u32 $0x1400, v11;
	v49 =	vand.u32 $0x28, v52  }
0x29c: {  	v41 =	vshll.u32 v52, $0x7;
	v8 =	vand.u32 $0x28, v14;
	v6 =	vshll.u32 v15, $0x7;
	[tilespmem:v12+s30+$0x0] =	vst.idx.msk $0xffff, v5  }
0x29d: {  	v9 =	vshll.u32 v14, $0x7;
	v14 =	vor.u32 s10, v13;
	v6 =	vand.u32 $0x1C00, v6;
	[tilespmem:v1+s30+$0x0] =	vst.idx.msk $0xffff, v2;
	v12 =	vld.idx.msk [tilespmem:v54+s19+$0x0], $0xffff  }
0x29e: {  	v15 =	vand.u32 $0x38, v14;
	v6 =	vor.u32 v6, v36;
	v39 =	vor.u32 v18, v44;
	v3 =	vld.idx.msk [tilespmem:v3+s19+$0x0], $0xffff  }
0x29f: {  	v52 =	vor.u32 s10, v26;
	v11 =	vor.u32 v11, v36;
	v15 =	vor.u32 v15, v39;
	v18 =	vld [tilespmem:$0x1FFE0]  }
0x2a0: {  	v0 =	vand.u32 $0x1400, v9;
	v9 =	vor.u32 s0, v16;
	v8 =	vor.u32 v8, v39  }
0x2a1: {  	v53 =	vor.u32 s0, v24;
	v56 =	vand.u32 $0x28, v9;
	v9 =	vshll.u32 v9, $0x7  }
0x2a2: {  	v5 =	vand.u32 $0x1400, v9;
	v9 =	vshll.u32 v14, $0x7;
	v2 =	vor.u32 s10, v16  }
0x2a3: {  	v50 =	vshll.u32 v53, $0x7;
	v9 =	vand.u32 $0x1C00, v9;
	v14 =	vand.u32 $0x38, v2;
	[tilespmem:v6+s30+$0x0] =	vst.idx.msk $0xffff, v12  }
0x2a4: {  	v9 =	vor.u32 v9, v37;
	v40 =	vor.u32 v18, v44;
	[tilespmem:v11+s30+$0x0] =	vst.idx.msk $0xffff, v3;
	v15 =	vld.idx.msk [tilespmem:v15+s19+$0x0], $0xffff  }
0x2a5: {  	v0 =	vor.u32 v0, v37;
	v50 =	vand.u32 $0x1400, v50;
	v14 =	vor.u32 v14, v40;
	v8 =	vld.idx.msk [tilespmem:v8+s19+$0x0], $0xffff  }
0x2a6: {  	v1 =	vand.u32 $0x28, v57;
	v2 =	vshll.u32 v2, $0x7;
	v58 =	vor.u32 v56, v40  }
0x2a7: {  	v54 =	vor.u32 s0, v26;
	v2 =	vand.u32 $0x1C00, v2;
	v6 =	vand.u32 $0x1400, v41;
	v11 =	vld [tilespmem:$0x1FFF0]  }
0x2a8: {  	v12 =	vand.u32 $0x28, v53;
	v41 =	vor.u32 s13, v23;
	v53 =	vor.u32 v59, v43  }
0x2a9: {  	v3 =	vor.u32 s10, v19;
	v2 =	vor.u32 v2, v41;
	v5 =	vor.u32 v5, v41;
	[tilespmem:v9+s30+$0x0] =	vst.idx.msk $0xffff, v15  }
0x2aa: {  	v12 =	vor.u32 v12, v48;
	v56 =	vor.u32 s0, v27;
	v9 =	vand.u32 $0x28, v54;
	[tilespmem:v0+s30+$0x0] =	vst.idx.msk $0xffff, v8;
	v14 =	vld.idx.msk [tilespmem:v14+s19+$0x0], $0xffff  }
0x2ab: {  	v6 =	vor.u32 v6, v45;
	v57 =	vand.u32 $0x28, v56;
	v0 =	vor.u32 v9, v47;
	v9 =	vld.idx.msk [tilespmem:v58+s19+$0x0], $0xffff  }
0x2ac: {  	v59 =	vshll.u32 v56, $0x7;
	v42 =	vor.u32 v11, v44;
	v11 =	vand.u32 $0x38, v3;
	v18 =	vld [tilespmem:$0x1FFB0]  }
0x2ad: {  	v61 =	vor.u32 v57, v35;
	v3 =	vshll.u32 v3, $0x7;
	v11 =	vor.u32 v11, v42  }
0x2ae: {  	v15 =	vshll.u32 v54, $0x7;
	v1 =	vor.u32 v1, v42;
	v3 =	vand.u32 $0x1C00, v3  }
0x2af: {  	v8 =	vand.u32 $0x1400, v15;
	v15 =	vor.u32 s10, v22;
	v3 =	vor.u32 v3, v43  }
0x2b0: {  	v58 =	vand.u32 $0x38, v15;
	v63 =	vor.u32 v8, v33;
	v8 =	vor.u32 s0, v28;
	[tilespmem:v2+s30+$0x0] =	vst.idx.msk $0xffff, v14  }
0x2b1: {  	v44 =	vor.u32 v18, v44;
	v2 =	vand.u32 $0x1400, v59;
	v14 =	vor.u32 s0, v29;
	[tilespmem:v5+s30+$0x0] =	vst.idx.msk $0xffff, v9  }
0x2b2: {  	v5 =	vshll.u32 v8, $0x7;
	v51 =	vor.u32 v58, v44;
	v49 =	vor.u32 v49, v44;
	v11 =	vld.idx.msk [tilespmem:v11+s19+$0x0], $0xffff  }
0x2b3: {  	v58 =	vor.u32 v2, v34;
	v2 =	vand.u32 $0x28, v8;
	v1 =	vld.idx.msk [tilespmem:v1+s19+$0x0], $0xffff;
	v8 =	vor.u32 s10, v24  }
0x2b4: {  	v60 =	vor.u32 v2, v38;
	v2 =	vand.u32 $0x1400, v5;
	v5 =	vshll.u32 v15, $0x7  }
0x2b5: {  	v9 =	vand.u32 $0x38, v8;
	v5 =	vand.u32 $0x1C00, v5;
	v56 =	vor.u32 v2, v36  }
0x2b6: {  	v2 =	vand.u32 $0x28, v14;
	v9 =	vor.u32 v9, v48;
	v5 =	vor.u32 v5, v45  }
0x2b7: {  	v57 =	vor.u32 v2, v39;
	v2 =	vshll.u32 v14, $0x7;
	[tilespmem:v3+s30+$0x0] =	vst.idx.msk $0xffff, v11;
	v3 =	vor.u32 s0, v30  }
0x2b8: {  	[tilespmem:v53+s30+$0x0] =	vst.idx.msk $0xffff, v1;
	v1 =	vand.u32 $0x1400, v2;
	v11 =	vld.idx.msk [tilespmem:v51+s19+$0x0], $0xffff;
	v2 =	vand.u32 $0x28, v3;
	v3 =	vshll.u32 v3, $0x7  }
0x2b9: {  	v14 =	vld.idx.msk [tilespmem:v49+s19+$0x0], $0xffff;
	v54 =	vor.u32 v1, v37;
	v51 =	vor.u32 v2, v40;
	v1 =	vand.u32 $0x1400, v3  }
0x2ba: {  	v2 =	vor.u32 s0, v31;
	v48 =	vor.u32 v1, v41;
	v1 =	vshll.u32 v8, $0x7  }
0x2bb: {  	v62 =	vor.u32 v50, v46;
	v3 =	vand.u32 $0x28, v2;
	v1 =	vand.u32 $0x1C00, v1  }
0x2bc: {  	v49 =	vor.u32 v3, v42;
	v3 =	vand.u32 $0x38, v52;
	v1 =	vor.u32 v1, v46  }
0x2bd: {  	v59 =	vor.u32 v3, v47;
	v3 =	vor.u32 s0, v32;
	[tilespmem:v5+s30+$0x0] =	vst.idx.msk $0xffff, v11;
	v5 =	vshll.u32 v2, $0x7  }
0x2be: {  	[tilespmem:v6+s30+$0x0] =	vst.idx.msk $0xffff, v14;
	v6 =	vand.u32 $0x28, v3;
	v3 =	vshll.u32 v3, $0x7;
	v2 =	vld.idx.msk [tilespmem:v9+s19+$0x0], $0xffff;
	v5 =	vand.u32 $0x1400, v5  }
0x2bf: {  	s31 =	simm.s32 $0x20;
	s13 =	simm.s32 $0x0;
	v18 =	vmovc v55;
	s0 =	simm.s32 $0x8;
	v53 =	vld.idx.msk [tilespmem:v12+s19+$0x0], $0xffff;
	v46 =	vor.u32 v6, v44;
	v50 =	vand.u32 $0x1400, v3;
	v47 =	vor.u32 v5, v43  }
.LBB2_9:
0x2c0: {  	v8 =	vld [tilespmem:$0x1FF40];
	_ =	sdelay $0x1  }
0x2c1: {  	s12 =	sand.u32 $0x70, s0  }
0x2c2: {  	v3 =	vmov s12;
	[tilespmem:v1+s30+$0x0] =	vst.idx.msk $0xffff, v2  }
0x2c3: {  	v3 =	vshll.u32 v3, $0x6;
	v1 =	vshll.u32 v52, $0x7;
	v6 =	vld.idx.msk [tilespmem:v59+s19+$0x0], $0xffff  }
0x2c4: {  	v1 =	vand.u32 $0x1C00, v1;
	v59 =	vor.u32 v8, v3;
	v8 =	vld [tilespmem:$0x1FF50]  }
0x2c5: {  	v2 =	vor.u32 s10, v27;
	v1 =	vor.u32 v1, v33  }
0x2c6: {  	s2 =	sand.u32 $0x20, s31;
	v3 =	vand.u32 $0x38, v2  }
0x2c7: {  	v9 =	vlaneseq.u32;
	s11 =	sor.u32 $0x10, s2;
	v3 =	vor.u32 v3, v35  }
0x2c8: {  	v5 =	vor.u32 s11, v9  }
0x2c9: {  	v15 =	vld [tilespmem:$0x1FF60];
	v9 =	vor.u32 s2, v9;
	[tilespmem:v62+s30+$0x0] =	vst.idx.msk $0xffff, v53;
	v52 =	vor.u32 v8, v59;
	v8 =	vand.u32 $0x38, v5  }
0x2ca: {  	v12 =	vand.u32 $0x28, v9;
	v62 =	vld [tilespmem:$0x1FF70];
	v8 =	vor.u32 v8, v52;
	[tilespmem:v1+s30+$0x0] =	vst.idx.msk $0xffff, v6;
	v1 =	vshll.u32 v2, $0x7  }
0x2cb: {  	v0 =	vld.idx.msk [tilespmem:v0+s19+$0x0], $0xffff;
	v12 =	vor.u32 v12, v52;
	v1 =	vand.u32 $0x1C00, v1  }
0x2cc: {  	v55 =	vor.u32 v50, v45;
	v11 =	vor.u32 s2, v4;
	v3 =	vld.idx.msk [tilespmem:v3+s19+$0x0], $0xffff;
	v1 =	vor.u32 v1, v34  }
0x2cd: {  	v14 =	vand.u32 $0x28, v11;
	v11 =	vshll.u32 v11, $0x7;
	v9 =	vshll.u32 v9, $0x7  }
0x2ce: {  	v50 =	vor.u32 s12, v15;
	v15 =	vor.u32 s11, v4;
	v5 =	vshll.u32 v5, $0x7  }
0x2cf: {  	v53 =	vor.u32 v62, v59;
	v2 =	vor.u32 s10, v28;
	v5 =	vand.u32 $0x1C00, v5;
	v8 =	vld.idx.msk [tilespmem:v8+s19+$0x0], $0xffff  }
0x2d0: {  	v33 =	vand.u32 $0x38, v15;
	v6 =	vand.u32 $0x38, v2;
	v5 =	vor.u32 v5, v50;
	v12 =	vld.idx.msk [tilespmem:v12+s19+$0x0], $0xffff;
	[tilespmem:v63+s30+$0x0] =	vst.idx.msk $0xffff, v0  }
0x2d1: {  	v6 =	vor.u32 v6, v38;
	v0 =	vand.u32 $0x1400, v11;
	v11 =	vld [tilespmem:$0x1FF80];
	[tilespmem:v1+s30+$0x0] =	vst.idx.msk $0xffff, v3;
	v1 =	vshll.u32 v2, $0x7  }
0x2d2: {  	v9 =	vand.u32 $0x1400, v9;
	v34 =	vor.u32 v33, v53;
	v1 =	vand.u32 $0x1C00, v1  }
0x2d3: {  	v9 =	vor.u32 v9, v50;
	v1 =	vor.u32 v1, v36;
	v36 =	vld [tilespmem:$0x1FF90]  }
0x2d4: {  	v62 =	vor.u32 s2, v10;
	v14 =	vor.u32 v14, v53  }
0x2d5: {  	v38 =	vor.u32 s2, v7;
	v63 =	vor.u32 s11, v7;
	v61 =	vld.idx.msk [tilespmem:v61+s19+$0x0], $0xffff;
	v3 =	vshll.u32 v15, $0x7;
	[tilespmem:v5+s30+$0x0] =	vst.idx.msk $0xffff, v8  }
0x2d6: {  	v2 =	vor.u32 s10, v29;
	v3 =	vand.u32 $0x1C00, v3;
	v33 =	vor.u32 s12, v11;
	v5 =	vld.idx.msk [tilespmem:v6+s19+$0x0], $0xffff  }
0x2d7: {  	v15 =	vand.u32 $0x38, v63;
	v6 =	vand.u32 $0x38, v2;
	v8 =	vld.idx.msk [tilespmem:v34+s19+$0x0], $0xffff;
	v3 =	vor.u32 v3, v33  }
0x2d8: {  	v11 =	vand.u32 $0x28, v38;
	[tilespmem:v9+s30+$0x0] =	vst.idx.msk $0xffff, v12;
	v6 =	vor.u32 v6, v39;
	v35 =	vor.u32 v36, v59  }
0x2d9: {  	v9 =	vshll.u32 v38, $0x7;
	v0 =	vor.u32 v0, v33;
	v14 =	vld.idx.msk [tilespmem:v14+s19+$0x0], $0xffff;
	v12 =	vor.u32 v15, v35  }
0x2da: {  	v9 =	vand.u32 $0x1400, v9;
	[tilespmem:v58+s30+$0x0] =	vst.idx.msk $0xffff, v61;
	v34 =	vor.u32 s12, v17;
	v61 =	vld [tilespmem:$0x1FFC0];
	v39 =	vor.u32 s2, v13  }
0x2db: {  	v58 =	vld.idx.msk [tilespmem:v60+s19+$0x0], $0xffff;
	v60 =	vor.u32 s11, v10;
	v11 =	vor.u32 v11, v35;
	[tilespmem:v1+s30+$0x0] =	vst.idx.msk $0xffff, v5;
	v1 =	vshll.u32 v2, $0x7  }
0x2dc: {  	v36 =	vshll.u32 v62, $0x7;
	[tilespmem:v3+s30+$0x0] =	vst.idx.msk $0xffff, v8;
	v3 =	vshll.u32 v63, $0x7;
	v1 =	vand.u32 $0x1C00, v1  }
0x2dd: {  	v2 =	vor.u32 s10, v30;
	v5 =	vld.idx.msk [tilespmem:v6+s19+$0x0], $0xffff;
	v3 =	vand.u32 $0x1C00, v3;
	v1 =	vor.u32 v1, v37  }
0x2de: {  	v15 =	vand.u32 $0x28, v62;
	v6 =	vand.u32 $0x38, v2;
	v3 =	vor.u32 v3, v34;
	v8 =	vld.idx.msk [tilespmem:v12+s19+$0x0], $0xffff  }
0x2df: {  	v38 =	vor.u32 v61, v59;
	[tilespmem:v0+s30+$0x0] =	vst.idx.msk $0xffff, v14;
	v6 =	vor.u32 v6, v40;
	v12 =	vand.u32 $0x38, v60  }
0x2e0: {  	v62 =	vshll.u32 v39, $0x7;
	v0 =	vor.u32 v9, v34;
	v11 =	vld.idx.msk [tilespmem:v11+s19+$0x0], $0xffff;
	v12 =	vor.u32 v12, v38  }
0x2e1: {  	v9 =	vand.u32 $0x1400, v36;
	v36 =	vor.u32 s12, v20;
	[tilespmem:v56+s30+$0x0] =	vst.idx.msk $0xffff, v58;
	v56 =	vand.u32 $0x1400, v62;
	v62 =	vld [tilespmem:$0x1FFD0]  }
0x2e2: {  	v61 =	vor.u32 s11, v13;
	v14 =	vor.u32 v15, v38;
	[tilespmem:v1+s30+$0x0] =	vst.idx.msk $0xffff, v5;
	v1 =	vshll.u32 v2, $0x7  }
0x2e3: {  	v15 =	vand.u32 $0x28, v39;
	v40 =	vld.idx.msk [tilespmem:v57+s19+$0x0], $0xffff;
	v1 =	vand.u32 $0x1C00, v1;
	[tilespmem:v3+s30+$0x0] =	vst.idx.msk $0xffff, v8;
	v3 =	vshll.u32 v60, $0x7  }
0x2e4: {  	v2 =	vor.u32 s10, v31;
	v1 =	vor.u32 v1, v41;
	v5 =	vld.idx.msk [tilespmem:v6+s19+$0x0], $0xffff;
	v3 =	vand.u32 $0x1C00, v3  }
0x2e5: {  	v63 =	vor.u32 s2, v16;
	v6 =	vand.u32 $0x38, v2;
	v8 =	vld.idx.msk [tilespmem:v12+s19+$0x0], $0xffff;
	v3 =	vor.u32 v3, v36  }
0x2e6: {  	v39 =	vor.u32 v62, v59;
	v12 =	vand.u32 $0x38, v61;
	v6 =	vor.u32 v6, v42  }
0x2e7: {  	v37 =	vor.u32 s12, v21;
	[tilespmem:v0+s30+$0x0] =	vst.idx.msk $0xffff, v11;
	v0 =	vor.u32 v9, v36;
	v60 =	vld [tilespmem:$0x1FFE0];
	v11 =	vor.u32 v12, v39  }
0x2e8: {  	v9 =	vand.u32 $0x28, v63;
	v62 =	vor.u32 s2, v24;
	v12 =	vld.idx.msk [tilespmem:v14+s19+$0x0], $0xffff;
	v14 =	vor.u32 v15, v39;
	[tilespmem:v54+s30+$0x0] =	vst.idx.msk $0xffff, v40  }
0x2e9: {  	v15 =	vshll.u32 v63, $0x7;
	v63 =	vor.u32 s2, v19;
	[tilespmem:v1+s30+$0x0] =	vst.idx.msk $0xffff, v5;
	v1 =	vshll.u32 v2, $0x7  }
0x2ea: {  	v15 =	vand.u32 $0x1400, v15;
	v58 =	vld.idx.msk [tilespmem:v51+s19+$0x0], $0xffff;
	[tilespmem:v3+s30+$0x0] =	vst.idx.msk $0xffff, v8;
	v3 =	vshll.u32 v61, $0x7;
	v1 =	vand.u32 $0x1C00, v1  }
0x2eb: {  	v2 =	vor.u32 s10, v32;
	v5 =	vld.idx.msk [tilespmem:v6+s19+$0x0], $0xffff;
	v3 =	vand.u32 $0x1C00, v3;
	v1 =	vor.u32 v1, v43  }
0x2ec: {  	v51 =	vor.u32 s11, v16;
	v6 =	vand.u32 $0x38, v2;
	v8 =	vld.idx.msk [tilespmem:v11+s19+$0x0], $0xffff;
	v3 =	vor.u32 v3, v37  }
0x2ed: {  	v40 =	vor.u32 v60, v59;
	[tilespmem:v0+s30+$0x0] =	vst.idx.msk $0xffff, v12;
	v11 =	vand.u32 $0x38, v51;
	v6 =	vor.u32 v6, v44  }
0x2ee: {  	v54 =	vand.u32 $0x28, v63;
	v0 =	vor.u32 v56, v37;
	v14 =	vld.idx.msk [tilespmem:v14+s19+$0x0], $0xffff;
	v11 =	vor.u32 v11, v40  }
0x2ef: {  	v9 =	vor.u32 v9, v40;
	v12 =	vshll.u32 v63, $0x7;
	v61 =	vor.u32 s2, v22;
	[tilespmem:v48+s30+$0x0] =	vst.idx.msk $0xffff, v58  }
0x2f0: {  	v63 =	vand.u32 $0x28, v62;
	v41 =	vshll.u32 v61, $0x7;
	v44 =	vld.idx.msk [tilespmem:v49+s19+$0x0], $0xffff;
	[tilespmem:v1+s30+$0x0] =	vst.idx.msk $0xffff, v5;
	v1 =	vshll.u32 v2, $0x7  }
0x2f1: {  	v49 =	vand.u32 $0x1400, v41;
	v2 =	vshll.u32 v51, $0x7;
	[tilespmem:v3+s30+$0x0] =	vst.idx.msk $0xffff, v8;
	v1 =	vand.u32 $0x1C00, v1;
	v8 =	vld [tilespmem:$0x1FFF0]  }
0x2f2: {  	v41 =	vor.u32 s12, v23;
	v2 =	vand.u32 $0x1C00, v2;
	v3 =	vld.idx.msk [tilespmem:v6+s19+$0x0], $0xffff;
	v1 =	vor.u32 v1, v45  }
0x2f3: {  	v12 =	vand.u32 $0x1400, v12;
	[tilespmem:v0+s30+$0x0] =	vst.idx.msk $0xffff, v14;
	v0 =	vshll.u32 v62, $0x7;
	v5 =	vld.idx.msk [tilespmem:v11+s19+$0x0], $0xffff;
	v2 =	vor.u32 v2, v41  }
0x2f4: {  	s10 =	smov.u32 s11;
	v48 =	vand.u32 $0x28, v61;
	v43 =	vor.u32 s12, v25;
	v0 =	vand.u32 $0x1400, v0  }
0x2f5: {  	v6 =	vor.u32 s10, v19;
	v11 =	vor.u32 v15, v41;
	v15 =	vor.u32 v63, v52  }
0x2f6: {  	v9 =	vld.idx.msk [tilespmem:v9+s19+$0x0], $0xffff;
	v62 =	vor.u32 v0, v50;
	v42 =	vor.u32 v8, v59;
	v8 =	vand.u32 $0x38, v6  }
0x2f7: {  	v0 =	vor.u32 s2, v26;
	v45 =	vor.u32 s12, v18;
	v8 =	vor.u32 v8, v42;
	[tilespmem:v1+s30+$0x0] =	vst.idx.msk $0xffff, v3  }
0x2f8: {  	v56 =	vand.u32 $0x28, v0;
	v57 =	vshll.u32 v0, $0x7;
	[tilespmem:v2+s30+$0x0] =	vst.idx.msk $0xffff, v5;
	v2 =	vshll.u32 v6, $0x7;
	v6 =	vld [tilespmem:$0x1FFB0]  }
0x2f9: {  	v0 =	vor.u32 v56, v53;
	v14 =	vor.u32 v54, v42;
	v54 =	vor.u32 s2, v27  }
0x2fa: {  	[tilespmem:v47+s30+$0x0] =	vst.idx.msk $0xffff, v44;
	v1 =	vand.u32 $0x1400, v57;
	v58 =	vand.u32 $0x28, v54;
	v5 =	vor.u32 s10, v22  }
0x2fb: {  	v46 =	vld.idx.msk [tilespmem:v46+s19+$0x0], $0xffff;
	[tilespmem:v11+s30+$0x0] =	vst.idx.msk $0xffff, v9;
	v9 =	vshll.u32 v54, $0x7;
	v63 =	vor.u32 v1, v33;
	v2 =	vand.u32 $0x1C00, v2  }
0x2fc: {  	v61 =	vor.u32 v58, v35;
	v1 =	vand.u32 $0x1400, v9;
	v2 =	vor.u32 v2, v43;
	v3 =	vld.idx.msk [tilespmem:v8+s19+$0x0], $0xffff  }
0x2fd: {  	v9 =	vor.u32 s2, v28;
	v44 =	vor.u32 v6, v59;
	v6 =	vand.u32 $0x38, v5  }
0x2fe: {  	v58 =	vor.u32 v1, v34;
	v1 =	vand.u32 $0x28, v9;
	v6 =	vor.u32 v6, v44  }
0x2ff: {  	v9 =	vshll.u32 v9, $0x7;
	v60 =	vor.u32 v1, v38;
	v8 =	vor.u32 v12, v43;
	v11 =	vld.idx.msk [tilespmem:v14+s19+$0x0], $0xffff  }
0x300: {  	v1 =	vand.u32 $0x1400, v9;
	v14 =	vor.u32 s2, v29;
	v12 =	vor.u32 v48, v44  }
0x301: {  	v56 =	vor.u32 v1, v36;
	v1 =	vand.u32 $0x28, v14;
	[tilespmem:v2+s30+$0x0] =	vst.idx.msk $0xffff, v3;
	v2 =	vshll.u32 v5, $0x7  }
0x302: {  	v57 =	vor.u32 v1, v39;
	v1 =	vshll.u32 v14, $0x7;
	v2 =	vand.u32 $0x1C00, v2  }
0x303: {  	[tilespmem:v55+s30+$0x0] =	vst.idx.msk $0xffff, v46;
	v1 =	vand.u32 $0x1400, v1;
	v5 =	vor.u32 s10, v24;
	v3 =	vld.idx.msk [tilespmem:v6+s19+$0x0], $0xffff;
	v2 =	vor.u32 v2, v45  }
0x304: {  	[tilespmem:v8+s30+$0x0] =	vst.idx.msk $0xffff, v11;
	v11 =	vor.u32 s2, v30;
	v9 =	vand.u32 $0x38, v5;
	v6 =	vor.u32 v49, v45  }
0x305: {  	v8 =	vor.u32 v9, v52;
	v9 =	vld.idx.msk [tilespmem:v12+s19+$0x0], $0xffff;
	v12 =	vand.u32 $0x28, v11;
	v11 =	vshll.u32 v11, $0x7  }
0x306: {  	s13 =	sadd.s32 $0x2, s13;
	v54 =	vor.u32 v1, v37;
	v52 =	vor.u32 s10, v26;
	v1 =	vand.u32 $0x1400, v11  }
0x307: {  	p0 =	slt.u32 s13, $0x1E;
	v51 =	vor.u32 v12, v40;
	v11 =	vor.u32 s2, v31;
	v48 =	vor.u32 v1, v41  }
.Ltmp3:
0x308: {  	v1 =	vshll.u32 v5, $0x7;
	v5 =	vshll.u32 v11, $0x7;
	[tilespmem:v2+s30+$0x0] =	vst.idx.msk $0xffff, v3;
	v3 =	vand.u32 $0x28, v11;
	(pc) =	sbr.rel @p0 .LBB2_9-.Ltmp3, $4  }
0x309: {  	v1 =	vand.u32 $0x1C00, v1;
	v49 =	vor.u32 v3, v42;
	v3 =	vand.u32 $0x38, v52  }
0x30a: {  	v1 =	vor.u32 v1, v50;
	[tilespmem:v6+s30+$0x0] =	vst.idx.msk $0xffff, v9;
	v6 =	vor.u32 s2, v32;
	v59 =	vor.u32 v3, v53  }
0x30b: {  	v2 =	vld.idx.msk [tilespmem:v8+s19+$0x0], $0xffff;
	v3 =	vand.u32 $0x1400, v5;
	v5 =	vand.u32 $0x28, v6;
	v6 =	vshll.u32 v6, $0x7  }
0x30c: {  	s31 =	sadd.s32 $0x20, s31;
	s0 =	sadd.s32 $0x8, s0;
	v53 =	vld.idx.msk [tilespmem:v15+s19+$0x0], $0xffff;
	v47 =	vor.u32 v3, v43;
	v46 =	vor.u32 v5, v44;
	v50 =	vand.u32 $0x1400, v6  }
0x30d: {  	_ =	sdelay $0x2  }
0x30e: {  	v3 =	vshll.u32 v52, $0x7  }
0x30f: {  	[tilespmem:v1+s30+$0x0] =	vst.idx.msk $0xffff, v2;
	v1 =	vor.u32 s10, v27;
	v2 =	vand.u32 $0x1C00, v3  }
0x310: {  	v3 =	vld.idx.msk [tilespmem:v59+s19+$0x0], $0xffff;
	v2 =	vor.u32 v2, v33;
	v5 =	vand.u32 $0x38, v1;
	[tilespmem:v62+s30+$0x0] =	vst.idx.msk $0xffff, v53  }
0x311: {  	v5 =	vor.u32 v5, v35;
	v0 =	vld.idx.msk [tilespmem:v0+s19+$0x0], $0xffff;
	_ =	sdelay $0x2  }
0x312: {  	v1 =	vshll.u32 v1, $0x7  }
0x313: {  	v1 =	vand.u32 $0x1C00, v1;
	[tilespmem:v2+s30+$0x0] =	vst.idx.msk $0xffff, v3;
	v2 =	vor.u32 s10, v28  }
0x314: {  	v1 =	vor.u32 v1, v34;
	v3 =	vld.idx.msk [tilespmem:v5+s19+$0x0], $0xffff;
	v5 =	vand.u32 $0x38, v2;
	[tilespmem:v63+s30+$0x0] =	vst.idx.msk $0xffff, v0  }
0x315: {  	v0 =	vor.u32 v5, v38;
	v5 =	vld.idx.msk [tilespmem:v61+s19+$0x0], $0xffff;
	_ =	sdelay $0x2  }
0x316: {  	v2 =	vshll.u32 v2, $0x7  }
0x317: {  	v2 =	vand.u32 $0x1C00, v2;
	[tilespmem:v1+s30+$0x0] =	vst.idx.msk $0xffff, v3;
	v1 =	vor.u32 s10, v29  }
0x318: {  	v2 =	vor.u32 v2, v36;
	v0 =	vld.idx.msk [tilespmem:v0+s19+$0x0], $0xffff;
	v3 =	vand.u32 $0x38, v1;
	[tilespmem:v58+s30+$0x0] =	vst.idx.msk $0xffff, v5  }
0x319: {  	v3 =	vor.u32 v3, v39;
	v5 =	vld.idx.msk [tilespmem:v60+s19+$0x0], $0xffff;
	_ =	sdelay $0x2  }
0x31a: {  	v1 =	vshll.u32 v1, $0x7  }
0x31b: {  	v1 =	vand.u32 $0x1C00, v1;
	[tilespmem:v2+s30+$0x0] =	vst.idx.msk $0xffff, v0;
	v0 =	vor.u32 s10, v30  }
0x31c: {  	v1 =	vor.u32 v1, v37;
	v2 =	vld.idx.msk [tilespmem:v3+s19+$0x0], $0xffff;
	v3 =	vand.u32 $0x38, v0;
	[tilespmem:v56+s30+$0x0] =	vst.idx.msk $0xffff, v5  }
0x31d: {  	v3 =	vor.u32 v3, v40;
	v5 =	vld.idx.msk [tilespmem:v57+s19+$0x0], $0xffff;
	_ =	sdelay $0x2  }
0x31e: {  	v0 =	vshll.u32 v0, $0x7  }
0x31f: {  	v0 =	vand.u32 $0x1C00, v0;
	[tilespmem:v1+s30+$0x0] =	vst.idx.msk $0xffff, v2;
	v1 =	vor.u32 s10, v31  }
0x320: {  	v0 =	vor.u32 v0, v41;
	v2 =	vld.idx.msk [tilespmem:v3+s19+$0x0], $0xffff;
	v3 =	vand.u32 $0x38, v1;
	[tilespmem:v54+s30+$0x0] =	vst.idx.msk $0xffff, v5  }
0x321: {  	v3 =	vor.u32 v3, v42;
	v5 =	vld.idx.msk [tilespmem:v51+s19+$0x0], $0xffff;
	_ =	sdelay $0x2  }
0x322: {  	v1 =	vshll.u32 v1, $0x7  }
0x323: {  	v1 =	vand.u32 $0x1C00, v1;
	[tilespmem:v0+s30+$0x0] =	vst.idx.msk $0xffff, v2;
	v0 =	vor.u32 s10, v32  }
0x324: {  	v1 =	vor.u32 v1, v43;
	v2 =	vld.idx.msk [tilespmem:v3+s19+$0x0], $0xffff;
	v3 =	vand.u32 $0x38, v0;
	[tilespmem:v48+s30+$0x0] =	vst.idx.msk $0xffff, v5  }
0x325: {  	v3 =	vor.u32 v3, v44;
	v5 =	vld.idx.msk [tilespmem:v49+s19+$0x0], $0xffff;
	_ =	sdelay $0x2  }
0x326: {  	v0 =	vshll.u32 v0, $0x7  }
0x327: {  	v0 =	vand.u32 $0x1C00, v0;
	[tilespmem:v1+s30+$0x0] =	vst.idx.msk $0xffff, v2  }
0x328: {  	v0 =	vor.u32 v0, v45;
	v1 =	vld.idx.msk [tilespmem:v3+s19+$0x0], $0xffff;
	[tilespmem:v47+s30+$0x0] =	vst.idx.msk $0xffff, v5  }
0x329: {  	v2 =	vor.u32 v50, v45;
	v3 =	vld.idx.msk [tilespmem:v46+s19+$0x0], $0xffff;
	_ =	sdelay $0x3  }
0x32a: {  	s18 =	sadd.s32 $0x1, s18;
	[tilespmem:v0+s30+$0x0] =	vst.idx.msk $0xffff, v1  }
0x32b: {  	p0 =	sne.s32 s18, $0x32;
	[tilespmem:v2+s30+$0x0] =	vst.idx.msk $0xffff, v3  }
.Ltmp4:
0x32c: {  	v5 =	vld [tilespmem:$0x1FFC0];
	(pc) =	sbr.rel @p0 .LBB2_2-.Ltmp4, $4  }
0x32d: {  	s0 =	sadd.s32 @!p1 $0x380, s3;
	s2 =	simm.s32 @!p1 $0x80;
	s3 =	simm.s32 @!p1 $0xC400;
	v8 =	vld [tilespmem:$0x1FFD0]  }
0x32e: {  	[tilespmem:s3], [sflag:$0x4] =	stream.indirect.gather @!p1 [hbm4b:s4+s2], $0x40, s0, s2, $0xb8;
	v3 =	vld [tilespmem:$0x1FFE0]  }
0x32f: {  	s31 =	sadd.s32 s5, s9;
	v14 =	vld [tilespmem:$0x1FFF0]  }
0x330: {  	v9 =	vlaneseq.u32;
	v6 =	vmovc v20;
	v11 =	vmovc v21;
	v12 =	vmov v23;
	v15 =	vmov v25;
	v18 =	vld [tilespmem:$0x1FFB0];
	[hbm4b:s31+s22] =	stream.strided.scatter [tilespmem:s30], [sflag:$0x8], $0x2000, s23, s22, $0x38  }
0x331: {  	s0 =	simm.s32 $0x5  }
0x332: {  	_ =	swait.ge [sflag:s0], $0x2000  }
0x333: {  	[sflag:s0] =	ssyncset.done $0x0  }
0x334: {  	s13 =	simm.s32 $0x6;
	[sflag:s0] =	ssyncadd.s32 $0xFFFFE000  }
0x335: {  	_ =	swait.ge [sflag:s13], $0x2000  }
0x336: {  	[sflag:s13] =	ssyncset.done $0x0  }
0x337: {  	s18 =	simm.s32 $0x7;
	[sflag:s13] =	ssyncadd.s32 $0xFFFFE000  }
0x338: {  	_ =	swait.ge [sflag:s18], $0x2000  }
0x339: {  	[sflag:s18] =	ssyncset.done $0x0  }
0x33a: {  	s2 =	simm.s32 $0x8;
	[sflag:s18] =	ssyncadd.s32 $0xFFFFE000  }
0x33b: {  	_ =	swait.ge [sflag:s2], $0x2000  }
0x33c: {  	s16 =	sadd.s32 $0x1, s16;
	s31 =	rddreg [dreg:$0x4]  }
0x33d: {  	p0 =	sne.s32 s16, s31  }
.Ltmp5:
0x33e: {  	_ = 	snop;
	(pc) =	sbr.rel @p0 .LBB2_1-.Ltmp5, $3  }
0x33f: {  	_ =	sdelay $0x1  }
0x340: {  	[sflag:s2] =	ssyncset.done $0x0  }
0x341: {  	[sflag:s2] =	ssyncadd.s32 $0xFFFFE000  }
0x342: {  	_ =	sfence.sel $0x180000  }
0x343: {  	[bflag:$0x0] =	sbarrier.arrive $0xFFFF  }
0x344: {  	_ =	strace $0x90000047  }
0x345: {  	s0 =	stileid.u32;
	[bflag:$0x2] =	sbarrier.arrive $0xFFFF  }
0x346: {  	p0 =	sne.s32 s0, $0x0;
	s0 =	rddreg [dreg:$0x2]  }
0x347: {  	s0 =	sadd.s32 @!p0 $0x100000, s0  }
0x348: {  	[sflag:s0] =	ssyncadd.tile.s32 @!p0 $0x1;
	_ =	shalt  }
.Lfunc_end2:
_tile_overlayer_lowered:
.L_overlay_start_2:
0x349: {  	(tag) =	ssettag $0x2  }
0x34a: {  	s0 =	rddreg [dreg:$0x0];
	s2 =	stileid.u32  }
0x34b: {  	s1 =	rddreg [dreg:$0x1];
	p0 =	sne.s32 s2, $0x0  }
0x34c: {  	s3 =	rddreg [dreg:$0x2];
	[bflag:$0x3] =	sbarrier.arrive $0xFFFF;
	s2 =	simm.s32 @!p0 $0x1C09  }
0x34d: {  	[timem:s3], [sflag:s2] =	dma.local @!p0 [hbm:s0], s1  }
0x34e: {  	s0 =	simm.s32 @!p0 $0x9  }
0x34f: {  	_ =	swait.ge @!p0 [sflag:s0], s1  }
0x350: {  	s1 =	ssub.s32 @!p0 $0x0, s1;
	[sflag:s0] =	ssyncset.done @!p0 $0x0  }
0x351: {  	[sflag:s0] =	ssyncadd.s32 @!p0 s1  }
0x352: {  	[bflag:$0x3] =	sbarrier.arrive $0xFFFF  }
0x353: {  	_ =	shalt  }

</sc_bundles>
